<compile_context>
chip_gen: v7x
topology: tpu7x:2x2x1
jax: 0.10.2.dev20260603
libtpu: 0.0.44.dev20260713+nightly
codegen_flags: <defaults>
</compile_context>

<pallas_src>
import functools

import jax
import jax.numpy as jnp
from jax import lax
from jax.experimental import pallas as pl
from jax.experimental.pallas import tpu as pltpu
from jax.experimental.pallas import tpu_sc as plsc

DIM = 10000
SIZE = 32
LEVELS = 256
BATCH = 64
DPAD = 10240

NW = 32
CPW = 160
DSC = NW * CPW
XG = 16
NXG = SIZE // XG
NCP = 2
CPASS = CPW // (16 * NCP)

DTC = DPAD - DSC
DBLK = 512


def _sc_encode(img_r, vt_r, xt_r, yt_r):
    mesh = plsc.VectorSubcoreMesh(core_axis_name="c", subcore_axis_name="s")

    @functools.partial(
        pl.kernel,
        mesh=mesh,
        out_type=jax.ShapeDtypeStruct((NW, BATCH, CPW), jnp.float32),
        scratch_types=[
            pltpu.VMEM((LEVELS, CPW), jnp.float32),
            pltpu.VMEM((SIZE, CPW), jnp.float32),
            pltpu.VMEM((CPW,), jnp.float32),
            pltpu.VMEM((BATCH, CPW), jnp.float32),
            pltpu.VMEM((BATCH, SIZE), jnp.int32),
            pltpu.SemaphoreType.DMA,
            pltpu.SemaphoreType.DMA,
        ],
        compiler_params=pltpu.CompilerParams(use_tc_tiling_on_sc=False),
    )
    def enc(img_hbm, vt_hbm, xt_hbm, yt_hbm, out_hbm,
            vt_s, xt_s, yt_row, acc_s, idx_s, sem1, sem2):
        w = lax.axis_index("s") * 2 + lax.axis_index("c")
        cp1 = pltpu.async_copy(vt_hbm.at[:, pl.ds(w * CPW, CPW)], vt_s, sem1)
        cp2 = pltpu.async_copy(xt_hbm.at[:, pl.ds(w * CPW, CPW)], xt_s, sem2)

        zero = jnp.zeros((16,), jnp.float32)

        @pl.loop(0, BATCH)
        def _(b):
            for c in range(CPW // 16):
                acc_s[b, pl.ds(c * 16, 16)] = zero

        cp1.wait()
        cp2.wait()

        @pl.loop(0, SIZE)
        def _(y):
            pltpu.sync_copy(img_hbm.at[y], idx_s)
            pltpu.sync_copy(yt_hbm.at[y, pl.ds(w * CPW, CPW)], yt_row)

            @pl.loop(0, CPASS)
            def _(cp):
                cbase = cp * (16 * NCP)
                for xg in range(NXG):
                    wv = [[xt_s[xg * XG + p, pl.ds(cbase + c * 16, 16)]
                           * yt_row[pl.ds(cbase + c * 16, 16)]
                           for c in range(NCP)]
                          for p in range(XG)]
                    lane0 = (xg * XG) % 16

                    @plsc.parallel_loop(0, BATCH)
                    def _(b):
                        lvec = idx_s[b, pl.ds((xg * XG // 16) * 16, 16)]
                        for c in range(NCP):
                            acc = None
                            for p in range(XG):
                                term = (vt_s[lvec[lane0 + p],
                                             pl.ds(cbase + c * 16, 16)]
                                        * wv[p][c])
                                acc = term if acc is None else acc + term
                            plsc.addupdate(
                                acc_s.at[b, pl.ds(cbase + c * 16, 16)], acc)

        one = jnp.full((16,), 1.0, jnp.float32)
        mone = jnp.full((16,), -1.0, jnp.float32)

        @pl.loop(0, BATCH)
        def _(b):
            for c in range(CPW // 16):
                v = acc_s[b, pl.ds(c * 16, 16)]
                acc_s[b, pl.ds(c * 16, 16)] = jnp.where(v > 0.0, one, mone)

        pltpu.sync_copy(acc_s, out_hbm.at[w])

    return enc(img_r, vt_r, xt_r, yt_r)


def _tc_encode(img_flat, vt_hi, vt_lo, xt, yt):
    nblk = DTC // DBLK

    def body(img_ref, hi_ref, lo_ref, xt_ref, yt_ref, out_ref, acc_ref):
        lane_iota = lax.broadcasted_iota(jnp.int32, (SIZE * BATCH, LEVELS), 1)

        def y_step(y, _):
            onehot = (img_ref[y] == lane_iota).astype(jnp.bfloat16)

            def d_step(j, _):
                hi = hi_ref[:, pl.ds(j * DBLK, DBLK)]
                lo = lo_ref[:, pl.ds(j * DBLK, DBLK)]
                v = jnp.dot(onehot, hi, preferred_element_type=jnp.float32)
                v = v + jnp.dot(onehot, lo, preferred_element_type=jnp.float32)
                w = (xt_ref[:, pl.ds(j * DBLK, DBLK)]
                     * yt_ref[y, pl.ds(j * DBLK, DBLK)][None, :])
                part = (v.reshape(SIZE, BATCH, DBLK) * w[:, None, :]).sum(axis=0)
                acc_ref[:, pl.ds(j * DBLK, DBLK)] += part
                return 0

            lax.fori_loop(0, nblk, d_step, 0)
            return 0

        acc_ref[...] = jnp.zeros_like(acc_ref)
        lax.fori_loop(0, SIZE, y_step, 0)
        out_ref[...] = jnp.where(acc_ref[...] > 0.0, 1.0, -1.0).astype(
            jnp.float32)

    return pl.pallas_call(
        body,
        out_shape=jax.ShapeDtypeStruct((BATCH, DTC), jnp.float32),
        scratch_shapes=[pltpu.VMEM((BATCH, DTC), jnp.float32)],
        compiler_params=pltpu.CompilerParams(
            vmem_limit_bytes=100 * 1024 * 1024),
    )(img_flat, vt_hi, vt_lo, xt, yt)


def kernel(x, value_table, x_table, y_table):
    img = x.reshape(BATCH, SIZE, SIZE).astype(jnp.int32)
    img_r = img.transpose(1, 0, 2)
    img_flat = img.transpose(1, 2, 0).reshape(SIZE, SIZE * BATCH, 1)


    pad = DPAD - DIM
    vt_tc = jnp.pad(value_table[:, DSC:], ((0, 0), (0, pad)))
    xt_tc = jnp.pad(x_table[:, DSC:], ((0, 0), (0, pad)))
    yt_tc = jnp.pad(y_table[:, DSC:], ((0, 0), (0, pad)))
    hi_f32 = lax.bitcast_convert_type(
        lax.bitcast_convert_type(vt_tc, jnp.uint32) & jnp.uint32(0xFFFF0000),
        jnp.float32)
    vt_hi = hi_f32.astype(jnp.bfloat16)
    vt_lo = (vt_tc - hi_f32).astype(jnp.bfloat16)

    sc_out = _sc_encode(img_r, value_table, x_table, y_table)
    tc_out = _tc_encode(img_flat, vt_hi, vt_lo, xt_tc, yt_tc)

    sc_flat = sc_out.transpose(1, 0, 2).reshape(BATCH, DSC)
    return jnp.concatenate([sc_flat, tc_out], axis=1)[:, :DIM]

# --- scband reference (transcript-rebuilt; emitter-appended) ---
"""Pipeline reference for scband-encoder-85246510891067 (READ-ONLY COPY).

The authoritative reference and input builder live on the scoring server;
editing this copy changes nothing except your own understanding.
"""

import jax, jax.numpy as jnp
import numpy as np

DIM = 10000
SIZE = 32
LEVELS = 256
BATCH = 64


def setup_inputs(seed: int = 0) -> dict:
    key = jax.random.key(seed)
    k1, k2, k3, k4 = jax.random.split(key, 4)
    # image: integer pixel levels in [0, LEVELS), stored as float32 (module casts to long)
    x = jax.random.randint(k1, (BATCH, 1, SIZE, SIZE), 0, LEVELS).astype(jnp.float32)
    # torchhd embeddings.Level tables (learned/random level hypervectors)
    value_table = jax.random.normal(k2, (LEVELS, DIM), dtype=jnp.float32)
    x_table = jax.random.normal(k3, (SIZE, DIM), dtype=jnp.float32)
    y_table = jax.random.normal(k4, (SIZE, DIM), dtype=jnp.float32)
    return {"x": x, "value_table": value_table, "x_table": x_table, "y_table": y_table}


def reference(x, value_table, x_table, y_table):
    # pixel_encoding: for each pixel, bind(value_hv, x_hv, y_hv) and accumulate.
    # torchhd.bind for MAP VSA is elementwise multiply.
    # The original python double loop is vectorized per image row (same math,
    # same accumulation order over y; within-row sum is associative fp-add).
    b = x.shape[0]
    h = x.shape[2]
    w = x.shape[3]
    img = x.reshape(b, -1).astype(jnp.int32)  # channels=1 -> [B, H*W]
    acc = jnp.zeros((b, value_table.shape[1]), dtype=jnp.float32)
    for y in range(h):
        idx = img[:, y * w:(y + 1) * w]                       # [B, W] pixel values
        vhv = jnp.take(value_table, idx, axis=0)              # [B, W, D] gather
        phv = vhv * x_table[None, :w, :] * y_table[y][None, None, :]
        acc = acc + jnp.sum(phv, axis=1)                      # accumulate row
    # torchhd.hard_quantize: sign -> {+1, -1}
    return jnp.where(acc > 0, 1.0, -1.0).astype(jnp.float32)

if __name__ == "__main__":
    import jax
    _d = setup_inputs()
    print(jax.jit(kernel)(*tuple(_d.values())))

</pallas_src>

<mosaic_0001>
#map = affine_map<(d0, d1) -> (0, 0, 0)>
#map1 = affine_map<(d0, d1) -> (0, 0)>
module attributes {stable_mosaic.version = 14 : i64} {
  func.func @enc(%arg0: i32, %arg1: i32, %arg2: memref<32x64x32xi32, #tpu.memory_space<hbm>>, %arg3: memref<256x10000xf32, #tpu.memory_space<hbm>>, %arg4: memref<32x10000xf32, #tpu.memory_space<hbm>>, %arg5: memref<32x10000xf32, #tpu.memory_space<hbm>>, %arg6: memref<32x64x160xf32, #tpu.memory_space<hbm>>, %arg7: memref<256x160xf32, #tpu.memory_space<vmem>>, %arg8: memref<32x160xf32, #tpu.memory_space<vmem>>, %arg9: memref<160xf32, #tpu.memory_space<vmem>>, %arg10: memref<64x160xf32, #tpu.memory_space<vmem>>, %arg11: memref<64x32xi32, #tpu.memory_space<vmem>>, %arg12: memref<!tpu.dma_semaphore, #tpu.memory_space<semaphore_mem>>, %arg13: memref<!tpu.dma_semaphore, #tpu.memory_space<semaphore_mem>>) attributes {dimension_semantics = [#tpu.dimension_semantics<core_parallel>, #tpu.dimension_semantics<subcore_parallel>], iteration_bounds = array<i64: 2, 16>, scalar_prefetch = 0 : i64, scratch_operands = 7 : i64, tpu.core_type = #tpu.core_type<sc_vector_subcore>, window_params = [{transform_indices = #map}, {transform_indices = #map1}, {transform_indices = #map1}, {transform_indices = #map1}, {transform_indices = #map}]} {
    %mul3A = arith.constant 2 : i32
    %mul3A_0 = arith.muli %arg1, %mul3A : i32
    %add3A = arith.addi %mul3A_0, %arg0 : i32
    %mul3A_1 = arith.constant 160 : i32
    %mul3A_2 = arith.muli %add3A, %mul3A_1 : i32
    %dma_start3A = arith.constant 0 : i32
    %dma_start3A_3 = tpu.memref_slice %arg3[%dma_start3A, %mul3A_2] : memref<256x10000xf32, #tpu.memory_space<hbm>> -> memref<256x160xf32, #tpu.memory_space<hbm>>
    %dma_start3A_4 = arith.constant 0 : i32
    %dma_start3A_5 = tpu.memref_slice %arg3[%dma_start3A_4, %mul3A_2] : memref<256x10000xf32, #tpu.memory_space<hbm>> -> memref<256x160xf32, #tpu.memory_space<hbm>>
    tpu.enqueue_dma source(%dma_start3A_5 : memref<256x160xf32, #tpu.memory_space<hbm>>) target(%arg7 : memref<256x160xf32, #tpu.memory_space<vmem>>) target_semaphore(%arg12 : memref<!tpu.dma_semaphore, #tpu.memory_space<semaphore_mem>>)
    %mul3A_6 = arith.constant 160 : i32
    %mul3A_7 = arith.muli %add3A, %mul3A_6 : i32
    %dma_start3A_8 = arith.constant 0 : i32
    %dma_start3A_9 = tpu.memref_slice %arg4[%dma_start3A_8, %mul3A_7] : memref<32x10000xf32, #tpu.memory_space<hbm>> -> memref<32x160xf32, #tpu.memory_space<hbm>>
    %dma_start3A_10 = arith.constant 0 : i32
    %dma_start3A_11 = tpu.memref_slice %arg4[%dma_start3A_10, %mul3A_7] : memref<32x10000xf32, #tpu.memory_space<hbm>> -> memref<32x160xf32, #tpu.memory_space<hbm>>
    tpu.enqueue_dma source(%dma_start3A_11 : memref<32x160xf32, #tpu.memory_space<hbm>>) target(%arg8 : memref<32x160xf32, #tpu.memory_space<vmem>>) target_semaphore(%arg13 : memref<!tpu.dma_semaphore, #tpu.memory_space<semaphore_mem>>)
    %broadcast_in_dim3A = arith.constant 0.000000e+00 : f32
    %broadcast_in_dim3A_12 = vector.broadcast %broadcast_in_dim3A : f32 to vector<16xf32>
    %scan3A = arith.constant 0 : i32
    %scan3A_13 = arith.constant 64 : i32
    %scan3A_14 = arith.addi %scan3A, %scan3A_13 : i32
    %scan3A_15 = arith.constant 1 : i32
    scf.for %scan3A_38 = %scan3A to %scan3A_14 step %scan3A_15  : i32 {
      %mul3A_39 = arith.constant 1 : i32
      %mul3A_40 = arith.muli %scan3A_38, %mul3A_39 : i32
      %add3A_41 = arith.constant 0 : i32
      %add3A_42 = arith.addi %add3A_41, %mul3A_40 : i32
      %swap3A = arith.index_cast %add3A_42 : i32 to index
      %swap3A_43 = arith.constant 0 : index
      %swap3A_44 = tpu.vector_load %arg10[%swap3A, %swap3A_43] {strides = array<i32>} : memref<64x160xf32, #tpu.memory_space<vmem>>, vector<1x16xf32>,
      %swap3A_45 = vector.shape_cast %swap3A_44 : vector<1x16xf32> to vector<16xf32>
      %swap3A_46 = vector.shape_cast %broadcast_in_dim3A_12 : vector<16xf32> to vector<1x16xf32>
      tpu.vector_store %arg10[%swap3A, %swap3A_43], %swap3A_46 {strides = array<i32>} : memref<64x160xf32, #tpu.memory_space<vmem>>, vector<1x16xf32>,
      %swap3A_47 = arith.index_cast %add3A_42 : i32 to index
      %swap3A_48 = arith.constant 16 : index
      %swap3A_49 = tpu.vector_load %arg10[%swap3A_47, %swap3A_48] {strides = array<i32>} : memref<64x160xf32, #tpu.memory_space<vmem>>, vector<1x16xf32>,
      %swap3A_50 = vector.shape_cast %swap3A_49 : vector<1x16xf32> to vector<16xf32>
      %swap3A_51 = vector.shape_cast %broadcast_in_dim3A_12 : vector<16xf32> to vector<1x16xf32>
      tpu.vector_store %arg10[%swap3A_47, %swap3A_48], %swap3A_51 {strides = array<i32>} : memref<64x160xf32, #tpu.memory_space<vmem>>, vector<1x16xf32>,
      %swap3A_52 = arith.index_cast %add3A_42 : i32 to index
      %swap3A_53 = arith.constant 32 : index
      %swap3A_54 = tpu.vector_load %arg10[%swap3A_52, %swap3A_53] {strides = array<i32>} : memref<64x160xf32, #tpu.memory_space<vmem>>, vector<1x16xf32>,
      %swap3A_55 = vector.shape_cast %swap3A_54 : vector<1x16xf32> to vector<16xf32>
      %swap3A_56 = vector.shape_cast %broadcast_in_dim3A_12 : vector<16xf32> to vector<1x16xf32>
      tpu.vector_store %arg10[%swap3A_52, %swap3A_53], %swap3A_56 {strides = array<i32>} : memref<64x160xf32, #tpu.memory_space<vmem>>, vector<1x16xf32>,
      %swap3A_57 = arith.index_cast %add3A_42 : i32 to index
      %swap3A_58 = arith.constant 48 : index
      %swap3A_59 = tpu.vector_load %arg10[%swap3A_57, %swap3A_58] {strides = array<i32>} : memref<64x160xf32, #tpu.memory_space<vmem>>, vector<1x16xf32>,
      %swap3A_60 = vector.shape_cast %swap3A_59 : vector<1x16xf32> to vector<16xf32>
      %swap3A_61 = vector.shape_cast %broadcast_in_dim3A_12 : vector<16xf32> to vector<1x16xf32>
      tpu.vector_store %arg10[%swap3A_57, %swap3A_58], %swap3A_61 {strides = array<i32>} : memref<64x160xf32, #tpu.memory_space<vmem>>, vector<1x16xf32>,
      %swap3A_62 = arith.index_cast %add3A_42 : i32 to index
      %swap3A_63 = arith.constant 64 : index
      %swap3A_64 = tpu.vector_load %arg10[%swap3A_62, %swap3A_63] {strides = array<i32>} : memref<64x160xf32, #tpu.memory_space<vmem>>, vector<1x16xf32>,
      %swap3A_65 = vector.shape_cast %swap3A_64 : vector<1x16xf32> to vector<16xf32>
      %swap3A_66 = vector.shape_cast %broadcast_in_dim3A_12 : vector<16xf32> to vector<1x16xf32>
      tpu.vector_store %arg10[%swap3A_62, %swap3A_63], %swap3A_66 {strides = array<i32>} : memref<64x160xf32, #tpu.memory_space<vmem>>, vector<1x16xf32>,
      %swap3A_67 = arith.index_cast %add3A_42 : i32 to index
      %swap3A_68 = arith.constant 80 : index
      %swap3A_69 = tpu.vector_load %arg10[%swap3A_67, %swap3A_68] {strides = array<i32>} : memref<64x160xf32, #tpu.memory_space<vmem>>, vector<1x16xf32>,
      %swap3A_70 = vector.shape_cast %swap3A_69 : vector<1x16xf32> to vector<16xf32>
      %swap3A_71 = vector.shape_cast %broadcast_in_dim3A_12 : vector<16xf32> to vector<1x16xf32>
      tpu.vector_store %arg10[%swap3A_67, %swap3A_68], %swap3A_71 {strides = array<i32>} : memref<64x160xf32, #tpu.memory_space<vmem>>, vector<1x16xf32>,
      %swap3A_72 = arith.index_cast %add3A_42 : i32 to index
      %swap3A_73 = arith.constant 96 : index
      %swap3A_74 = tpu.vector_load %arg10[%swap3A_72, %swap3A_73] {strides = array<i32>} : memref<64x160xf32, #tpu.memory_space<vmem>>, vector<1x16xf32>,
      %swap3A_75 = vector.shape_cast %swap3A_74 : vector<1x16xf32> to vector<16xf32>
      %swap3A_76 = vector.shape_cast %broadcast_in_dim3A_12 : vector<16xf32> to vector<1x16xf32>
      tpu.vector_store %arg10[%swap3A_72, %swap3A_73], %swap3A_76 {strides = array<i32>} : memref<64x160xf32, #tpu.memory_space<vmem>>, vector<1x16xf32>,
      %swap3A_77 = arith.index_cast %add3A_42 : i32 to index
      %swap3A_78 = arith.constant 112 : index
      %swap3A_79 = tpu.vector_load %arg10[%swap3A_77, %swap3A_78] {strides = array<i32>} : memref<64x160xf32, #tpu.memory_space<vmem>>, vector<1x16xf32>,
      %swap3A_80 = vector.shape_cast %swap3A_79 : vector<1x16xf32> to vector<16xf32>
      %swap3A_81 = vector.shape_cast %broadcast_in_dim3A_12 : vector<16xf32> to vector<1x16xf32>
      tpu.vector_store %arg10[%swap3A_77, %swap3A_78], %swap3A_81 {strides = array<i32>} : memref<64x160xf32, #tpu.memory_space<vmem>>, vector<1x16xf32>,
      %swap3A_82 = arith.index_cast %add3A_42 : i32 to index
      %swap3A_83 = arith.constant 128 : index
      %swap3A_84 = tpu.vector_load %arg10[%swap3A_82, %swap3A_83] {strides = array<i32>} : memref<64x160xf32, #tpu.memory_space<vmem>>, vector<1x16xf32>,
      %swap3A_85 = vector.shape_cast %swap3A_84 : vector<1x16xf32> to vector<16xf32>
      %swap3A_86 = vector.shape_cast %broadcast_in_dim3A_12 : vector<16xf32> to vector<1x16xf32>
      tpu.vector_store %arg10[%swap3A_82, %swap3A_83], %swap3A_86 {strides = array<i32>} : memref<64x160xf32, #tpu.memory_space<vmem>>, vector<1x16xf32>,
      %swap3A_87 = arith.index_cast %add3A_42 : i32 to index
      %swap3A_88 = arith.constant 144 : index
      %swap3A_89 = tpu.vector_load %arg10[%swap3A_87, %swap3A_88] {strides = array<i32>} : memref<64x160xf32, #tpu.memory_space<vmem>>, vector<1x16xf32>,
      %swap3A_90 = vector.shape_cast %swap3A_89 : vector<1x16xf32> to vector<16xf32>
      %swap3A_91 = vector.shape_cast %broadcast_in_dim3A_12 : vector<16xf32> to vector<1x16xf32>
      tpu.vector_store %arg10[%swap3A_87, %swap3A_88], %swap3A_91 {strides = array<i32>} : memref<64x160xf32, #tpu.memory_space<vmem>>, vector<1x16xf32>,
    }
    %scan3A_16 = arith.constant 64 : i32
    %dma_wait3A = arith.constant 0 : i32
    %dma_wait3A_17 = tpu.memref_slice %arg3[%dma_wait3A, %mul3A_2] : memref<256x10000xf32, #tpu.memory_space<hbm>> -> memref<256x160xf32, #tpu.memory_space<hbm>>
    %dma_wait3A_18 = arith.constant 0 : i32
    %dma_wait3A_19 = tpu.memref_slice %arg3[%dma_wait3A_18, %mul3A_2] : memref<256x10000xf32, #tpu.memory_space<hbm>> -> memref<256x160xf32, #tpu.memory_space<hbm>>
    tpu.wait_dma2 semaphore(%arg12 : memref<!tpu.dma_semaphore, #tpu.memory_space<semaphore_mem>>) src(%dma_wait3A_19 : memref<256x160xf32, #tpu.memory_space<hbm>>) dst(%arg7 : memref<256x160xf32, #tpu.memory_space<vmem>>)
    %dma_wait3A_20 = arith.constant 0 : i32
    %dma_wait3A_21 = tpu.memref_slice %arg4[%dma_wait3A_20, %mul3A_7] : memref<32x10000xf32, #tpu.memory_space<hbm>> -> memref<32x160xf32, #tpu.memory_space<hbm>>
    %dma_wait3A_22 = arith.constant 0 : i32
    %dma_wait3A_23 = tpu.memref_slice %arg4[%dma_wait3A_22, %mul3A_7] : memref<32x10000xf32, #tpu.memory_space<hbm>> -> memref<32x160xf32, #tpu.memory_space<hbm>>
    tpu.wait_dma2 semaphore(%arg13 : memref<!tpu.dma_semaphore, #tpu.memory_space<semaphore_mem>>) src(%dma_wait3A_23 : memref<32x160xf32, #tpu.memory_space<hbm>>) dst(%arg8 : memref<32x160xf32, #tpu.memory_space<vmem>>)
    %scan3A_24 = arith.constant 0 : i32
    %scan3A_25 = arith.constant 32 : i32
    %scan3A_26 = arith.addi %scan3A_24, %scan3A_25 : i32
    %scan3A_27 = arith.constant 1 : i32
    scf.for %scan3A_38 = %scan3A_24 to %scan3A_26 step %scan3A_27  : i32 {
      %mul3A_39 = arith.constant 1 : i32
      %mul3A_40 = arith.muli %scan3A_38, %mul3A_39 : i32
      %add3A_41 = arith.constant 0 : i32
      %add3A_42 = arith.addi %add3A_41, %mul3A_40 : i32
      "tpu.region"() ({
        %run_scoped3A = tpu.sem_alloc : memref<!tpu.dma_semaphore, #tpu.memory_space<semaphore_mem>>
        %dma_start3A_50 = arith.constant 0 : i32
        %dma_start3A_51 = arith.constant 0 : i32
        %dma_start3A_52 = tpu.memref_slice %arg2[%add3A_42, %dma_start3A_50, %dma_start3A_51] : memref<32x64x32xi32, #tpu.memory_space<hbm>> -> memref<1x64x32xi32, #tpu.memory_space<hbm>>
        %dma_start3A_53 = tpu.memref_squeeze %dma_start3A_52 : memref<1x64x32xi32, #tpu.memory_space<hbm>> -> memref<64x32xi32, #tpu.memory_space<hbm>>
        %dma_start3A_54 = arith.constant 0 : i32
        %dma_start3A_55 = arith.constant 0 : i32
        %dma_start3A_56 = tpu.memref_slice %arg2[%add3A_42, %dma_start3A_54, %dma_start3A_55] : memref<32x64x32xi32, #tpu.memory_space<hbm>> -> memref<1x64x32xi32, #tpu.memory_space<hbm>>
        %dma_start3A_57 = tpu.memref_squeeze %dma_start3A_56 : memref<1x64x32xi32, #tpu.memory_space<hbm>> -> memref<64x32xi32, #tpu.memory_space<hbm>>
        tpu.enqueue_dma source(%dma_start3A_57 : memref<64x32xi32, #tpu.memory_space<hbm>>) target(%arg11 : memref<64x32xi32, #tpu.memory_space<vmem>>) target_semaphore(%run_scoped3A : memref<!tpu.dma_semaphore, #tpu.memory_space<semaphore_mem>>)
        %dma_wait3A_58 = arith.constant 0 : i32
        %dma_wait3A_59 = arith.constant 0 : i32
        %dma_wait3A_60 = tpu.memref_slice %arg2[%add3A_42, %dma_wait3A_58, %dma_wait3A_59] : memref<32x64x32xi32, #tpu.memory_space<hbm>> -> memref<1x64x32xi32, #tpu.memory_space<hbm>>
        %dma_wait3A_61 = tpu.memref_squeeze %dma_wait3A_60 : memref<1x64x32xi32, #tpu.memory_space<hbm>> -> memref<64x32xi32, #tpu.memory_space<hbm>>
        %dma_wait3A_62 = arith.constant 0 : i32
        %dma_wait3A_63 = arith.constant 0 : i32
        %dma_wait3A_64 = tpu.memref_slice %arg2[%add3A_42, %dma_wait3A_62, %dma_wait3A_63] : memref<32x64x32xi32, #tpu.memory_space<hbm>> -> memref<1x64x32xi32, #tpu.memory_space<hbm>>
        %dma_wait3A_65 = tpu.memref_squeeze %dma_wait3A_64 : memref<1x64x32xi32, #tpu.memory_space<hbm>> -> memref<64x32xi32, #tpu.memory_space<hbm>>
        tpu.wait_dma2 semaphore(%run_scoped3A : memref<!tpu.dma_semaphore, #tpu.memory_space<semaphore_mem>>) src(%dma_wait3A_65 : memref<64x32xi32, #tpu.memory_space<hbm>>) dst(%arg11 : memref<64x32xi32, #tpu.memory_space<vmem>>)
        tpu.yield
      }) : () -> ()
      %mul3A_43 = arith.constant 160 : i32
      %mul3A_44 = arith.muli %add3A, %mul3A_43 : i32
      "tpu.region"() ({
        %run_scoped3A = tpu.sem_alloc : memref<!tpu.dma_semaphore, #tpu.memory_space<semaphore_mem>>
        %dma_start3A_50 = tpu.memref_slice %arg5[%add3A_42, %mul3A_44] : memref<32x10000xf32, #tpu.memory_space<hbm>> -> memref<1x160xf32, #tpu.memory_space<hbm>>
        %dma_start3A_51 = tpu.memref_squeeze %dma_start3A_50 : memref<1x160xf32, #tpu.memory_space<hbm>> -> memref<160xf32, #tpu.memory_space<hbm>>
        %dma_start3A_52 = tpu.memref_slice %arg5[%add3A_42, %mul3A_44] : memref<32x10000xf32, #tpu.memory_space<hbm>> -> memref<1x160xf32, #tpu.memory_space<hbm>>
        %dma_start3A_53 = tpu.memref_squeeze %dma_start3A_52 : memref<1x160xf32, #tpu.memory_space<hbm>> -> memref<160xf32, #tpu.memory_space<hbm>>
        tpu.enqueue_dma source(%dma_start3A_53 : memref<160xf32, #tpu.memory_space<hbm>>) target(%arg9 : memref<160xf32, #tpu.memory_space<vmem>>) target_semaphore(%run_scoped3A : memref<!tpu.dma_semaphore, #tpu.memory_space<semaphore_mem>>)
        %dma_wait3A_54 = tpu.memref_slice %arg5[%add3A_42, %mul3A_44] : memref<32x10000xf32, #tpu.memory_space<hbm>> -> memref<1x160xf32, #tpu.memory_space<hbm>>
        %dma_wait3A_55 = tpu.memref_squeeze %dma_wait3A_54 : memref<1x160xf32, #tpu.memory_space<hbm>> -> memref<160xf32, #tpu.memory_space<hbm>>
        %dma_wait3A_56 = tpu.memref_slice %arg5[%add3A_42, %mul3A_44] : memref<32x10000xf32, #tpu.memory_space<hbm>> -> memref<1x160xf32, #tpu.memory_space<hbm>>
        %dma_wait3A_57 = tpu.memref_squeeze %dma_wait3A_56 : memref<1x160xf32, #tpu.memory_space<hbm>> -> memref<160xf32, #tpu.memory_space<hbm>>
        tpu.wait_dma2 semaphore(%run_scoped3A : memref<!tpu.dma_semaphore, #tpu.memory_space<semaphore_mem>>) src(%dma_wait3A_57 : memref<160xf32, #tpu.memory_space<hbm>>) dst(%arg9 : memref<160xf32, #tpu.memory_space<vmem>>)
        tpu.yield
      }) : () -> ()
      %scan3A_45 = arith.constant 0 : i32
      %scan3A_46 = arith.constant 5 : i32
      %scan3A_47 = arith.addi %scan3A_45, %scan3A_46 : i32
      %scan3A_48 = arith.constant 1 : i32
      scf.for %scan3A_50 = %scan3A_45 to %scan3A_47 step %scan3A_48  : i32 {
        %mul3A_51 = arith.constant 1 : i32
        %mul3A_52 = arith.muli %scan3A_50, %mul3A_51 : i32
        %add3A_53 = arith.constant 0 : i32
        %add3A_54 = arith.addi %add3A_53, %mul3A_52 : i32
        %mul3A_55 = arith.constant 32 : i32
        %mul3A_56 = arith.muli %add3A_54, %mul3A_55 : i32
        %add3A_57 = arith.constant 0 : i32
        %add3A_58 = arith.addi %mul3A_56, %add3A_57 : i32
        %get3A = arith.constant 0 : i32
        %get3A_59 = arith.index_cast %get3A : i32 to index
        %get3A_60 = arith.index_cast %add3A_58 : i32 to index
        %get3A_61 = tpu.vector_load %arg8[%get3A_59, %get3A_60] {strides = array<i32>} : memref<32x160xf32, #tpu.memory_space<vmem>>, vector<1x16xf32>,
        %get3A_62 = vector.shape_cast %get3A_61 : vector<1x16xf32> to vector<16xf32>
        %add3A_63 = arith.constant 0 : i32
        %add3A_64 = arith.addi %mul3A_56, %add3A_63 : i32
        %get3A_65 = arith.index_cast %add3A_64 : i32 to index
        %get3A_66 = tpu.vector_load %arg9[%get3A_65] {strides = array<i32>} : memref<160xf32, #tpu.memory_space<vmem>>, vector<16xf32>,
        %get3A_67 = vector.shape_cast %get3A_66 : vector<16xf32> to vector<16xf32>
        %mul3A_68 = arith.mulf %get3A_62, %get3A_67 : vector<16xf32>
        %add3A_69 = arith.constant 16 : i32
        %add3A_70 = arith.addi %mul3A_56, %add3A_69 : i32
        %get3A_71 = arith.constant 0 : i32
        %get3A_72 = arith.index_cast %get3A_71 : i32 to index
        %get3A_73 = arith.index_cast %add3A_70 : i32 to index
        %get3A_74 = tpu.vector_load %arg8[%get3A_72, %get3A_73] {strides = array<i32>} : memref<32x160xf32, #tpu.memory_space<vmem>>, vector<1x16xf32>,
        %get3A_75 = vector.shape_cast %get3A_74 : vector<1x16xf32> to vector<16xf32>
        %add3A_76 = arith.constant 16 : i32
        %add3A_77 = arith.addi %mul3A_56, %add3A_76 : i32
        %get3A_78 = arith.index_cast %add3A_77 : i32 to index
        %get3A_79 = tpu.vector_load %arg9[%get3A_78] {strides = array<i32>} : memref<160xf32, #tpu.memory_space<vmem>>, vector<16xf32>,
        %get3A_80 = vector.shape_cast %get3A_79 : vector<16xf32> to vector<16xf32>
        %mul3A_81 = arith.mulf %get3A_75, %get3A_80 : vector<16xf32>
        %add3A_82 = arith.constant 0 : i32
        %add3A_83 = arith.addi %mul3A_56, %add3A_82 : i32
        %get3A_84 = arith.constant 1 : i32
        %get3A_85 = arith.index_cast %get3A_84 : i32 to index
        %get3A_86 = arith.index_cast %add3A_83 : i32 to index
        %get3A_87 = tpu.vector_load %arg8[%get3A_85, %get3A_86] {strides = array<i32>} : memref<32x160xf32, #tpu.memory_space<vmem>>, vector<1x16xf32>,
        %get3A_88 = vector.shape_cast %get3A_87 : vector<1x16xf32> to vector<16xf32>
        %add3A_89 = arith.constant 0 : i32
        %add3A_90 = arith.addi %mul3A_56, %add3A_89 : i32
        %get3A_91 = arith.index_cast %add3A_90 : i32 to index
        %get3A_92 = tpu.vector_load %arg9[%get3A_91] {strides = array<i32>} : memref<160xf32, #tpu.memory_space<vmem>>, vector<16xf32>,
        %get3A_93 = vector.shape_cast %get3A_92 : vector<16xf32> to vector<16xf32>
        %mul3A_94 = arith.mulf %get3A_88, %get3A_93 : vector<16xf32>
        %add3A_95 = arith.constant 16 : i32
        %add3A_96 = arith.addi %mul3A_56, %add3A_95 : i32
        %get3A_97 = arith.constant 1 : i32
        %get3A_98 = arith.index_cast %get3A_97 : i32 to index
        %get3A_99 = arith.index_cast %add3A_96 : i32 to index
        %get3A_100 = tpu.vector_load %arg8[%get3A_98, %get3A_99] {strides = array<i32>} : memref<32x160xf32, #tpu.memory_space<vmem>>, vector<1x16xf32>,
        %get3A_101 = vector.shape_cast %get3A_100 : vector<1x16xf32> to vector<16xf32>
        %add3A_102 = arith.constant 16 : i32
        %add3A_103 = arith.addi %mul3A_56, %add3A_102 : i32
        %get3A_104 = arith.index_cast %add3A_103 : i32 to index
        %get3A_105 = tpu.vector_load %arg9[%get3A_104] {strides = array<i32>} : memref<160xf32, #tpu.memory_space<vmem>>, vector<16xf32>,
        %get3A_106 = vector.shape_cast %get3A_105 : vector<16xf32> to vector<16xf32>
        %mul3A_107 = arith.mulf %get3A_101, %get3A_106 : vector<16xf32>
        %add3A_108 = arith.constant 0 : i32
        %add3A_109 = arith.addi %mul3A_56, %add3A_108 : i32
        %get3A_110 = arith.constant 2 : i32
        %get3A_111 = arith.index_cast %get3A_110 : i32 to index
        %get3A_112 = arith.index_cast %add3A_109 : i32 to index
        %get3A_113 = tpu.vector_load %arg8[%get3A_111, %get3A_112] {strides = array<i32>} : memref<32x160xf32, #tpu.memory_space<vmem>>, vector<1x16xf32>,
        %get3A_114 = vector.shape_cast %get3A_113 : vector<1x16xf32> to vector<16xf32>
        %add3A_115 = arith.constant 0 : i32
        %add3A_116 = arith.addi %mul3A_56, %add3A_115 : i32
        %get3A_117 = arith.index_cast %add3A_116 : i32 to index
        %get3A_118 = tpu.vector_load %arg9[%get3A_117] {strides = array<i32>} : memref<160xf32, #tpu.memory_space<vmem>>, vector<16xf32>,
        %get3A_119 = vector.shape_cast %get3A_118 : vector<16xf32> to vector<16xf32>
        %mul3A_120 = arith.mulf %get3A_114, %get3A_119 : vector<16xf32>
        %add3A_121 = arith.constant 16 : i32
        %add3A_122 = arith.addi %mul3A_56, %add3A_121 : i32
        %get3A_123 = arith.constant 2 : i32
        %get3A_124 = arith.index_cast %get3A_123 : i32 to index
        %get3A_125 = arith.index_cast %add3A_122 : i32 to index
        %get3A_126 = tpu.vector_load %arg8[%get3A_124, %get3A_125] {strides = array<i32>} : memref<32x160xf32, #tpu.memory_space<vmem>>, vector<1x16xf32>,
        %get3A_127 = vector.shape_cast %get3A_126 : vector<1x16xf32> to vector<16xf32>
        %add3A_128 = arith.constant 16 : i32
        %add3A_129 = arith.addi %mul3A_56, %add3A_128 : i32
        %get3A_130 = arith.index_cast %add3A_129 : i32 to index
        %get3A_131 = tpu.vector_load %arg9[%get3A_130] {strides = array<i32>} : memref<160xf32, #tpu.memory_space<vmem>>, vector<16xf32>,
        %get3A_132 = vector.shape_cast %get3A_131 : vector<16xf32> to vector<16xf32>
        %mul3A_133 = arith.mulf %get3A_127, %get3A_132 : vector<16xf32>
        %add3A_134 = arith.constant 0 : i32
        %add3A_135 = arith.addi %mul3A_56, %add3A_134 : i32
        %get3A_136 = arith.constant 3 : i32
        %get3A_137 = arith.index_cast %get3A_136 : i32 to index
        %get3A_138 = arith.index_cast %add3A_135 : i32 to index
        %get3A_139 = tpu.vector_load %arg8[%get3A_137, %get3A_138] {strides = array<i32>} : memref<32x160xf32, #tpu.memory_space<vmem>>, vector<1x16xf32>,
        %get3A_140 = vector.shape_cast %get3A_139 : vector<1x16xf32> to vector<16xf32>
        %add3A_141 = arith.constant 0 : i32
        %add3A_142 = arith.addi %mul3A_56, %add3A_141 : i32
        %get3A_143 = arith.index_cast %add3A_142 : i32 to index
        %get3A_144 = tpu.vector_load %arg9[%get3A_143] {strides = array<i32>} : memref<160xf32, #tpu.memory_space<vmem>>, vector<16xf32>,
        %get3A_145 = vector.shape_cast %get3A_144 : vector<16xf32> to vector<16xf32>
        %mul3A_146 = arith.mulf %get3A_140, %get3A_145 : vector<16xf32>
        %add3A_147 = arith.constant 16 : i32
        %add3A_148 = arith.addi %mul3A_56, %add3A_147 : i32
        %get3A_149 = arith.constant 3 : i32
        %get3A_150 = arith.index_cast %get3A_149 : i32 to index
        %get3A_151 = arith.index_cast %add3A_148 : i32 to index
        %get3A_152 = tpu.vector_load %arg8[%get3A_150, %get3A_151] {strides = array<i32>} : memref<32x160xf32, #tpu.memory_space<vmem>>, vector<1x16xf32>,
        %get3A_153 = vector.shape_cast %get3A_152 : vector<1x16xf32> to vector<16xf32>
        %add3A_154 = arith.constant 16 : i32
        %add3A_155 = arith.addi %mul3A_56, %add3A_154 : i32
        %get3A_156 = arith.index_cast %add3A_155 : i32 to index
        %get3A_157 = tpu.vector_load %arg9[%get3A_156] {strides = array<i32>} : memref<160xf32, #tpu.memory_space<vmem>>, vector<16xf32>,
        %get3A_158 = vector.shape_cast %get3A_157 : vector<16xf32> to vector<16xf32>
        %mul3A_159 = arith.mulf %get3A_153, %get3A_158 : vector<16xf32>
        %add3A_160 = arith.constant 0 : i32
        %add3A_161 = arith.addi %mul3A_56, %add3A_160 : i32
        %get3A_162 = arith.constant 4 : i32
        %get3A_163 = arith.index_cast %get3A_162 : i32 to index
        %get3A_164 = arith.index_cast %add3A_161 : i32 to index
        %get3A_165 = tpu.vector_load %arg8[%get3A_163, %get3A_164] {strides = array<i32>} : memref<32x160xf32, #tpu.memory_space<vmem>>, vector<1x16xf32>,
        %get3A_166 = vector.shape_cast %get3A_165 : vector<1x16xf32> to vector<16xf32>
        %add3A_167 = arith.constant 0 : i32
        %add3A_168 = arith.addi %mul3A_56, %add3A_167 : i32
        %get3A_169 = arith.index_cast %add3A_168 : i32 to index
        %get3A_170 = tpu.vector_load %arg9[%get3A_169] {strides = array<i32>} : memref<160xf32, #tpu.memory_space<vmem>>, vector<16xf32>,
        %get3A_171 = vector.shape_cast %get3A_170 : vector<16xf32> to vector<16xf32>
        %mul3A_172 = arith.mulf %get3A_166, %get3A_171 : vector<16xf32>
        %add3A_173 = arith.constant 16 : i32
        %add3A_174 = arith.addi %mul3A_56, %add3A_173 : i32
        %get3A_175 = arith.constant 4 : i32
        %get3A_176 = arith.index_cast %get3A_175 : i32 to index
        %get3A_177 = arith.index_cast %add3A_174 : i32 to index
        %get3A_178 = tpu.vector_load %arg8[%get3A_176, %get3A_177] {strides = array<i32>} : memref<32x160xf32, #tpu.memory_space<vmem>>, vector<1x16xf32>,
        %get3A_179 = vector.shape_cast %get3A_178 : vector<1x16xf32> to vector<16xf32>
        %add3A_180 = arith.constant 16 : i32
        %add3A_181 = arith.addi %mul3A_56, %add3A_180 : i32
        %get3A_182 = arith.index_cast %add3A_181 : i32 to index
        %get3A_183 = tpu.vector_load %arg9[%get3A_182] {strides = array<i32>} : memref<160xf32, #tpu.memory_space<vmem>>, vector<16xf32>,
        %get3A_184 = vector.shape_cast %get3A_183 : vector<16xf32> to vector<16xf32>
        %mul3A_185 = arith.mulf %get3A_179, %get3A_184 : vector<16xf32>
        %add3A_186 = arith.constant 0 : i32
        %add3A_187 = arith.addi %mul3A_56, %add3A_186 : i32
        %get3A_188 = arith.constant 5 : i32
        %get3A_189 = arith.index_cast %get3A_188 : i32 to index
        %get3A_190 = arith.index_cast %add3A_187 : i32 to index
        %get3A_191 = tpu.vector_load %arg8[%get3A_189, %get3A_190] {strides = array<i32>} : memref<32x160xf32, #tpu.memory_space<vmem>>, vector<1x16xf32>,
        %get3A_192 = vector.shape_cast %get3A_191 : vector<1x16xf32> to vector<16xf32>
        %add3A_193 = arith.constant 0 : i32
        %add3A_194 = arith.addi %mul3A_56, %add3A_193 : i32
        %get3A_195 = arith.index_cast %add3A_194 : i32 to index
        %get3A_196 = tpu.vector_load %arg9[%get3A_195] {strides = array<i32>} : memref<160xf32, #tpu.memory_space<vmem>>, vector<16xf32>,
        %get3A_197 = vector.shape_cast %get3A_196 : vector<16xf32> to vector<16xf32>
        %mul3A_198 = arith.mulf %get3A_192, %get3A_197 : vector<16xf32>
        %add3A_199 = arith.constant 16 : i32
        %add3A_200 = arith.addi %mul3A_56, %add3A_199 : i32
        %get3A_201 = arith.constant 5 : i32
        %get3A_202 = arith.index_cast %get3A_201 : i32 to index
        %get3A_203 = arith.index_cast %add3A_200 : i32 to index
        %get3A_204 = tpu.vector_load %arg8[%get3A_202, %get3A_203] {strides = array<i32>} : memref<32x160xf32, #tpu.memory_space<vmem>>, vector<1x16xf32>,
        %get3A_205 = vector.shape_cast %get3A_204 : vector<1x16xf32> to vector<16xf32>
        %add3A_206 = arith.constant 16 : i32
        %add3A_207 = arith.addi %mul3A_56, %add3A_206 : i32
        %get3A_208 = arith.index_cast %add3A_207 : i32 to index
        %get3A_209 = tpu.vector_load %arg9[%get3A_208] {strides = array<i32>} : memref<160xf32, #tpu.memory_space<vmem>>, vector<16xf32>,
        %get3A_210 = vector.shape_cast %get3A_209 : vector<16xf32> to vector<16xf32>
        %mul3A_211 = arith.mulf %get3A_205, %get3A_210 : vector<16xf32>
        %add3A_212 = arith.constant 0 : i32
        %add3A_213 = arith.addi %mul3A_56, %add3A_212 : i32
        %get3A_214 = arith.constant 6 : i32
        %get3A_215 = arith.index_cast %get3A_214 : i32 to index
        %get3A_216 = arith.index_cast %add3A_213 : i32 to index
        %get3A_217 = tpu.vector_load %arg8[%get3A_215, %get3A_216] {strides = array<i32>} : memref<32x160xf32, #tpu.memory_space<vmem>>, vector<1x16xf32>,
        %get3A_218 = vector.shape_cast %get3A_217 : vector<1x16xf32> to vector<16xf32>
        %add3A_219 = arith.constant 0 : i32
        %add3A_220 = arith.addi %mul3A_56, %add3A_219 : i32
        %get3A_221 = arith.index_cast %add3A_220 : i32 to index
        %get3A_222 = tpu.vector_load %arg9[%get3A_221] {strides = array<i32>} : memref<160xf32, #tpu.memory_space<vmem>>, vector<16xf32>,
        %get3A_223 = vector.shape_cast %get3A_222 : vector<16xf32> to vector<16xf32>
        %mul3A_224 = arith.mulf %get3A_218, %get3A_223 : vector<16xf32>
        %add3A_225 = arith.constant 16 : i32
        %add3A_226 = arith.addi %mul3A_56, %add3A_225 : i32
        %get3A_227 = arith.constant 6 : i32
        %get3A_228 = arith.index_cast %get3A_227 : i32 to index
        %get3A_229 = arith.index_cast %add3A_226 : i32 to index
        %get3A_230 = tpu.vector_load %arg8[%get3A_228, %get3A_229] {strides = array<i32>} : memref<32x160xf32, #tpu.memory_space<vmem>>, vector<1x16xf32>,
        %get3A_231 = vector.shape_cast %get3A_230 : vector<1x16xf32> to vector<16xf32>
        %add3A_232 = arith.constant 16 : i32
        %add3A_233 = arith.addi %mul3A_56, %add3A_232 : i32
        %get3A_234 = arith.index_cast %add3A_233 : i32 to index
        %get3A_235 = tpu.vector_load %arg9[%get3A_234] {strides = array<i32>} : memref<160xf32, #tpu.memory_space<vmem>>, vector<16xf32>,
        %get3A_236 = vector.shape_cast %get3A_235 : vector<16xf32> to vector<16xf32>
        %mul3A_237 = arith.mulf %get3A_231, %get3A_236 : vector<16xf32>
        %add3A_238 = arith.constant 0 : i32
        %add3A_239 = arith.addi %mul3A_56, %add3A_238 : i32
        %get3A_240 = arith.constant 7 : i32
        %get3A_241 = arith.index_cast %get3A_240 : i32 to index
        %get3A_242 = arith.index_cast %add3A_239 : i32 to index
        %get3A_243 = tpu.vector_load %arg8[%get3A_241, %get3A_242] {strides = array<i32>} : memref<32x160xf32, #tpu.memory_space<vmem>>, vector<1x16xf32>,
        %get3A_244 = vector.shape_cast %get3A_243 : vector<1x16xf32> to vector<16xf32>
        %add3A_245 = arith.constant 0 : i32
        %add3A_246 = arith.addi %mul3A_56, %add3A_245 : i32
        %get3A_247 = arith.index_cast %add3A_246 : i32 to index
        %get3A_248 = tpu.vector_load %arg9[%get3A_247] {strides = array<i32>} : memref<160xf32, #tpu.memory_space<vmem>>, vector<16xf32>,
        %get3A_249 = vector.shape_cast %get3A_248 : vector<16xf32> to vector<16xf32>
        %mul3A_250 = arith.mulf %get3A_244, %get3A_249 : vector<16xf32>
        %add3A_251 = arith.constant 16 : i32
        %add3A_252 = arith.addi %mul3A_56, %add3A_251 : i32
        %get3A_253 = arith.constant 7 : i32
        %get3A_254 = arith.index_cast %get3A_253 : i32 to index
        %get3A_255 = arith.index_cast %add3A_252 : i32 to index
        %get3A_256 = tpu.vector_load %arg8[%get3A_254, %get3A_255] {strides = array<i32>} : memref<32x160xf32, #tpu.memory_space<vmem>>, vector<1x16xf32>,
        %get3A_257 = vector.shape_cast %get3A_256 : vector<1x16xf32> to vector<16xf32>
        %add3A_258 = arith.constant 16 : i32
        %add3A_259 = arith.addi %mul3A_56, %add3A_258 : i32
        %get3A_260 = arith.index_cast %add3A_259 : i32 to index
        %get3A_261 = tpu.vector_load %arg9[%get3A_260] {strides = array<i32>} : memref<160xf32, #tpu.memory_space<vmem>>, vector<16xf32>,
        %get3A_262 = vector.shape_cast %get3A_261 : vector<16xf32> to vector<16xf32>
        %mul3A_263 = arith.mulf %get3A_257, %get3A_262 : vector<16xf32>
        %add3A_264 = arith.constant 0 : i32
        %add3A_265 = arith.addi %mul3A_56, %add3A_264 : i32
        %get3A_266 = arith.constant 8 : i32
        %get3A_267 = arith.index_cast %get3A_266 : i32 to index
        %get3A_268 = arith.index_cast %add3A_265 : i32 to index
        %get3A_269 = tpu.vector_load %arg8[%get3A_267, %get3A_268] {strides = array<i32>} : memref<32x160xf32, #tpu.memory_space<vmem>>, vector<1x16xf32>,
        %get3A_270 = vector.shape_cast %get3A_269 : vector<1x16xf32> to vector<16xf32>
        %add3A_271 = arith.constant 0 : i32
        %add3A_272 = arith.addi %mul3A_56, %add3A_271 : i32
        %get3A_273 = arith.index_cast %add3A_272 : i32 to index
        %get3A_274 = tpu.vector_load %arg9[%get3A_273] {strides = array<i32>} : memref<160xf32, #tpu.memory_space<vmem>>, vector<16xf32>,
        %get3A_275 = vector.shape_cast %get3A_274 : vector<16xf32> to vector<16xf32>
        %mul3A_276 = arith.mulf %get3A_270, %get3A_275 : vector<16xf32>
        %add3A_277 = arith.constant 16 : i32
        %add3A_278 = arith.addi %mul3A_56, %add3A_277 : i32
        %get3A_279 = arith.constant 8 : i32
        %get3A_280 = arith.index_cast %get3A_279 : i32 to index
        %get3A_281 = arith.index_cast %add3A_278 : i32 to index
        %get3A_282 = tpu.vector_load %arg8[%get3A_280, %get3A_281] {strides = array<i32>} : memref<32x160xf32, #tpu.memory_space<vmem>>, vector<1x16xf32>,
        %get3A_283 = vector.shape_cast %get3A_282 : vector<1x16xf32> to vector<16xf32>
        %add3A_284 = arith.constant 16 : i32
        %add3A_285 = arith.addi %mul3A_56, %add3A_284 : i32
        %get3A_286 = arith.index_cast %add3A_285 : i32 to index
        %get3A_287 = tpu.vector_load %arg9[%get3A_286] {strides = array<i32>} : memref<160xf32, #tpu.memory_space<vmem>>, vector<16xf32>,
        %get3A_288 = vector.shape_cast %get3A_287 : vector<16xf32> to vector<16xf32>
        %mul3A_289 = arith.mulf %get3A_283, %get3A_288 : vector<16xf32>
        %add3A_290 = arith.constant 0 : i32
        %add3A_291 = arith.addi %mul3A_56, %add3A_290 : i32
        %get3A_292 = arith.constant 9 : i32
        %get3A_293 = arith.index_cast %get3A_292 : i32 to index
        %get3A_294 = arith.index_cast %add3A_291 : i32 to index
        %get3A_295 = tpu.vector_load %arg8[%get3A_293, %get3A_294] {strides = array<i32>} : memref<32x160xf32, #tpu.memory_space<vmem>>, vector<1x16xf32>,
        %get3A_296 = vector.shape_cast %get3A_295 : vector<1x16xf32> to vector<16xf32>
        %add3A_297 = arith.constant 0 : i32
        %add3A_298 = arith.addi %mul3A_56, %add3A_297 : i32
        %get3A_299 = arith.index_cast %add3A_298 : i32 to index
        %get3A_300 = tpu.vector_load %arg9[%get3A_299] {strides = array<i32>} : memref<160xf32, #tpu.memory_space<vmem>>, vector<16xf32>,
        %get3A_301 = vector.shape_cast %get3A_300 : vector<16xf32> to vector<16xf32>
        %mul3A_302 = arith.mulf %get3A_296, %get3A_301 : vector<16xf32>
        %add3A_303 = arith.constant 16 : i32
        %add3A_304 = arith.addi %mul3A_56, %add3A_303 : i32
        %get3A_305 = arith.constant 9 : i32
        %get3A_306 = arith.index_cast %get3A_305 : i32 to index
        %get3A_307 = arith.index_cast %add3A_304 : i32 to index
        %get3A_308 = tpu.vector_load %arg8[%get3A_306, %get3A_307] {strides = array<i32>} : memref<32x160xf32, #tpu.memory_space<vmem>>, vector<1x16xf32>,
        %get3A_309 = vector.shape_cast %get3A_308 : vector<1x16xf32> to vector<16xf32>
        %add3A_310 = arith.constant 16 : i32
        %add3A_311 = arith.addi %mul3A_56, %add3A_310 : i32
        %get3A_312 = arith.index_cast %add3A_311 : i32 to index
        %get3A_313 = tpu.vector_load %arg9[%get3A_312] {strides = array<i32>} : memref<160xf32, #tpu.memory_space<vmem>>, vector<16xf32>,
        %get3A_314 = vector.shape_cast %get3A_313 : vector<16xf32> to vector<16xf32>
        %mul3A_315 = arith.mulf %get3A_309, %get3A_314 : vector<16xf32>
        %add3A_316 = arith.constant 0 : i32
        %add3A_317 = arith.addi %mul3A_56, %add3A_316 : i32
        %get3A_318 = arith.constant 10 : i32
        %get3A_319 = arith.index_cast %get3A_318 : i32 to index
        %get3A_320 = arith.index_cast %add3A_317 : i32 to index
        %get3A_321 = tpu.vector_load %arg8[%get3A_319, %get3A_320] {strides = array<i32>} : memref<32x160xf32, #tpu.memory_space<vmem>>, vector<1x16xf32>,
        %get3A_322 = vector.shape_cast %get3A_321 : vector<1x16xf32> to vector<16xf32>
        %add3A_323 = arith.constant 0 : i32
        %add3A_324 = arith.addi %mul3A_56, %add3A_323 : i32
        %get3A_325 = arith.index_cast %add3A_324 : i32 to index
        %get3A_326 = tpu.vector_load %arg9[%get3A_325] {strides = array<i32>} : memref<160xf32, #tpu.memory_space<vmem>>, vector<16xf32>,
        %get3A_327 = vector.shape_cast %get3A_326 : vector<16xf32> to vector<16xf32>
        %mul3A_328 = arith.mulf %get3A_322, %get3A_327 : vector<16xf32>
        %add3A_329 = arith.constant 16 : i32
        %add3A_330 = arith.addi %mul3A_56, %add3A_329 : i32
        %get3A_331 = arith.constant 10 : i32
        %get3A_332 = arith.index_cast %get3A_331 : i32 to index
        %get3A_333 = arith.index_cast %add3A_330 : i32 to index
        %get3A_334 = tpu.vector_load %arg8[%get3A_332, %get3A_333] {strides = array<i32>} : memref<32x160xf32, #tpu.memory_space<vmem>>, vector<1x16xf32>,
        %get3A_335 = vector.shape_cast %get3A_334 : vector<1x16xf32> to vector<16xf32>
        %add3A_336 = arith.constant 16 : i32
        %add3A_337 = arith.addi %mul3A_56, %add3A_336 : i32
        %get3A_338 = arith.index_cast %add3A_337 : i32 to index
        %get3A_339 = tpu.vector_load %arg9[%get3A_338] {strides = array<i32>} : memref<160xf32, #tpu.memory_space<vmem>>, vector<16xf32>,
        %get3A_340 = vector.shape_cast %get3A_339 : vector<16xf32> to vector<16xf32>
        %mul3A_341 = arith.mulf %get3A_335, %get3A_340 : vector<16xf32>
        %add3A_342 = arith.constant 0 : i32
        %add3A_343 = arith.addi %mul3A_56, %add3A_342 : i32
        %get3A_344 = arith.constant 11 : i32
        %get3A_345 = arith.index_cast %get3A_344 : i32 to index
        %get3A_346 = arith.index_cast %add3A_343 : i32 to index
        %get3A_347 = tpu.vector_load %arg8[%get3A_345, %get3A_346] {strides = array<i32>} : memref<32x160xf32, #tpu.memory_space<vmem>>, vector<1x16xf32>,
        %get3A_348 = vector.shape_cast %get3A_347 : vector<1x16xf32> to vector<16xf32>
        %add3A_349 = arith.constant 0 : i32
        %add3A_350 = arith.addi %mul3A_56, %add3A_349 : i32
        %get3A_351 = arith.index_cast %add3A_350 : i32 to index
        %get3A_352 = tpu.vector_load %arg9[%get3A_351] {strides = array<i32>} : memref<160xf32, #tpu.memory_space<vmem>>, vector<16xf32>,
        %get3A_353 = vector.shape_cast %get3A_352 : vector<16xf32> to vector<16xf32>
        %mul3A_354 = arith.mulf %get3A_348, %get3A_353 : vector<16xf32>
        %add3A_355 = arith.constant 16 : i32
        %add3A_356 = arith.addi %mul3A_56, %add3A_355 : i32
        %get3A_357 = arith.constant 11 : i32
        %get3A_358 = arith.index_cast %get3A_357 : i32 to index
        %get3A_359 = arith.index_cast %add3A_356 : i32 to index
        %get3A_360 = tpu.vector_load %arg8[%get3A_358, %get3A_359] {strides = array<i32>} : memref<32x160xf32, #tpu.memory_space<vmem>>, vector<1x16xf32>,
        %get3A_361 = vector.shape_cast %get3A_360 : vector<1x16xf32> to vector<16xf32>
        %add3A_362 = arith.constant 16 : i32
        %add3A_363 = arith.addi %mul3A_56, %add3A_362 : i32
        %get3A_364 = arith.index_cast %add3A_363 : i32 to index
        %get3A_365 = tpu.vector_load %arg9[%get3A_364] {strides = array<i32>} : memref<160xf32, #tpu.memory_space<vmem>>, vector<16xf32>,
        %get3A_366 = vector.shape_cast %get3A_365 : vector<16xf32> to vector<16xf32>
        %mul3A_367 = arith.mulf %get3A_361, %get3A_366 : vector<16xf32>
        %add3A_368 = arith.constant 0 : i32
        %add3A_369 = arith.addi %mul3A_56, %add3A_368 : i32
        %get3A_370 = arith.constant 12 : i32
        %get3A_371 = arith.index_cast %get3A_370 : i32 to index
        %get3A_372 = arith.index_cast %add3A_369 : i32 to index
        %get3A_373 = tpu.vector_load %arg8[%get3A_371, %get3A_372] {strides = array<i32>} : memref<32x160xf32, #tpu.memory_space<vmem>>, vector<1x16xf32>,
        %get3A_374 = vector.shape_cast %get3A_373 : vector<1x16xf32> to vector<16xf32>
        %add3A_375 = arith.constant 0 : i32
        %add3A_376 = arith.addi %mul3A_56, %add3A_375 : i32
        %get3A_377 = arith.index_cast %add3A_376 : i32 to index
        %get3A_378 = tpu.vector_load %arg9[%get3A_377] {strides = array<i32>} : memref<160xf32, #tpu.memory_space<vmem>>, vector<16xf32>,
        %get3A_379 = vector.shape_cast %get3A_378 : vector<16xf32> to vector<16xf32>
        %mul3A_380 = arith.mulf %get3A_374, %get3A_379 : vector<16xf32>
        %add3A_381 = arith.constant 16 : i32
        %add3A_382 = arith.addi %mul3A_56, %add3A_381 : i32
        %get3A_383 = arith.constant 12 : i32
        %get3A_384 = arith.index_cast %get3A_383 : i32 to index
        %get3A_385 = arith.index_cast %add3A_382 : i32 to index
        %get3A_386 = tpu.vector_load %arg8[%get3A_384, %get3A_385] {strides = array<i32>} : memref<32x160xf32, #tpu.memory_space<vmem>>, vector<1x16xf32>,
        %get3A_387 = vector.shape_cast %get3A_386 : vector<1x16xf32> to vector<16xf32>
        %add3A_388 = arith.constant 16 : i32
        %add3A_389 = arith.addi %mul3A_56, %add3A_388 : i32
        %get3A_390 = arith.index_cast %add3A_389 : i32 to index
        %get3A_391 = tpu.vector_load %arg9[%get3A_390] {strides = array<i32>} : memref<160xf32, #tpu.memory_space<vmem>>, vector<16xf32>,
        %get3A_392 = vector.shape_cast %get3A_391 : vector<16xf32> to vector<16xf32>
        %mul3A_393 = arith.mulf %get3A_387, %get3A_392 : vector<16xf32>
        %add3A_394 = arith.constant 0 : i32
        %add3A_395 = arith.addi %mul3A_56, %add3A_394 : i32
        %get3A_396 = arith.constant 13 : i32
        %get3A_397 = arith.index_cast %get3A_396 : i32 to index
        %get3A_398 = arith.index_cast %add3A_395 : i32 to index
        %get3A_399 = tpu.vector_load %arg8[%get3A_397, %get3A_398] {strides = array<i32>} : memref<32x160xf32, #tpu.memory_space<vmem>>, vector<1x16xf32>,
        %get3A_400 = vector.shape_cast %get3A_399 : vector<1x16xf32> to vector<16xf32>
        %add3A_401 = arith.constant 0 : i32
        %add3A_402 = arith.addi %mul3A_56, %add3A_401 : i32
        %get3A_403 = arith.index_cast %add3A_402 : i32 to index
        %get3A_404 = tpu.vector_load %arg9[%get3A_403] {strides = array<i32>} : memref<160xf32, #tpu.memory_space<vmem>>, vector<16xf32>,
        %get3A_405 = vector.shape_cast %get3A_404 : vector<16xf32> to vector<16xf32>
        %mul3A_406 = arith.mulf %get3A_400, %get3A_405 : vector<16xf32>
        %add3A_407 = arith.constant 16 : i32
        %add3A_408 = arith.addi %mul3A_56, %add3A_407 : i32
        %get3A_409 = arith.constant 13 : i32
        %get3A_410 = arith.index_cast %get3A_409 : i32 to index
        %get3A_411 = arith.index_cast %add3A_408 : i32 to index
        %get3A_412 = tpu.vector_load %arg8[%get3A_410, %get3A_411] {strides = array<i32>} : memref<32x160xf32, #tpu.memory_space<vmem>>, vector<1x16xf32>,
        %get3A_413 = vector.shape_cast %get3A_412 : vector<1x16xf32> to vector<16xf32>
        %add3A_414 = arith.constant 16 : i32
        %add3A_415 = arith.addi %mul3A_56, %add3A_414 : i32
        %get3A_416 = arith.index_cast %add3A_415 : i32 to index
        %get3A_417 = tpu.vector_load %arg9[%get3A_416] {strides = array<i32>} : memref<160xf32, #tpu.memory_space<vmem>>, vector<16xf32>,
        %get3A_418 = vector.shape_cast %get3A_417 : vector<16xf32> to vector<16xf32>
        %mul3A_419 = arith.mulf %get3A_413, %get3A_418 : vector<16xf32>
        %add3A_420 = arith.constant 0 : i32
        %add3A_421 = arith.addi %mul3A_56, %add3A_420 : i32
        %get3A_422 = arith.constant 14 : i32
        %get3A_423 = arith.index_cast %get3A_422 : i32 to index
        %get3A_424 = arith.index_cast %add3A_421 : i32 to index
        %get3A_425 = tpu.vector_load %arg8[%get3A_423, %get3A_424] {strides = array<i32>} : memref<32x160xf32, #tpu.memory_space<vmem>>, vector<1x16xf32>,
        %get3A_426 = vector.shape_cast %get3A_425 : vector<1x16xf32> to vector<16xf32>
        %add3A_427 = arith.constant 0 : i32
        %add3A_428 = arith.addi %mul3A_56, %add3A_427 : i32
        %get3A_429 = arith.index_cast %add3A_428 : i32 to index
        %get3A_430 = tpu.vector_load %arg9[%get3A_429] {strides = array<i32>} : memref<160xf32, #tpu.memory_space<vmem>>, vector<16xf32>,
        %get3A_431 = vector.shape_cast %get3A_430 : vector<16xf32> to vector<16xf32>
        %mul3A_432 = arith.mulf %get3A_426, %get3A_431 : vector<16xf32>
        %add3A_433 = arith.constant 16 : i32
        %add3A_434 = arith.addi %mul3A_56, %add3A_433 : i32
        %get3A_435 = arith.constant 14 : i32
        %get3A_436 = arith.index_cast %get3A_435 : i32 to index
        %get3A_437 = arith.index_cast %add3A_434 : i32 to index
        %get3A_438 = tpu.vector_load %arg8[%get3A_436, %get3A_437] {strides = array<i32>} : memref<32x160xf32, #tpu.memory_space<vmem>>, vector<1x16xf32>,
        %get3A_439 = vector.shape_cast %get3A_438 : vector<1x16xf32> to vector<16xf32>
        %add3A_440 = arith.constant 16 : i32
        %add3A_441 = arith.addi %mul3A_56, %add3A_440 : i32
        %get3A_442 = arith.index_cast %add3A_441 : i32 to index
        %get3A_443 = tpu.vector_load %arg9[%get3A_442] {strides = array<i32>} : memref<160xf32, #tpu.memory_space<vmem>>, vector<16xf32>,
        %get3A_444 = vector.shape_cast %get3A_443 : vector<16xf32> to vector<16xf32>
        %mul3A_445 = arith.mulf %get3A_439, %get3A_444 : vector<16xf32>
        %add3A_446 = arith.constant 0 : i32
        %add3A_447 = arith.addi %mul3A_56, %add3A_446 : i32
        %get3A_448 = arith.constant 15 : i32
        %get3A_449 = arith.index_cast %get3A_448 : i32 to index
        %get3A_450 = arith.index_cast %add3A_447 : i32 to index
        %get3A_451 = tpu.vector_load %arg8[%get3A_449, %get3A_450] {strides = array<i32>} : memref<32x160xf32, #tpu.memory_space<vmem>>, vector<1x16xf32>,
        %get3A_452 = vector.shape_cast %get3A_451 : vector<1x16xf32> to vector<16xf32>
        %add3A_453 = arith.constant 0 : i32
        %add3A_454 = arith.addi %mul3A_56, %add3A_453 : i32
        %get3A_455 = arith.index_cast %add3A_454 : i32 to index
        %get3A_456 = tpu.vector_load %arg9[%get3A_455] {strides = array<i32>} : memref<160xf32, #tpu.memory_space<vmem>>, vector<16xf32>,
        %get3A_457 = vector.shape_cast %get3A_456 : vector<16xf32> to vector<16xf32>
        %mul3A_458 = arith.mulf %get3A_452, %get3A_457 : vector<16xf32>
        %add3A_459 = arith.constant 16 : i32
        %add3A_460 = arith.addi %mul3A_56, %add3A_459 : i32
        %get3A_461 = arith.constant 15 : i32
        %get3A_462 = arith.index_cast %get3A_461 : i32 to index
        %get3A_463 = arith.index_cast %add3A_460 : i32 to index
        %get3A_464 = tpu.vector_load %arg8[%get3A_462, %get3A_463] {strides = array<i32>} : memref<32x160xf32, #tpu.memory_space<vmem>>, vector<1x16xf32>,
        %get3A_465 = vector.shape_cast %get3A_464 : vector<1x16xf32> to vector<16xf32>
        %add3A_466 = arith.constant 16 : i32
        %add3A_467 = arith.addi %mul3A_56, %add3A_466 : i32
        %get3A_468 = arith.index_cast %add3A_467 : i32 to index
        %get3A_469 = tpu.vector_load %arg9[%get3A_468] {strides = array<i32>} : memref<160xf32, #tpu.memory_space<vmem>>, vector<16xf32>,
        %get3A_470 = vector.shape_cast %get3A_469 : vector<16xf32> to vector<16xf32>
        %mul3A_471 = arith.mulf %get3A_465, %get3A_470 : vector<16xf32>
        %parallel_loop3A = arith.constant 0 : i32
        %parallel_loop3A_472 = arith.constant 64 : i32
        %parallel_loop3A_473 = arith.constant 1 : i32
        scf.for %parallel_loop3A_893 = %parallel_loop3A to %parallel_loop3A_472 step %parallel_loop3A_473  : i32 {
          %parallel_loop3A_894 = arith.index_cast %parallel_loop3A_893 : i32 to index
          %parallel_loop3A_895 = arith.constant 0 : index
          %parallel_loop3A_896 = tpu.vector_load %arg11[%parallel_loop3A_894, %parallel_loop3A_895] {strides = array<i32>} : memref<64x32xi32, #tpu.memory_space<vmem>>, vector<1x16xi32>,
          %parallel_loop3A_897 = vector.shape_cast %parallel_loop3A_896 : vector<1x16xi32> to vector<16xi32>
          %parallel_loop3A_898 = vector.extract_strided_slice %parallel_loop3A_897 {offsets = [0], sizes = [1], strides = [1]} : vector<16xi32> to vector<1xi32>
          %parallel_loop3A_899 = vector.extract %parallel_loop3A_898[0] : i32 from vector<1xi32>
          %parallel_loop3A_900 = arith.constant 0 : i32
          %parallel_loop3A_901 = arith.addi %mul3A_56, %parallel_loop3A_900 : i32
          %parallel_loop3A_902 = arith.index_cast %parallel_loop3A_899 : i32 to index
          %parallel_loop3A_903 = arith.index_cast %parallel_loop3A_901 : i32 to index
          %parallel_loop3A_904 = tpu.vector_load %arg7[%parallel_loop3A_902, %parallel_loop3A_903] {strides = array<i32>} : memref<256x160xf32, #tpu.memory_space<vmem>>, vector<1x16xf32>,
          %parallel_loop3A_905 = vector.shape_cast %parallel_loop3A_904 : vector<1x16xf32> to vector<16xf32>
          %parallel_loop3A_906 = arith.mulf %parallel_loop3A_905, %mul3A_68 : vector<16xf32>
          %parallel_loop3A_907 = vector.extract_strided_slice %parallel_loop3A_897 {offsets = [1], sizes = [1], strides = [1]} : vector<16xi32> to vector<1xi32>
          %parallel_loop3A_908 = vector.extract %parallel_loop3A_907[0] : i32 from vector<1xi32>
          %parallel_loop3A_909 = arith.constant 0 : i32
          %parallel_loop3A_910 = arith.addi %mul3A_56, %parallel_loop3A_909 : i32
          %parallel_loop3A_911 = arith.index_cast %parallel_loop3A_908 : i32 to index
          %parallel_loop3A_912 = arith.index_cast %parallel_loop3A_910 : i32 to index
          %parallel_loop3A_913 = tpu.vector_load %arg7[%parallel_loop3A_911, %parallel_loop3A_912] {strides = array<i32>} : memref<256x160xf32, #tpu.memory_space<vmem>>, vector<1x16xf32>,
          %parallel_loop3A_914 = vector.shape_cast %parallel_loop3A_913 : vector<1x16xf32> to vector<16xf32>
          %parallel_loop3A_915 = arith.mulf %parallel_loop3A_914, %mul3A_94 : vector<16xf32>
          %parallel_loop3A_916 = arith.addf %parallel_loop3A_906, %parallel_loop3A_915 : vector<16xf32>
          %parallel_loop3A_917 = vector.extract_strided_slice %parallel_loop3A_897 {offsets = [2], sizes = [1], strides = [1]} : vector<16xi32> to vector<1xi32>
          %parallel_loop3A_918 = vector.extract %parallel_loop3A_917[0] : i32 from vector<1xi32>
          %parallel_loop3A_919 = arith.constant 0 : i32
          %parallel_loop3A_920 = arith.addi %mul3A_56, %parallel_loop3A_919 : i32
          %parallel_loop3A_921 = arith.index_cast %parallel_loop3A_918 : i32 to index
          %parallel_loop3A_922 = arith.index_cast %parallel_loop3A_920 : i32 to index
          %parallel_loop3A_923 = tpu.vector_load %arg7[%parallel_loop3A_921, %parallel_loop3A_922] {strides = array<i32>} : memref<256x160xf32, #tpu.memory_space<vmem>>, vector<1x16xf32>,
          %parallel_loop3A_924 = vector.shape_cast %parallel_loop3A_923 : vector<1x16xf32> to vector<16xf32>
          %parallel_loop3A_925 = arith.mulf %parallel_loop3A_924, %mul3A_120 : vector<16xf32>
          %parallel_loop3A_926 = arith.addf %parallel_loop3A_916, %parallel_loop3A_925 : vector<16xf32>
          %parallel_loop3A_927 = vector.extract_strided_slice %parallel_loop3A_897 {offsets = [3], sizes = [1], strides = [1]} : vector<16xi32> to vector<1xi32>
          %parallel_loop3A_928 = vector.extract %parallel_loop3A_927[0] : i32 from vector<1xi32>
          %parallel_loop3A_929 = arith.constant 0 : i32
          %parallel_loop3A_930 = arith.addi %mul3A_56, %parallel_loop3A_929 : i32
          %parallel_loop3A_931 = arith.index_cast %parallel_loop3A_928 : i32 to index
          %parallel_loop3A_932 = arith.index_cast %parallel_loop3A_930 : i32 to index
          %parallel_loop3A_933 = tpu.vector_load %arg7[%parallel_loop3A_931, %parallel_loop3A_932] {strides = array<i32>} : memref<256x160xf32, #tpu.memory_space<vmem>>, vector<1x16xf32>,
          %parallel_loop3A_934 = vector.shape_cast %parallel_loop3A_933 : vector<1x16xf32> to vector<16xf32>
          %parallel_loop3A_935 = arith.mulf %parallel_loop3A_934, %mul3A_146 : vector<16xf32>
          %parallel_loop3A_936 = arith.addf %parallel_loop3A_926, %parallel_loop3A_935 : vector<16xf32>
          %parallel_loop3A_937 = vector.extract_strided_slice %parallel_loop3A_897 {offsets = [4], sizes = [1], strides = [1]} : vector<16xi32> to vector<1xi32>
          %parallel_loop3A_938 = vector.extract %parallel_loop3A_937[0] : i32 from vector<1xi32>
          %parallel_loop3A_939 = arith.constant 0 : i32
          %parallel_loop3A_940 = arith.addi %mul3A_56, %parallel_loop3A_939 : i32
          %parallel_loop3A_941 = arith.index_cast %parallel_loop3A_938 : i32 to index
          %parallel_loop3A_942 = arith.index_cast %parallel_loop3A_940 : i32 to index
          %parallel_loop3A_943 = tpu.vector_load %arg7[%parallel_loop3A_941, %parallel_loop3A_942] {strides = array<i32>} : memref<256x160xf32, #tpu.memory_space<vmem>>, vector<1x16xf32>,
          %parallel_loop3A_944 = vector.shape_cast %parallel_loop3A_943 : vector<1x16xf32> to vector<16xf32>
          %parallel_loop3A_945 = arith.mulf %parallel_loop3A_944, %mul3A_172 : vector<16xf32>
          %parallel_loop3A_946 = arith.addf %parallel_loop3A_936, %parallel_loop3A_945 : vector<16xf32>
          %parallel_loop3A_947 = vector.extract_strided_slice %parallel_loop3A_897 {offsets = [5], sizes = [1], strides = [1]} : vector<16xi32> to vector<1xi32>
          %parallel_loop3A_948 = vector.extract %parallel_loop3A_947[0] : i32 from vector<1xi32>
          %parallel_loop3A_949 = arith.constant 0 : i32
          %parallel_loop3A_950 = arith.addi %mul3A_56, %parallel_loop3A_949 : i32
          %parallel_loop3A_951 = arith.index_cast %parallel_loop3A_948 : i32 to index
          %parallel_loop3A_952 = arith.index_cast %parallel_loop3A_950 : i32 to index
          %parallel_loop3A_953 = tpu.vector_load %arg7[%parallel_loop3A_951, %parallel_loop3A_952] {strides = array<i32>} : memref<256x160xf32, #tpu.memory_space<vmem>>, vector<1x16xf32>,
          %parallel_loop3A_954 = vector.shape_cast %parallel_loop3A_953 : vector<1x16xf32> to vector<16xf32>
          %parallel_loop3A_955 = arith.mulf %parallel_loop3A_954, %mul3A_198 : vector<16xf32>
          %parallel_loop3A_956 = arith.addf %parallel_loop3A_946, %parallel_loop3A_955 : vector<16xf32>
          %parallel_loop3A_957 = vector.extract_strided_slice %parallel_loop3A_897 {offsets = [6], sizes = [1], strides = [1]} : vector<16xi32> to vector<1xi32>
          %parallel_loop3A_958 = vector.extract %parallel_loop3A_957[0] : i32 from vector<1xi32>
          %parallel_loop3A_959 = arith.constant 0 : i32
          %parallel_loop3A_960 = arith.addi %mul3A_56, %parallel_loop3A_959 : i32
          %parallel_loop3A_961 = arith.index_cast %parallel_loop3A_958 : i32 to index
          %parallel_loop3A_962 = arith.index_cast %parallel_loop3A_960 : i32 to index
          %parallel_loop3A_963 = tpu.vector_load %arg7[%parallel_loop3A_961, %parallel_loop3A_962] {strides = array<i32>} : memref<256x160xf32, #tpu.memory_space<vmem>>, vector<1x16xf32>,
          %parallel_loop3A_964 = vector.shape_cast %parallel_loop3A_963 : vector<1x16xf32> to vector<16xf32>
          %parallel_loop3A_965 = arith.mulf %parallel_loop3A_964, %mul3A_224 : vector<16xf32>
          %parallel_loop3A_966 = arith.addf %parallel_loop3A_956, %parallel_loop3A_965 : vector<16xf32>
          %parallel_loop3A_967 = vector.extract_strided_slice %parallel_loop3A_897 {offsets = [7], sizes = [1], strides = [1]} : vector<16xi32> to vector<1xi32>
          %parallel_loop3A_968 = vector.extract %parallel_loop3A_967[0] : i32 from vector<1xi32>
          %parallel_loop3A_969 = arith.constant 0 : i32
          %parallel_loop3A_970 = arith.addi %mul3A_56, %parallel_loop3A_969 : i32
          %parallel_loop3A_971 = arith.index_cast %parallel_loop3A_968 : i32 to index
          %parallel_loop3A_972 = arith.index_cast %parallel_loop3A_970 : i32 to index
          %parallel_loop3A_973 = tpu.vector_load %arg7[%parallel_loop3A_971, %parallel_loop3A_972] {strides = array<i32>} : memref<256x160xf32, #tpu.memory_space<vmem>>, vector<1x16xf32>,
          %parallel_loop3A_974 = vector.shape_cast %parallel_loop3A_973 : vector<1x16xf32> to vector<16xf32>
          %parallel_loop3A_975 = arith.mulf %parallel_loop3A_974, %mul3A_250 : vector<16xf32>
          %parallel_loop3A_976 = arith.addf %parallel_loop3A_966, %parallel_loop3A_975 : vector<16xf32>
          %parallel_loop3A_977 = vector.extract_strided_slice %parallel_loop3A_897 {offsets = [8], sizes = [1], strides = [1]} : vector<16xi32> to vector<1xi32>
          %parallel_loop3A_978 = vector.extract %parallel_loop3A_977[0] : i32 from vector<1xi32>
          %parallel_loop3A_979 = arith.constant 0 : i32
          %parallel_loop3A_980 = arith.addi %mul3A_56, %parallel_loop3A_979 : i32
          %parallel_loop3A_981 = arith.index_cast %parallel_loop3A_978 : i32 to index
          %parallel_loop3A_982 = arith.index_cast %parallel_loop3A_980 : i32 to index
          %parallel_loop3A_983 = tpu.vector_load %arg7[%parallel_loop3A_981, %parallel_loop3A_982] {strides = array<i32>} : memref<256x160xf32, #tpu.memory_space<vmem>>, vector<1x16xf32>,
          %parallel_loop3A_984 = vector.shape_cast %parallel_loop3A_983 : vector<1x16xf32> to vector<16xf32>
          %parallel_loop3A_985 = arith.mulf %parallel_loop3A_984, %mul3A_276 : vector<16xf32>
          %parallel_loop3A_986 = arith.addf %parallel_loop3A_976, %parallel_loop3A_985 : vector<16xf32>
          %parallel_loop3A_987 = vector.extract_strided_slice %parallel_loop3A_897 {offsets = [9], sizes = [1], strides = [1]} : vector<16xi32> to vector<1xi32>
          %parallel_loop3A_988 = vector.extract %parallel_loop3A_987[0] : i32 from vector<1xi32>
          %parallel_loop3A_989 = arith.constant 0 : i32
          %parallel_loop3A_990 = arith.addi %mul3A_56, %parallel_loop3A_989 : i32
          %parallel_loop3A_991 = arith.index_cast %parallel_loop3A_988 : i32 to index
          %parallel_loop3A_992 = arith.index_cast %parallel_loop3A_990 : i32 to index
          %parallel_loop3A_993 = tpu.vector_load %arg7[%parallel_loop3A_991, %parallel_loop3A_992] {strides = array<i32>} : memref<256x160xf32, #tpu.memory_space<vmem>>, vector<1x16xf32>,
          %parallel_loop3A_994 = vector.shape_cast %parallel_loop3A_993 : vector<1x16xf32> to vector<16xf32>
          %parallel_loop3A_995 = arith.mulf %parallel_loop3A_994, %mul3A_302 : vector<16xf32>
          %parallel_loop3A_996 = arith.addf %parallel_loop3A_986, %parallel_loop3A_995 : vector<16xf32>
          %parallel_loop3A_997 = vector.extract_strided_slice %parallel_loop3A_897 {offsets = [10], sizes = [1], strides = [1]} : vector<16xi32> to vector<1xi32>
          %parallel_loop3A_998 = vector.extract %parallel_loop3A_997[0] : i32 from vector<1xi32>
          %parallel_loop3A_999 = arith.constant 0 : i32
          %parallel_loop3A_1000 = arith.addi %mul3A_56, %parallel_loop3A_999 : i32
          %parallel_loop3A_1001 = arith.index_cast %parallel_loop3A_998 : i32 to index
          %parallel_loop3A_1002 = arith.index_cast %parallel_loop3A_1000 : i32 to index
          %parallel_loop3A_1003 = tpu.vector_load %arg7[%parallel_loop3A_1001, %parallel_loop3A_1002] {strides = array<i32>} : memref<256x160xf32, #tpu.memory_space<vmem>>, vector<1x16xf32>,
          %parallel_loop3A_1004 = vector.shape_cast %parallel_loop3A_1003 : vector<1x16xf32> to vector<16xf32>
          %parallel_loop3A_1005 = arith.mulf %parallel_loop3A_1004, %mul3A_328 : vector<16xf32>
          %parallel_loop3A_1006 = arith.addf %parallel_loop3A_996, %parallel_loop3A_1005 : vector<16xf32>
          %parallel_loop3A_1007 = vector.extract_strided_slice %parallel_loop3A_897 {offsets = [11], sizes = [1], strides = [1]} : vector<16xi32> to vector<1xi32>
          %parallel_loop3A_1008 = vector.extract %parallel_loop3A_1007[0] : i32 from vector<1xi32>
          %parallel_loop3A_1009 = arith.constant 0 : i32
          %parallel_loop3A_1010 = arith.addi %mul3A_56, %parallel_loop3A_1009 : i32
          %parallel_loop3A_1011 = arith.index_cast %parallel_loop3A_1008 : i32 to index
          %parallel_loop3A_1012 = arith.index_cast %parallel_loop3A_1010 : i32 to index
          %parallel_loop3A_1013 = tpu.vector_load %arg7[%parallel_loop3A_1011, %parallel_loop3A_1012] {strides = array<i32>} : memref<256x160xf32, #tpu.memory_space<vmem>>, vector<1x16xf32>,
          %parallel_loop3A_1014 = vector.shape_cast %parallel_loop3A_1013 : vector<1x16xf32> to vector<16xf32>
          %parallel_loop3A_1015 = arith.mulf %parallel_loop3A_1014, %mul3A_354 : vector<16xf32>
          %parallel_loop3A_1016 = arith.addf %parallel_loop3A_1006, %parallel_loop3A_1015 : vector<16xf32>
          %parallel_loop3A_1017 = vector.extract_strided_slice %parallel_loop3A_897 {offsets = [12], sizes = [1], strides = [1]} : vector<16xi32> to vector<1xi32>
          %parallel_loop3A_1018 = vector.extract %parallel_loop3A_1017[0] : i32 from vector<1xi32>
          %parallel_loop3A_1019 = arith.constant 0 : i32
          %parallel_loop3A_1020 = arith.addi %mul3A_56, %parallel_loop3A_1019 : i32
          %parallel_loop3A_1021 = arith.index_cast %parallel_loop3A_1018 : i32 to index
          %parallel_loop3A_1022 = arith.index_cast %parallel_loop3A_1020 : i32 to index
          %parallel_loop3A_1023 = tpu.vector_load %arg7[%parallel_loop3A_1021, %parallel_loop3A_1022] {strides = array<i32>} : memref<256x160xf32, #tpu.memory_space<vmem>>, vector<1x16xf32>,
          %parallel_loop3A_1024 = vector.shape_cast %parallel_loop3A_1023 : vector<1x16xf32> to vector<16xf32>
          %parallel_loop3A_1025 = arith.mulf %parallel_loop3A_1024, %mul3A_380 : vector<16xf32>
          %parallel_loop3A_1026 = arith.addf %parallel_loop3A_1016, %parallel_loop3A_1025 : vector<16xf32>
          %parallel_loop3A_1027 = vector.extract_strided_slice %parallel_loop3A_897 {offsets = [13], sizes = [1], strides = [1]} : vector<16xi32> to vector<1xi32>
          %parallel_loop3A_1028 = vector.extract %parallel_loop3A_1027[0] : i32 from vector<1xi32>
          %parallel_loop3A_1029 = arith.constant 0 : i32
          %parallel_loop3A_1030 = arith.addi %mul3A_56, %parallel_loop3A_1029 : i32
          %parallel_loop3A_1031 = arith.index_cast %parallel_loop3A_1028 : i32 to index
          %parallel_loop3A_1032 = arith.index_cast %parallel_loop3A_1030 : i32 to index
          %parallel_loop3A_1033 = tpu.vector_load %arg7[%parallel_loop3A_1031, %parallel_loop3A_1032] {strides = array<i32>} : memref<256x160xf32, #tpu.memory_space<vmem>>, vector<1x16xf32>,
          %parallel_loop3A_1034 = vector.shape_cast %parallel_loop3A_1033 : vector<1x16xf32> to vector<16xf32>
          %parallel_loop3A_1035 = arith.mulf %parallel_loop3A_1034, %mul3A_406 : vector<16xf32>
          %parallel_loop3A_1036 = arith.addf %parallel_loop3A_1026, %parallel_loop3A_1035 : vector<16xf32>
          %parallel_loop3A_1037 = vector.extract_strided_slice %parallel_loop3A_897 {offsets = [14], sizes = [1], strides = [1]} : vector<16xi32> to vector<1xi32>
          %parallel_loop3A_1038 = vector.extract %parallel_loop3A_1037[0] : i32 from vector<1xi32>
          %parallel_loop3A_1039 = arith.constant 0 : i32
          %parallel_loop3A_1040 = arith.addi %mul3A_56, %parallel_loop3A_1039 : i32
          %parallel_loop3A_1041 = arith.index_cast %parallel_loop3A_1038 : i32 to index
          %parallel_loop3A_1042 = arith.index_cast %parallel_loop3A_1040 : i32 to index
          %parallel_loop3A_1043 = tpu.vector_load %arg7[%parallel_loop3A_1041, %parallel_loop3A_1042] {strides = array<i32>} : memref<256x160xf32, #tpu.memory_space<vmem>>, vector<1x16xf32>,
          %parallel_loop3A_1044 = vector.shape_cast %parallel_loop3A_1043 : vector<1x16xf32> to vector<16xf32>
          %parallel_loop3A_1045 = arith.mulf %parallel_loop3A_1044, %mul3A_432 : vector<16xf32>
          %parallel_loop3A_1046 = arith.addf %parallel_loop3A_1036, %parallel_loop3A_1045 : vector<16xf32>
          %parallel_loop3A_1047 = vector.extract_strided_slice %parallel_loop3A_897 {offsets = [15], sizes = [1], strides = [1]} : vector<16xi32> to vector<1xi32>
          %parallel_loop3A_1048 = vector.extract %parallel_loop3A_1047[0] : i32 from vector<1xi32>
          %parallel_loop3A_1049 = arith.constant 0 : i32
          %parallel_loop3A_1050 = arith.addi %mul3A_56, %parallel_loop3A_1049 : i32
          %parallel_loop3A_1051 = arith.index_cast %parallel_loop3A_1048 : i32 to index
          %parallel_loop3A_1052 = arith.index_cast %parallel_loop3A_1050 : i32 to index
          %parallel_loop3A_1053 = tpu.vector_load %arg7[%parallel_loop3A_1051, %parallel_loop3A_1052] {strides = array<i32>} : memref<256x160xf32, #tpu.memory_space<vmem>>, vector<1x16xf32>,
          %parallel_loop3A_1054 = vector.shape_cast %parallel_loop3A_1053 : vector<1x16xf32> to vector<16xf32>
          %parallel_loop3A_1055 = arith.mulf %parallel_loop3A_1054, %mul3A_458 : vector<16xf32>
          %parallel_loop3A_1056 = arith.addf %parallel_loop3A_1046, %parallel_loop3A_1055 : vector<16xf32>
          %parallel_loop3A_1057 = arith.constant 0 : i32
          %parallel_loop3A_1058 = arith.addi %mul3A_56, %parallel_loop3A_1057 : i32
          %parallel_loop3A_1059 = arith.index_cast %parallel_loop3A_893 : i32 to index
          %parallel_loop3A_1060 = arith.index_cast %parallel_loop3A_1058 : i32 to index
          %parallel_loop3A_1061 = tpu.vector_load %arg10[%parallel_loop3A_1059, %parallel_loop3A_1060] {strides = array<i32>} : memref<64x160xf32, #tpu.memory_space<vmem>>, vector<1x16xf32>,
          %parallel_loop3A_1062 = vector.shape_cast %parallel_loop3A_1061 : vector<1x16xf32> to vector<16xf32>
          %parallel_loop3A_1063 = vector.shape_cast %parallel_loop3A_1056 : vector<16xf32> to vector<1x16xf32>
          tpu.vector_store %arg10[%parallel_loop3A_1059, %parallel_loop3A_1060], %parallel_loop3A_1063 {add = true, strides = array<i32>} : memref<64x160xf32, #tpu.memory_space<vmem>>, vector<1x16xf32>,
          %parallel_loop3A_1064 = vector.extract_strided_slice %parallel_loop3A_897 {offsets = [0], sizes = [1], strides = [1]} : vector<16xi32> to vector<1xi32>
          %parallel_loop3A_1065 = vector.extract %parallel_loop3A_1064[0] : i32 from vector<1xi32>
          %parallel_loop3A_1066 = arith.constant 16 : i32
          %parallel_loop3A_1067 = arith.addi %mul3A_56, %parallel_loop3A_1066 : i32
          %parallel_loop3A_1068 = arith.index_cast %parallel_loop3A_1065 : i32 to index
          %parallel_loop3A_1069 = arith.index_cast %parallel_loop3A_1067 : i32 to index
          %parallel_loop3A_1070 = tpu.vector_load %arg7[%parallel_loop3A_1068, %parallel_loop3A_1069] {strides = array<i32>} : memref<256x160xf32, #tpu.memory_space<vmem>>, vector<1x16xf32>,
          %parallel_loop3A_1071 = vector.shape_cast %parallel_loop3A_1070 : vector<1x16xf32> to vector<16xf32>
          %parallel_loop3A_1072 = arith.mulf %parallel_loop3A_1071, %mul3A_81 : vector<16xf32>
          %parallel_loop3A_1073 = vector.extract_strided_slice %parallel_loop3A_897 {offsets = [1], sizes = [1], strides = [1]} : vector<16xi32> to vector<1xi32>
          %parallel_loop3A_1074 = vector.extract %parallel_loop3A_1073[0] : i32 from vector<1xi32>
          %parallel_loop3A_1075 = arith.constant 16 : i32
          %parallel_loop3A_1076 = arith.addi %mul3A_56, %parallel_loop3A_1075 : i32
          %parallel_loop3A_1077 = arith.index_cast %parallel_loop3A_1074 : i32 to index
          %parallel_loop3A_1078 = arith.index_cast %parallel_loop3A_1076 : i32 to index
          %parallel_loop3A_1079 = tpu.vector_load %arg7[%parallel_loop3A_1077, %parallel_loop3A_1078] {strides = array<i32>} : memref<256x160xf32, #tpu.memory_space<vmem>>, vector<1x16xf32>,
          %parallel_loop3A_1080 = vector.shape_cast %parallel_loop3A_1079 : vector<1x16xf32> to vector<16xf32>
          %parallel_loop3A_1081 = arith.mulf %parallel_loop3A_1080, %mul3A_107 : vector<16xf32>
          %parallel_loop3A_1082 = arith.addf %parallel_loop3A_1072, %parallel_loop3A_1081 : vector<16xf32>
          %parallel_loop3A_1083 = vector.extract_strided_slice %parallel_loop3A_897 {offsets = [2], sizes = [1], strides = [1]} : vector<16xi32> to vector<1xi32>
          %parallel_loop3A_1084 = vector.extract %parallel_loop3A_1083[0] : i32 from vector<1xi32>
          %parallel_loop3A_1085 = arith.constant 16 : i32
          %parallel_loop3A_1086 = arith.addi %mul3A_56, %parallel_loop3A_1085 : i32
          %parallel_loop3A_1087 = arith.index_cast %parallel_loop3A_1084 : i32 to index
          %parallel_loop3A_1088 = arith.index_cast %parallel_loop3A_1086 : i32 to index
          %parallel_loop3A_1089 = tpu.vector_load %arg7[%parallel_loop3A_1087, %parallel_loop3A_1088] {strides = array<i32>} : memref<256x160xf32, #tpu.memory_space<vmem>>, vector<1x16xf32>,
          %parallel_loop3A_1090 = vector.shape_cast %parallel_loop3A_1089 : vector<1x16xf32> to vector<16xf32>
          %parallel_loop3A_1091 = arith.mulf %parallel_loop3A_1090, %mul3A_133 : vector<16xf32>
          %parallel_loop3A_1092 = arith.addf %parallel_loop3A_1082, %parallel_loop3A_1091 : vector<16xf32>
          %parallel_loop3A_1093 = vector.extract_strided_slice %parallel_loop3A_897 {offsets = [3], sizes = [1], strides = [1]} : vector<16xi32> to vector<1xi32>
          %parallel_loop3A_1094 = vector.extract %parallel_loop3A_1093[0] : i32 from vector<1xi32>
          %parallel_loop3A_1095 = arith.constant 16 : i32
          %parallel_loop3A_1096 = arith.addi %mul3A_56, %parallel_loop3A_1095 : i32
          %parallel_loop3A_1097 = arith.index_cast %parallel_loop3A_1094 : i32 to index
          %parallel_loop3A_1098 = arith.index_cast %parallel_loop3A_1096 : i32 to index
          %parallel_loop3A_1099 = tpu.vector_load %arg7[%parallel_loop3A_1097, %parallel_loop3A_1098] {strides = array<i32>} : memref<256x160xf32, #tpu.memory_space<vmem>>, vector<1x16xf32>,
          %parallel_loop3A_1100 = vector.shape_cast %parallel_loop3A_1099 : vector<1x16xf32> to vector<16xf32>
          %parallel_loop3A_1101 = arith.mulf %parallel_loop3A_1100, %mul3A_159 : vector<16xf32>
          %parallel_loop3A_1102 = arith.addf %parallel_loop3A_1092, %parallel_loop3A_1101 : vector<16xf32>
          %parallel_loop3A_1103 = vector.extract_strided_slice %parallel_loop3A_897 {offsets = [4], sizes = [1], strides = [1]} : vector<16xi32> to vector<1xi32>
          %parallel_loop3A_1104 = vector.extract %parallel_loop3A_1103[0] : i32 from vector<1xi32>
          %parallel_loop3A_1105 = arith.constant 16 : i32
          %parallel_loop3A_1106 = arith.addi %mul3A_56, %parallel_loop3A_1105 : i32
          %parallel_loop3A_1107 = arith.index_cast %parallel_loop3A_1104 : i32 to index
          %parallel_loop3A_1108 = arith.index_cast %parallel_loop3A_1106 : i32 to index
          %parallel_loop3A_1109 = tpu.vector_load %arg7[%parallel_loop3A_1107, %parallel_loop3A_1108] {strides = array<i32>} : memref<256x160xf32, #tpu.memory_space<vmem>>, vector<1x16xf32>,
          %parallel_loop3A_1110 = vector.shape_cast %parallel_loop3A_1109 : vector<1x16xf32> to vector<16xf32>
          %parallel_loop3A_1111 = arith.mulf %parallel_loop3A_1110, %mul3A_185 : vector<16xf32>
          %parallel_loop3A_1112 = arith.addf %parallel_loop3A_1102, %parallel_loop3A_1111 : vector<16xf32>
          %parallel_loop3A_1113 = vector.extract_strided_slice %parallel_loop3A_897 {offsets = [5], sizes = [1], strides = [1]} : vector<16xi32> to vector<1xi32>
          %parallel_loop3A_1114 = vector.extract %parallel_loop3A_1113[0] : i32 from vector<1xi32>
          %parallel_loop3A_1115 = arith.constant 16 : i32
          %parallel_loop3A_1116 = arith.addi %mul3A_56, %parallel_loop3A_1115 : i32
          %parallel_loop3A_1117 = arith.index_cast %parallel_loop3A_1114 : i32 to index
          %parallel_loop3A_1118 = arith.index_cast %parallel_loop3A_1116 : i32 to index
          %parallel_loop3A_1119 = tpu.vector_load %arg7[%parallel_loop3A_1117, %parallel_loop3A_1118] {strides = array<i32>} : memref<256x160xf32, #tpu.memory_space<vmem>>, vector<1x16xf32>,
          %parallel_loop3A_1120 = vector.shape_cast %parallel_loop3A_1119 : vector<1x16xf32> to vector<16xf32>
          %parallel_loop3A_1121 = arith.mulf %parallel_loop3A_1120, %mul3A_211 : vector<16xf32>
          %parallel_loop3A_1122 = arith.addf %parallel_loop3A_1112, %parallel_loop3A_1121 : vector<16xf32>
          %parallel_loop3A_1123 = vector.extract_strided_slice %parallel_loop3A_897 {offsets = [6], sizes = [1], strides = [1]} : vector<16xi32> to vector<1xi32>
          %parallel_loop3A_1124 = vector.extract %parallel_loop3A_1123[0] : i32 from vector<1xi32>
          %parallel_loop3A_1125 = arith.constant 16 : i32
          %parallel_loop3A_1126 = arith.addi %mul3A_56, %parallel_loop3A_1125 : i32
          %parallel_loop3A_1127 = arith.index_cast %parallel_loop3A_1124 : i32 to index
          %parallel_loop3A_1128 = arith.index_cast %parallel_loop3A_1126 : i32 to index
          %parallel_loop3A_1129 = tpu.vector_load %arg7[%parallel_loop3A_1127, %parallel_loop3A_1128] {strides = array<i32>} : memref<256x160xf32, #tpu.memory_space<vmem>>, vector<1x16xf32>,
          %parallel_loop3A_1130 = vector.shape_cast %parallel_loop3A_1129 : vector<1x16xf32> to vector<16xf32>
          %parallel_loop3A_1131 = arith.mulf %parallel_loop3A_1130, %mul3A_237 : vector<16xf32>
          %parallel_loop3A_1132 = arith.addf %parallel_loop3A_1122, %parallel_loop3A_1131 : vector<16xf32>
          %parallel_loop3A_1133 = vector.extract_strided_slice %parallel_loop3A_897 {offsets = [7], sizes = [1], strides = [1]} : vector<16xi32> to vector<1xi32>
          %parallel_loop3A_1134 = vector.extract %parallel_loop3A_1133[0] : i32 from vector<1xi32>
          %parallel_loop3A_1135 = arith.constant 16 : i32
          %parallel_loop3A_1136 = arith.addi %mul3A_56, %parallel_loop3A_1135 : i32
          %parallel_loop3A_1137 = arith.index_cast %parallel_loop3A_1134 : i32 to index
          %parallel_loop3A_1138 = arith.index_cast %parallel_loop3A_1136 : i32 to index
          %parallel_loop3A_1139 = tpu.vector_load %arg7[%parallel_loop3A_1137, %parallel_loop3A_1138] {strides = array<i32>} : memref<256x160xf32, #tpu.memory_space<vmem>>, vector<1x16xf32>,
          %parallel_loop3A_1140 = vector.shape_cast %parallel_loop3A_1139 : vector<1x16xf32> to vector<16xf32>
          %parallel_loop3A_1141 = arith.mulf %parallel_loop3A_1140, %mul3A_263 : vector<16xf32>
          %parallel_loop3A_1142 = arith.addf %parallel_loop3A_1132, %parallel_loop3A_1141 : vector<16xf32>
          %parallel_loop3A_1143 = vector.extract_strided_slice %parallel_loop3A_897 {offsets = [8], sizes = [1], strides = [1]} : vector<16xi32> to vector<1xi32>
          %parallel_loop3A_1144 = vector.extract %parallel_loop3A_1143[0] : i32 from vector<1xi32>
          %parallel_loop3A_1145 = arith.constant 16 : i32
          %parallel_loop3A_1146 = arith.addi %mul3A_56, %parallel_loop3A_1145 : i32
          %parallel_loop3A_1147 = arith.index_cast %parallel_loop3A_1144 : i32 to index
          %parallel_loop3A_1148 = arith.index_cast %parallel_loop3A_1146 : i32 to index
          %parallel_loop3A_1149 = tpu.vector_load %arg7[%parallel_loop3A_1147, %parallel_loop3A_1148] {strides = array<i32>} : memref<256x160xf32, #tpu.memory_space<vmem>>, vector<1x16xf32>,
          %parallel_loop3A_1150 = vector.shape_cast %parallel_loop3A_1149 : vector<1x16xf32> to vector<16xf32>
          %parallel_loop3A_1151 = arith.mulf %parallel_loop3A_1150, %mul3A_289 : vector<16xf32>
          %parallel_loop3A_1152 = arith.addf %parallel_loop3A_1142, %parallel_loop3A_1151 : vector<16xf32>
          %parallel_loop3A_1153 = vector.extract_strided_slice %parallel_loop3A_897 {offsets = [9], sizes = [1], strides = [1]} : vector<16xi32> to vector<1xi32>
          %parallel_loop3A_1154 = vector.extract %parallel_loop3A_1153[0] : i32 from vector<1xi32>
          %parallel_loop3A_1155 = arith.constant 16 : i32
          %parallel_loop3A_1156 = arith.addi %mul3A_56, %parallel_loop3A_1155 : i32
          %parallel_loop3A_1157 = arith.index_cast %parallel_loop3A_1154 : i32 to index
          %parallel_loop3A_1158 = arith.index_cast %parallel_loop3A_1156 : i32 to index
          %parallel_loop3A_1159 = tpu.vector_load %arg7[%parallel_loop3A_1157, %parallel_loop3A_1158] {strides = array<i32>} : memref<256x160xf32, #tpu.memory_space<vmem>>, vector<1x16xf32>,
          %parallel_loop3A_1160 = vector.shape_cast %parallel_loop3A_1159 : vector<1x16xf32> to vector<16xf32>
          %parallel_loop3A_1161 = arith.mulf %parallel_loop3A_1160, %mul3A_315 : vector<16xf32>
          %parallel_loop3A_1162 = arith.addf %parallel_loop3A_1152, %parallel_loop3A_1161 : vector<16xf32>
          %parallel_loop3A_1163 = vector.extract_strided_slice %parallel_loop3A_897 {offsets = [10], sizes = [1], strides = [1]} : vector<16xi32> to vector<1xi32>
          %parallel_loop3A_1164 = vector.extract %parallel_loop3A_1163[0] : i32 from vector<1xi32>
          %parallel_loop3A_1165 = arith.constant 16 : i32
          %parallel_loop3A_1166 = arith.addi %mul3A_56, %parallel_loop3A_1165 : i32
          %parallel_loop3A_1167 = arith.index_cast %parallel_loop3A_1164 : i32 to index
          %parallel_loop3A_1168 = arith.index_cast %parallel_loop3A_1166 : i32 to index
          %parallel_loop3A_1169 = tpu.vector_load %arg7[%parallel_loop3A_1167, %parallel_loop3A_1168] {strides = array<i32>} : memref<256x160xf32, #tpu.memory_space<vmem>>, vector<1x16xf32>,
          %parallel_loop3A_1170 = vector.shape_cast %parallel_loop3A_1169 : vector<1x16xf32> to vector<16xf32>
          %parallel_loop3A_1171 = arith.mulf %parallel_loop3A_1170, %mul3A_341 : vector<16xf32>
          %parallel_loop3A_1172 = arith.addf %parallel_loop3A_1162, %parallel_loop3A_1171 : vector<16xf32>
          %parallel_loop3A_1173 = vector.extract_strided_slice %parallel_loop3A_897 {offsets = [11], sizes = [1], strides = [1]} : vector<16xi32> to vector<1xi32>
          %parallel_loop3A_1174 = vector.extract %parallel_loop3A_1173[0] : i32 from vector<1xi32>
          %parallel_loop3A_1175 = arith.constant 16 : i32
          %parallel_loop3A_1176 = arith.addi %mul3A_56, %parallel_loop3A_1175 : i32
          %parallel_loop3A_1177 = arith.index_cast %parallel_loop3A_1174 : i32 to index
          %parallel_loop3A_1178 = arith.index_cast %parallel_loop3A_1176 : i32 to index
          %parallel_loop3A_1179 = tpu.vector_load %arg7[%parallel_loop3A_1177, %parallel_loop3A_1178] {strides = array<i32>} : memref<256x160xf32, #tpu.memory_space<vmem>>, vector<1x16xf32>,
          %parallel_loop3A_1180 = vector.shape_cast %parallel_loop3A_1179 : vector<1x16xf32> to vector<16xf32>
          %parallel_loop3A_1181 = arith.mulf %parallel_loop3A_1180, %mul3A_367 : vector<16xf32>
          %parallel_loop3A_1182 = arith.addf %parallel_loop3A_1172, %parallel_loop3A_1181 : vector<16xf32>
          %parallel_loop3A_1183 = vector.extract_strided_slice %parallel_loop3A_897 {offsets = [12], sizes = [1], strides = [1]} : vector<16xi32> to vector<1xi32>
          %parallel_loop3A_1184 = vector.extract %parallel_loop3A_1183[0] : i32 from vector<1xi32>
          %parallel_loop3A_1185 = arith.constant 16 : i32
          %parallel_loop3A_1186 = arith.addi %mul3A_56, %parallel_loop3A_1185 : i32
          %parallel_loop3A_1187 = arith.index_cast %parallel_loop3A_1184 : i32 to index
          %parallel_loop3A_1188 = arith.index_cast %parallel_loop3A_1186 : i32 to index
          %parallel_loop3A_1189 = tpu.vector_load %arg7[%parallel_loop3A_1187, %parallel_loop3A_1188] {strides = array<i32>} : memref<256x160xf32, #tpu.memory_space<vmem>>, vector<1x16xf32>,
          %parallel_loop3A_1190 = vector.shape_cast %parallel_loop3A_1189 : vector<1x16xf32> to vector<16xf32>
          %parallel_loop3A_1191 = arith.mulf %parallel_loop3A_1190, %mul3A_393 : vector<16xf32>
          %parallel_loop3A_1192 = arith.addf %parallel_loop3A_1182, %parallel_loop3A_1191 : vector<16xf32>
          %parallel_loop3A_1193 = vector.extract_strided_slice %parallel_loop3A_897 {offsets = [13], sizes = [1], strides = [1]} : vector<16xi32> to vector<1xi32>
          %parallel_loop3A_1194 = vector.extract %parallel_loop3A_1193[0] : i32 from vector<1xi32>
          %parallel_loop3A_1195 = arith.constant 16 : i32
          %parallel_loop3A_1196 = arith.addi %mul3A_56, %parallel_loop3A_1195 : i32
          %parallel_loop3A_1197 = arith.index_cast %parallel_loop3A_1194 : i32 to index
          %parallel_loop3A_1198 = arith.index_cast %parallel_loop3A_1196 : i32 to index
          %parallel_loop3A_1199 = tpu.vector_load %arg7[%parallel_loop3A_1197, %parallel_loop3A_1198] {strides = array<i32>} : memref<256x160xf32, #tpu.memory_space<vmem>>, vector<1x16xf32>,
          %parallel_loop3A_1200 = vector.shape_cast %parallel_loop3A_1199 : vector<1x16xf32> to vector<16xf32>
          %parallel_loop3A_1201 = arith.mulf %parallel_loop3A_1200, %mul3A_419 : vector<16xf32>
          %parallel_loop3A_1202 = arith.addf %parallel_loop3A_1192, %parallel_loop3A_1201 : vector<16xf32>
          %parallel_loop3A_1203 = vector.extract_strided_slice %parallel_loop3A_897 {offsets = [14], sizes = [1], strides = [1]} : vector<16xi32> to vector<1xi32>
          %parallel_loop3A_1204 = vector.extract %parallel_loop3A_1203[0] : i32 from vector<1xi32>
          %parallel_loop3A_1205 = arith.constant 16 : i32
          %parallel_loop3A_1206 = arith.addi %mul3A_56, %parallel_loop3A_1205 : i32
          %parallel_loop3A_1207 = arith.index_cast %parallel_loop3A_1204 : i32 to index
          %parallel_loop3A_1208 = arith.index_cast %parallel_loop3A_1206 : i32 to index
          %parallel_loop3A_1209 = tpu.vector_load %arg7[%parallel_loop3A_1207, %parallel_loop3A_1208] {strides = array<i32>} : memref<256x160xf32, #tpu.memory_space<vmem>>, vector<1x16xf32>,
          %parallel_loop3A_1210 = vector.shape_cast %parallel_loop3A_1209 : vector<1x16xf32> to vector<16xf32>
          %parallel_loop3A_1211 = arith.mulf %parallel_loop3A_1210, %mul3A_445 : vector<16xf32>
          %parallel_loop3A_1212 = arith.addf %parallel_loop3A_1202, %parallel_loop3A_1211 : vector<16xf32>
          %parallel_loop3A_1213 = vector.extract_strided_slice %parallel_loop3A_897 {offsets = [15], sizes = [1], strides = [1]} : vector<16xi32> to vector<1xi32>
          %parallel_loop3A_1214 = vector.extract %parallel_loop3A_1213[0] : i32 from vector<1xi32>
          %parallel_loop3A_1215 = arith.constant 16 : i32
          %parallel_loop3A_1216 = arith.addi %mul3A_56, %parallel_loop3A_1215 : i32
          %parallel_loop3A_1217 = arith.index_cast %parallel_loop3A_1214 : i32 to index
          %parallel_loop3A_1218 = arith.index_cast %parallel_loop3A_1216 : i32 to index
          %parallel_loop3A_1219 = tpu.vector_load %arg7[%parallel_loop3A_1217, %parallel_loop3A_1218] {strides = array<i32>} : memref<256x160xf32, #tpu.memory_space<vmem>>, vector<1x16xf32>,
          %parallel_loop3A_1220 = vector.shape_cast %parallel_loop3A_1219 : vector<1x16xf32> to vector<16xf32>
          %parallel_loop3A_1221 = arith.mulf %parallel_loop3A_1220, %mul3A_471 : vector<16xf32>
          %parallel_loop3A_1222 = arith.addf %parallel_loop3A_1212, %parallel_loop3A_1221 : vector<16xf32>
          %parallel_loop3A_1223 = arith.constant 16 : i32
          %parallel_loop3A_1224 = arith.addi %mul3A_56, %parallel_loop3A_1223 : i32
          %parallel_loop3A_1225 = arith.index_cast %parallel_loop3A_893 : i32 to index
          %parallel_loop3A_1226 = arith.index_cast %parallel_loop3A_1224 : i32 to index
          %parallel_loop3A_1227 = tpu.vector_load %arg10[%parallel_loop3A_1225, %parallel_loop3A_1226] {strides = array<i32>} : memref<64x160xf32, #tpu.memory_space<vmem>>, vector<1x16xf32>,
          %parallel_loop3A_1228 = vector.shape_cast %parallel_loop3A_1227 : vector<1x16xf32> to vector<16xf32>
          %parallel_loop3A_1229 = vector.shape_cast %parallel_loop3A_1222 : vector<16xf32> to vector<1x16xf32>
          tpu.vector_store %arg10[%parallel_loop3A_1225, %parallel_loop3A_1226], %parallel_loop3A_1229 {add = true, strides = array<i32>} : memref<64x160xf32, #tpu.memory_space<vmem>>, vector<1x16xf32>,
        } {sc.loop_unroll_factor = 1 : i64, sc.parallel_access}
        %add3A_474 = arith.constant 0 : i32
        %add3A_475 = arith.addi %mul3A_56, %add3A_474 : i32
        %get3A_476 = arith.constant 16 : i32
        %get3A_477 = arith.index_cast %get3A_476 : i32 to index
        %get3A_478 = arith.index_cast %add3A_475 : i32 to index
        %get3A_479 = tpu.vector_load %arg8[%get3A_477, %get3A_478] {strides = array<i32>} : memref<32x160xf32, #tpu.memory_space<vmem>>, vector<1x16xf32>,
        %get3A_480 = vector.shape_cast %get3A_479 : vector<1x16xf32> to vector<16xf32>
        %add3A_481 = arith.constant 0 : i32
        %add3A_482 = arith.addi %mul3A_56, %add3A_481 : i32
        %get3A_483 = arith.index_cast %add3A_482 : i32 to index
        %get3A_484 = tpu.vector_load %arg9[%get3A_483] {strides = array<i32>} : memref<160xf32, #tpu.memory_space<vmem>>, vector<16xf32>,
        %get3A_485 = vector.shape_cast %get3A_484 : vector<16xf32> to vector<16xf32>
        %mul3A_486 = arith.mulf %get3A_480, %get3A_485 : vector<16xf32>
        %add3A_487 = arith.constant 16 : i32
        %add3A_488 = arith.addi %mul3A_56, %add3A_487 : i32
        %get3A_489 = arith.constant 16 : i32
        %get3A_490 = arith.index_cast %get3A_489 : i32 to index
        %get3A_491 = arith.index_cast %add3A_488 : i32 to index
        %get3A_492 = tpu.vector_load %arg8[%get3A_490, %get3A_491] {strides = array<i32>} : memref<32x160xf32, #tpu.memory_space<vmem>>, vector<1x16xf32>,
        %get3A_493 = vector.shape_cast %get3A_492 : vector<1x16xf32> to vector<16xf32>
        %add3A_494 = arith.constant 16 : i32
        %add3A_495 = arith.addi %mul3A_56, %add3A_494 : i32
        %get3A_496 = arith.index_cast %add3A_495 : i32 to index
        %get3A_497 = tpu.vector_load %arg9[%get3A_496] {strides = array<i32>} : memref<160xf32, #tpu.memory_space<vmem>>, vector<16xf32>,
        %get3A_498 = vector.shape_cast %get3A_497 : vector<16xf32> to vector<16xf32>
        %mul3A_499 = arith.mulf %get3A_493, %get3A_498 : vector<16xf32>
        %add3A_500 = arith.constant 0 : i32
        %add3A_501 = arith.addi %mul3A_56, %add3A_500 : i32
        %get3A_502 = arith.constant 17 : i32
        %get3A_503 = arith.index_cast %get3A_502 : i32 to index
        %get3A_504 = arith.index_cast %add3A_501 : i32 to index
        %get3A_505 = tpu.vector_load %arg8[%get3A_503, %get3A_504] {strides = array<i32>} : memref<32x160xf32, #tpu.memory_space<vmem>>, vector<1x16xf32>,
        %get3A_506 = vector.shape_cast %get3A_505 : vector<1x16xf32> to vector<16xf32>
        %add3A_507 = arith.constant 0 : i32
        %add3A_508 = arith.addi %mul3A_56, %add3A_507 : i32
        %get3A_509 = arith.index_cast %add3A_508 : i32 to index
        %get3A_510 = tpu.vector_load %arg9[%get3A_509] {strides = array<i32>} : memref<160xf32, #tpu.memory_space<vmem>>, vector<16xf32>,
        %get3A_511 = vector.shape_cast %get3A_510 : vector<16xf32> to vector<16xf32>
        %mul3A_512 = arith.mulf %get3A_506, %get3A_511 : vector<16xf32>
        %add3A_513 = arith.constant 16 : i32
        %add3A_514 = arith.addi %mul3A_56, %add3A_513 : i32
        %get3A_515 = arith.constant 17 : i32
        %get3A_516 = arith.index_cast %get3A_515 : i32 to index
        %get3A_517 = arith.index_cast %add3A_514 : i32 to index
        %get3A_518 = tpu.vector_load %arg8[%get3A_516, %get3A_517] {strides = array<i32>} : memref<32x160xf32, #tpu.memory_space<vmem>>, vector<1x16xf32>,
        %get3A_519 = vector.shape_cast %get3A_518 : vector<1x16xf32> to vector<16xf32>
        %add3A_520 = arith.constant 16 : i32
        %add3A_521 = arith.addi %mul3A_56, %add3A_520 : i32
        %get3A_522 = arith.index_cast %add3A_521 : i32 to index
        %get3A_523 = tpu.vector_load %arg9[%get3A_522] {strides = array<i32>} : memref<160xf32, #tpu.memory_space<vmem>>, vector<16xf32>,
        %get3A_524 = vector.shape_cast %get3A_523 : vector<16xf32> to vector<16xf32>
        %mul3A_525 = arith.mulf %get3A_519, %get3A_524 : vector<16xf32>
        %add3A_526 = arith.constant 0 : i32
        %add3A_527 = arith.addi %mul3A_56, %add3A_526 : i32
        %get3A_528 = arith.constant 18 : i32
        %get3A_529 = arith.index_cast %get3A_528 : i32 to index
        %get3A_530 = arith.index_cast %add3A_527 : i32 to index
        %get3A_531 = tpu.vector_load %arg8[%get3A_529, %get3A_530] {strides = array<i32>} : memref<32x160xf32, #tpu.memory_space<vmem>>, vector<1x16xf32>,
        %get3A_532 = vector.shape_cast %get3A_531 : vector<1x16xf32> to vector<16xf32>
        %add3A_533 = arith.constant 0 : i32
        %add3A_534 = arith.addi %mul3A_56, %add3A_533 : i32
        %get3A_535 = arith.index_cast %add3A_534 : i32 to index
        %get3A_536 = tpu.vector_load %arg9[%get3A_535] {strides = array<i32>} : memref<160xf32, #tpu.memory_space<vmem>>, vector<16xf32>,
        %get3A_537 = vector.shape_cast %get3A_536 : vector<16xf32> to vector<16xf32>
        %mul3A_538 = arith.mulf %get3A_532, %get3A_537 : vector<16xf32>
        %add3A_539 = arith.constant 16 : i32
        %add3A_540 = arith.addi %mul3A_56, %add3A_539 : i32
        %get3A_541 = arith.constant 18 : i32
        %get3A_542 = arith.index_cast %get3A_541 : i32 to index
        %get3A_543 = arith.index_cast %add3A_540 : i32 to index
        %get3A_544 = tpu.vector_load %arg8[%get3A_542, %get3A_543] {strides = array<i32>} : memref<32x160xf32, #tpu.memory_space<vmem>>, vector<1x16xf32>,
        %get3A_545 = vector.shape_cast %get3A_544 : vector<1x16xf32> to vector<16xf32>
        %add3A_546 = arith.constant 16 : i32
        %add3A_547 = arith.addi %mul3A_56, %add3A_546 : i32
        %get3A_548 = arith.index_cast %add3A_547 : i32 to index
        %get3A_549 = tpu.vector_load %arg9[%get3A_548] {strides = array<i32>} : memref<160xf32, #tpu.memory_space<vmem>>, vector<16xf32>,
        %get3A_550 = vector.shape_cast %get3A_549 : vector<16xf32> to vector<16xf32>
        %mul3A_551 = arith.mulf %get3A_545, %get3A_550 : vector<16xf32>
        %add3A_552 = arith.constant 0 : i32
        %add3A_553 = arith.addi %mul3A_56, %add3A_552 : i32
        %get3A_554 = arith.constant 19 : i32
        %get3A_555 = arith.index_cast %get3A_554 : i32 to index
        %get3A_556 = arith.index_cast %add3A_553 : i32 to index
        %get3A_557 = tpu.vector_load %arg8[%get3A_555, %get3A_556] {strides = array<i32>} : memref<32x160xf32, #tpu.memory_space<vmem>>, vector<1x16xf32>,
        %get3A_558 = vector.shape_cast %get3A_557 : vector<1x16xf32> to vector<16xf32>
        %add3A_559 = arith.constant 0 : i32
        %add3A_560 = arith.addi %mul3A_56, %add3A_559 : i32
        %get3A_561 = arith.index_cast %add3A_560 : i32 to index
        %get3A_562 = tpu.vector_load %arg9[%get3A_561] {strides = array<i32>} : memref<160xf32, #tpu.memory_space<vmem>>, vector<16xf32>,
        %get3A_563 = vector.shape_cast %get3A_562 : vector<16xf32> to vector<16xf32>
        %mul3A_564 = arith.mulf %get3A_558, %get3A_563 : vector<16xf32>
        %add3A_565 = arith.constant 16 : i32
        %add3A_566 = arith.addi %mul3A_56, %add3A_565 : i32
        %get3A_567 = arith.constant 19 : i32
        %get3A_568 = arith.index_cast %get3A_567 : i32 to index
        %get3A_569 = arith.index_cast %add3A_566 : i32 to index
        %get3A_570 = tpu.vector_load %arg8[%get3A_568, %get3A_569] {strides = array<i32>} : memref<32x160xf32, #tpu.memory_space<vmem>>, vector<1x16xf32>,
        %get3A_571 = vector.shape_cast %get3A_570 : vector<1x16xf32> to vector<16xf32>
        %add3A_572 = arith.constant 16 : i32
        %add3A_573 = arith.addi %mul3A_56, %add3A_572 : i32
        %get3A_574 = arith.index_cast %add3A_573 : i32 to index
        %get3A_575 = tpu.vector_load %arg9[%get3A_574] {strides = array<i32>} : memref<160xf32, #tpu.memory_space<vmem>>, vector<16xf32>,
        %get3A_576 = vector.shape_cast %get3A_575 : vector<16xf32> to vector<16xf32>
        %mul3A_577 = arith.mulf %get3A_571, %get3A_576 : vector<16xf32>
        %add3A_578 = arith.constant 0 : i32
        %add3A_579 = arith.addi %mul3A_56, %add3A_578 : i32
        %get3A_580 = arith.constant 20 : i32
        %get3A_581 = arith.index_cast %get3A_580 : i32 to index
        %get3A_582 = arith.index_cast %add3A_579 : i32 to index
        %get3A_583 = tpu.vector_load %arg8[%get3A_581, %get3A_582] {strides = array<i32>} : memref<32x160xf32, #tpu.memory_space<vmem>>, vector<1x16xf32>,
        %get3A_584 = vector.shape_cast %get3A_583 : vector<1x16xf32> to vector<16xf32>
        %add3A_585 = arith.constant 0 : i32
        %add3A_586 = arith.addi %mul3A_56, %add3A_585 : i32
        %get3A_587 = arith.index_cast %add3A_586 : i32 to index
        %get3A_588 = tpu.vector_load %arg9[%get3A_587] {strides = array<i32>} : memref<160xf32, #tpu.memory_space<vmem>>, vector<16xf32>,
        %get3A_589 = vector.shape_cast %get3A_588 : vector<16xf32> to vector<16xf32>
        %mul3A_590 = arith.mulf %get3A_584, %get3A_589 : vector<16xf32>
        %add3A_591 = arith.constant 16 : i32
        %add3A_592 = arith.addi %mul3A_56, %add3A_591 : i32
        %get3A_593 = arith.constant 20 : i32
        %get3A_594 = arith.index_cast %get3A_593 : i32 to index
        %get3A_595 = arith.index_cast %add3A_592 : i32 to index
        %get3A_596 = tpu.vector_load %arg8[%get3A_594, %get3A_595] {strides = array<i32>} : memref<32x160xf32, #tpu.memory_space<vmem>>, vector<1x16xf32>,
        %get3A_597 = vector.shape_cast %get3A_596 : vector<1x16xf32> to vector<16xf32>
        %add3A_598 = arith.constant 16 : i32
        %add3A_599 = arith.addi %mul3A_56, %add3A_598 : i32
        %get3A_600 = arith.index_cast %add3A_599 : i32 to index
        %get3A_601 = tpu.vector_load %arg9[%get3A_600] {strides = array<i32>} : memref<160xf32, #tpu.memory_space<vmem>>, vector<16xf32>,
        %get3A_602 = vector.shape_cast %get3A_601 : vector<16xf32> to vector<16xf32>
        %mul3A_603 = arith.mulf %get3A_597, %get3A_602 : vector<16xf32>
        %add3A_604 = arith.constant 0 : i32
        %add3A_605 = arith.addi %mul3A_56, %add3A_604 : i32
        %get3A_606 = arith.constant 21 : i32
        %get3A_607 = arith.index_cast %get3A_606 : i32 to index
        %get3A_608 = arith.index_cast %add3A_605 : i32 to index
        %get3A_609 = tpu.vector_load %arg8[%get3A_607, %get3A_608] {strides = array<i32>} : memref<32x160xf32, #tpu.memory_space<vmem>>, vector<1x16xf32>,
        %get3A_610 = vector.shape_cast %get3A_609 : vector<1x16xf32> to vector<16xf32>
        %add3A_611 = arith.constant 0 : i32
        %add3A_612 = arith.addi %mul3A_56, %add3A_611 : i32
        %get3A_613 = arith.index_cast %add3A_612 : i32 to index
        %get3A_614 = tpu.vector_load %arg9[%get3A_613] {strides = array<i32>} : memref<160xf32, #tpu.memory_space<vmem>>, vector<16xf32>,
        %get3A_615 = vector.shape_cast %get3A_614 : vector<16xf32> to vector<16xf32>
        %mul3A_616 = arith.mulf %get3A_610, %get3A_615 : vector<16xf32>
        %add3A_617 = arith.constant 16 : i32
        %add3A_618 = arith.addi %mul3A_56, %add3A_617 : i32
        %get3A_619 = arith.constant 21 : i32
        %get3A_620 = arith.index_cast %get3A_619 : i32 to index
        %get3A_621 = arith.index_cast %add3A_618 : i32 to index
        %get3A_622 = tpu.vector_load %arg8[%get3A_620, %get3A_621] {strides = array<i32>} : memref<32x160xf32, #tpu.memory_space<vmem>>, vector<1x16xf32>,
        %get3A_623 = vector.shape_cast %get3A_622 : vector<1x16xf32> to vector<16xf32>
        %add3A_624 = arith.constant 16 : i32
        %add3A_625 = arith.addi %mul3A_56, %add3A_624 : i32
        %get3A_626 = arith.index_cast %add3A_625 : i32 to index
        %get3A_627 = tpu.vector_load %arg9[%get3A_626] {strides = array<i32>} : memref<160xf32, #tpu.memory_space<vmem>>, vector<16xf32>,
        %get3A_628 = vector.shape_cast %get3A_627 : vector<16xf32> to vector<16xf32>
        %mul3A_629 = arith.mulf %get3A_623, %get3A_628 : vector<16xf32>
        %add3A_630 = arith.constant 0 : i32
        %add3A_631 = arith.addi %mul3A_56, %add3A_630 : i32
        %get3A_632 = arith.constant 22 : i32
        %get3A_633 = arith.index_cast %get3A_632 : i32 to index
        %get3A_634 = arith.index_cast %add3A_631 : i32 to index
        %get3A_635 = tpu.vector_load %arg8[%get3A_633, %get3A_634] {strides = array<i32>} : memref<32x160xf32, #tpu.memory_space<vmem>>, vector<1x16xf32>,
        %get3A_636 = vector.shape_cast %get3A_635 : vector<1x16xf32> to vector<16xf32>
        %add3A_637 = arith.constant 0 : i32
        %add3A_638 = arith.addi %mul3A_56, %add3A_637 : i32
        %get3A_639 = arith.index_cast %add3A_638 : i32 to index
        %get3A_640 = tpu.vector_load %arg9[%get3A_639] {strides = array<i32>} : memref<160xf32, #tpu.memory_space<vmem>>, vector<16xf32>,
        %get3A_641 = vector.shape_cast %get3A_640 : vector<16xf32> to vector<16xf32>
        %mul3A_642 = arith.mulf %get3A_636, %get3A_641 : vector<16xf32>
        %add3A_643 = arith.constant 16 : i32
        %add3A_644 = arith.addi %mul3A_56, %add3A_643 : i32
        %get3A_645 = arith.constant 22 : i32
        %get3A_646 = arith.index_cast %get3A_645 : i32 to index
        %get3A_647 = arith.index_cast %add3A_644 : i32 to index
        %get3A_648 = tpu.vector_load %arg8[%get3A_646, %get3A_647] {strides = array<i32>} : memref<32x160xf32, #tpu.memory_space<vmem>>, vector<1x16xf32>,
        %get3A_649 = vector.shape_cast %get3A_648 : vector<1x16xf32> to vector<16xf32>
        %add3A_650 = arith.constant 16 : i32
        %add3A_651 = arith.addi %mul3A_56, %add3A_650 : i32
        %get3A_652 = arith.index_cast %add3A_651 : i32 to index
        %get3A_653 = tpu.vector_load %arg9[%get3A_652] {strides = array<i32>} : memref<160xf32, #tpu.memory_space<vmem>>, vector<16xf32>,
        %get3A_654 = vector.shape_cast %get3A_653 : vector<16xf32> to vector<16xf32>
        %mul3A_655 = arith.mulf %get3A_649, %get3A_654 : vector<16xf32>
        %add3A_656 = arith.constant 0 : i32
        %add3A_657 = arith.addi %mul3A_56, %add3A_656 : i32
        %get3A_658 = arith.constant 23 : i32
        %get3A_659 = arith.index_cast %get3A_658 : i32 to index
        %get3A_660 = arith.index_cast %add3A_657 : i32 to index
        %get3A_661 = tpu.vector_load %arg8[%get3A_659, %get3A_660] {strides = array<i32>} : memref<32x160xf32, #tpu.memory_space<vmem>>, vector<1x16xf32>,
        %get3A_662 = vector.shape_cast %get3A_661 : vector<1x16xf32> to vector<16xf32>
        %add3A_663 = arith.constant 0 : i32
        %add3A_664 = arith.addi %mul3A_56, %add3A_663 : i32
        %get3A_665 = arith.index_cast %add3A_664 : i32 to index
        %get3A_666 = tpu.vector_load %arg9[%get3A_665] {strides = array<i32>} : memref<160xf32, #tpu.memory_space<vmem>>, vector<16xf32>,
        %get3A_667 = vector.shape_cast %get3A_666 : vector<16xf32> to vector<16xf32>
        %mul3A_668 = arith.mulf %get3A_662, %get3A_667 : vector<16xf32>
        %add3A_669 = arith.constant 16 : i32
        %add3A_670 = arith.addi %mul3A_56, %add3A_669 : i32
        %get3A_671 = arith.constant 23 : i32
        %get3A_672 = arith.index_cast %get3A_671 : i32 to index
        %get3A_673 = arith.index_cast %add3A_670 : i32 to index
        %get3A_674 = tpu.vector_load %arg8[%get3A_672, %get3A_673] {strides = array<i32>} : memref<32x160xf32, #tpu.memory_space<vmem>>, vector<1x16xf32>,
        %get3A_675 = vector.shape_cast %get3A_674 : vector<1x16xf32> to vector<16xf32>
        %add3A_676 = arith.constant 16 : i32
        %add3A_677 = arith.addi %mul3A_56, %add3A_676 : i32
        %get3A_678 = arith.index_cast %add3A_677 : i32 to index
        %get3A_679 = tpu.vector_load %arg9[%get3A_678] {strides = array<i32>} : memref<160xf32, #tpu.memory_space<vmem>>, vector<16xf32>,
        %get3A_680 = vector.shape_cast %get3A_679 : vector<16xf32> to vector<16xf32>
        %mul3A_681 = arith.mulf %get3A_675, %get3A_680 : vector<16xf32>
        %add3A_682 = arith.constant 0 : i32
        %add3A_683 = arith.addi %mul3A_56, %add3A_682 : i32
        %get3A_684 = arith.constant 24 : i32
        %get3A_685 = arith.index_cast %get3A_684 : i32 to index
        %get3A_686 = arith.index_cast %add3A_683 : i32 to index
        %get3A_687 = tpu.vector_load %arg8[%get3A_685, %get3A_686] {strides = array<i32>} : memref<32x160xf32, #tpu.memory_space<vmem>>, vector<1x16xf32>,
        %get3A_688 = vector.shape_cast %get3A_687 : vector<1x16xf32> to vector<16xf32>
        %add3A_689 = arith.constant 0 : i32
        %add3A_690 = arith.addi %mul3A_56, %add3A_689 : i32
        %get3A_691 = arith.index_cast %add3A_690 : i32 to index
        %get3A_692 = tpu.vector_load %arg9[%get3A_691] {strides = array<i32>} : memref<160xf32, #tpu.memory_space<vmem>>, vector<16xf32>,
        %get3A_693 = vector.shape_cast %get3A_692 : vector<16xf32> to vector<16xf32>
        %mul3A_694 = arith.mulf %get3A_688, %get3A_693 : vector<16xf32>
        %add3A_695 = arith.constant 16 : i32
        %add3A_696 = arith.addi %mul3A_56, %add3A_695 : i32
        %get3A_697 = arith.constant 24 : i32
        %get3A_698 = arith.index_cast %get3A_697 : i32 to index
        %get3A_699 = arith.index_cast %add3A_696 : i32 to index
        %get3A_700 = tpu.vector_load %arg8[%get3A_698, %get3A_699] {strides = array<i32>} : memref<32x160xf32, #tpu.memory_space<vmem>>, vector<1x16xf32>,
        %get3A_701 = vector.shape_cast %get3A_700 : vector<1x16xf32> to vector<16xf32>
        %add3A_702 = arith.constant 16 : i32
        %add3A_703 = arith.addi %mul3A_56, %add3A_702 : i32
        %get3A_704 = arith.index_cast %add3A_703 : i32 to index
        %get3A_705 = tpu.vector_load %arg9[%get3A_704] {strides = array<i32>} : memref<160xf32, #tpu.memory_space<vmem>>, vector<16xf32>,
        %get3A_706 = vector.shape_cast %get3A_705 : vector<16xf32> to vector<16xf32>
        %mul3A_707 = arith.mulf %get3A_701, %get3A_706 : vector<16xf32>
        %add3A_708 = arith.constant 0 : i32
        %add3A_709 = arith.addi %mul3A_56, %add3A_708 : i32
        %get3A_710 = arith.constant 25 : i32
        %get3A_711 = arith.index_cast %get3A_710 : i32 to index
        %get3A_712 = arith.index_cast %add3A_709 : i32 to index
        %get3A_713 = tpu.vector_load %arg8[%get3A_711, %get3A_712] {strides = array<i32>} : memref<32x160xf32, #tpu.memory_space<vmem>>, vector<1x16xf32>,
        %get3A_714 = vector.shape_cast %get3A_713 : vector<1x16xf32> to vector<16xf32>
        %add3A_715 = arith.constant 0 : i32
        %add3A_716 = arith.addi %mul3A_56, %add3A_715 : i32
        %get3A_717 = arith.index_cast %add3A_716 : i32 to index
        %get3A_718 = tpu.vector_load %arg9[%get3A_717] {strides = array<i32>} : memref<160xf32, #tpu.memory_space<vmem>>, vector<16xf32>,
        %get3A_719 = vector.shape_cast %get3A_718 : vector<16xf32> to vector<16xf32>
        %mul3A_720 = arith.mulf %get3A_714, %get3A_719 : vector<16xf32>
        %add3A_721 = arith.constant 16 : i32
        %add3A_722 = arith.addi %mul3A_56, %add3A_721 : i32
        %get3A_723 = arith.constant 25 : i32
        %get3A_724 = arith.index_cast %get3A_723 : i32 to index
        %get3A_725 = arith.index_cast %add3A_722 : i32 to index
        %get3A_726 = tpu.vector_load %arg8[%get3A_724, %get3A_725] {strides = array<i32>} : memref<32x160xf32, #tpu.memory_space<vmem>>, vector<1x16xf32>,
        %get3A_727 = vector.shape_cast %get3A_726 : vector<1x16xf32> to vector<16xf32>
        %add3A_728 = arith.constant 16 : i32
        %add3A_729 = arith.addi %mul3A_56, %add3A_728 : i32
        %get3A_730 = arith.index_cast %add3A_729 : i32 to index
        %get3A_731 = tpu.vector_load %arg9[%get3A_730] {strides = array<i32>} : memref<160xf32, #tpu.memory_space<vmem>>, vector<16xf32>,
        %get3A_732 = vector.shape_cast %get3A_731 : vector<16xf32> to vector<16xf32>
        %mul3A_733 = arith.mulf %get3A_727, %get3A_732 : vector<16xf32>
        %add3A_734 = arith.constant 0 : i32
        %add3A_735 = arith.addi %mul3A_56, %add3A_734 : i32
        %get3A_736 = arith.constant 26 : i32
        %get3A_737 = arith.index_cast %get3A_736 : i32 to index
        %get3A_738 = arith.index_cast %add3A_735 : i32 to index
        %get3A_739 = tpu.vector_load %arg8[%get3A_737, %get3A_738] {strides = array<i32>} : memref<32x160xf32, #tpu.memory_space<vmem>>, vector<1x16xf32>,
        %get3A_740 = vector.shape_cast %get3A_739 : vector<1x16xf32> to vector<16xf32>
        %add3A_741 = arith.constant 0 : i32
        %add3A_742 = arith.addi %mul3A_56, %add3A_741 : i32
        %get3A_743 = arith.index_cast %add3A_742 : i32 to index
        %get3A_744 = tpu.vector_load %arg9[%get3A_743] {strides = array<i32>} : memref<160xf32, #tpu.memory_space<vmem>>, vector<16xf32>,
        %get3A_745 = vector.shape_cast %get3A_744 : vector<16xf32> to vector<16xf32>
        %mul3A_746 = arith.mulf %get3A_740, %get3A_745 : vector<16xf32>
        %add3A_747 = arith.constant 16 : i32
        %add3A_748 = arith.addi %mul3A_56, %add3A_747 : i32
        %get3A_749 = arith.constant 26 : i32
        %get3A_750 = arith.index_cast %get3A_749 : i32 to index
        %get3A_751 = arith.index_cast %add3A_748 : i32 to index
        %get3A_752 = tpu.vector_load %arg8[%get3A_750, %get3A_751] {strides = array<i32>} : memref<32x160xf32, #tpu.memory_space<vmem>>, vector<1x16xf32>,
        %get3A_753 = vector.shape_cast %get3A_752 : vector<1x16xf32> to vector<16xf32>
        %add3A_754 = arith.constant 16 : i32
        %add3A_755 = arith.addi %mul3A_56, %add3A_754 : i32
        %get3A_756 = arith.index_cast %add3A_755 : i32 to index
        %get3A_757 = tpu.vector_load %arg9[%get3A_756] {strides = array<i32>} : memref<160xf32, #tpu.memory_space<vmem>>, vector<16xf32>,
        %get3A_758 = vector.shape_cast %get3A_757 : vector<16xf32> to vector<16xf32>
        %mul3A_759 = arith.mulf %get3A_753, %get3A_758 : vector<16xf32>
        %add3A_760 = arith.constant 0 : i32
        %add3A_761 = arith.addi %mul3A_56, %add3A_760 : i32
        %get3A_762 = arith.constant 27 : i32
        %get3A_763 = arith.index_cast %get3A_762 : i32 to index
        %get3A_764 = arith.index_cast %add3A_761 : i32 to index
        %get3A_765 = tpu.vector_load %arg8[%get3A_763, %get3A_764] {strides = array<i32>} : memref<32x160xf32, #tpu.memory_space<vmem>>, vector<1x16xf32>,
        %get3A_766 = vector.shape_cast %get3A_765 : vector<1x16xf32> to vector<16xf32>
        %add3A_767 = arith.constant 0 : i32
        %add3A_768 = arith.addi %mul3A_56, %add3A_767 : i32
        %get3A_769 = arith.index_cast %add3A_768 : i32 to index
        %get3A_770 = tpu.vector_load %arg9[%get3A_769] {strides = array<i32>} : memref<160xf32, #tpu.memory_space<vmem>>, vector<16xf32>,
        %get3A_771 = vector.shape_cast %get3A_770 : vector<16xf32> to vector<16xf32>
        %mul3A_772 = arith.mulf %get3A_766, %get3A_771 : vector<16xf32>
        %add3A_773 = arith.constant 16 : i32
        %add3A_774 = arith.addi %mul3A_56, %add3A_773 : i32
        %get3A_775 = arith.constant 27 : i32
        %get3A_776 = arith.index_cast %get3A_775 : i32 to index
        %get3A_777 = arith.index_cast %add3A_774 : i32 to index
        %get3A_778 = tpu.vector_load %arg8[%get3A_776, %get3A_777] {strides = array<i32>} : memref<32x160xf32, #tpu.memory_space<vmem>>, vector<1x16xf32>,
        %get3A_779 = vector.shape_cast %get3A_778 : vector<1x16xf32> to vector<16xf32>
        %add3A_780 = arith.constant 16 : i32
        %add3A_781 = arith.addi %mul3A_56, %add3A_780 : i32
        %get3A_782 = arith.index_cast %add3A_781 : i32 to index
        %get3A_783 = tpu.vector_load %arg9[%get3A_782] {strides = array<i32>} : memref<160xf32, #tpu.memory_space<vmem>>, vector<16xf32>,
        %get3A_784 = vector.shape_cast %get3A_783 : vector<16xf32> to vector<16xf32>
        %mul3A_785 = arith.mulf %get3A_779, %get3A_784 : vector<16xf32>
        %add3A_786 = arith.constant 0 : i32
        %add3A_787 = arith.addi %mul3A_56, %add3A_786 : i32
        %get3A_788 = arith.constant 28 : i32
        %get3A_789 = arith.index_cast %get3A_788 : i32 to index
        %get3A_790 = arith.index_cast %add3A_787 : i32 to index
        %get3A_791 = tpu.vector_load %arg8[%get3A_789, %get3A_790] {strides = array<i32>} : memref<32x160xf32, #tpu.memory_space<vmem>>, vector<1x16xf32>,
        %get3A_792 = vector.shape_cast %get3A_791 : vector<1x16xf32> to vector<16xf32>
        %add3A_793 = arith.constant 0 : i32
        %add3A_794 = arith.addi %mul3A_56, %add3A_793 : i32
        %get3A_795 = arith.index_cast %add3A_794 : i32 to index
        %get3A_796 = tpu.vector_load %arg9[%get3A_795] {strides = array<i32>} : memref<160xf32, #tpu.memory_space<vmem>>, vector<16xf32>,
        %get3A_797 = vector.shape_cast %get3A_796 : vector<16xf32> to vector<16xf32>
        %mul3A_798 = arith.mulf %get3A_792, %get3A_797 : vector<16xf32>
        %add3A_799 = arith.constant 16 : i32
        %add3A_800 = arith.addi %mul3A_56, %add3A_799 : i32
        %get3A_801 = arith.constant 28 : i32
        %get3A_802 = arith.index_cast %get3A_801 : i32 to index
        %get3A_803 = arith.index_cast %add3A_800 : i32 to index
        %get3A_804 = tpu.vector_load %arg8[%get3A_802, %get3A_803] {strides = array<i32>} : memref<32x160xf32, #tpu.memory_space<vmem>>, vector<1x16xf32>,
        %get3A_805 = vector.shape_cast %get3A_804 : vector<1x16xf32> to vector<16xf32>
        %add3A_806 = arith.constant 16 : i32
        %add3A_807 = arith.addi %mul3A_56, %add3A_806 : i32
        %get3A_808 = arith.index_cast %add3A_807 : i32 to index
        %get3A_809 = tpu.vector_load %arg9[%get3A_808] {strides = array<i32>} : memref<160xf32, #tpu.memory_space<vmem>>, vector<16xf32>,
        %get3A_810 = vector.shape_cast %get3A_809 : vector<16xf32> to vector<16xf32>
        %mul3A_811 = arith.mulf %get3A_805, %get3A_810 : vector<16xf32>
        %add3A_812 = arith.constant 0 : i32
        %add3A_813 = arith.addi %mul3A_56, %add3A_812 : i32
        %get3A_814 = arith.constant 29 : i32
        %get3A_815 = arith.index_cast %get3A_814 : i32 to index
        %get3A_816 = arith.index_cast %add3A_813 : i32 to index
        %get3A_817 = tpu.vector_load %arg8[%get3A_815, %get3A_816] {strides = array<i32>} : memref<32x160xf32, #tpu.memory_space<vmem>>, vector<1x16xf32>,
        %get3A_818 = vector.shape_cast %get3A_817 : vector<1x16xf32> to vector<16xf32>
        %add3A_819 = arith.constant 0 : i32
        %add3A_820 = arith.addi %mul3A_56, %add3A_819 : i32
        %get3A_821 = arith.index_cast %add3A_820 : i32 to index
        %get3A_822 = tpu.vector_load %arg9[%get3A_821] {strides = array<i32>} : memref<160xf32, #tpu.memory_space<vmem>>, vector<16xf32>,
        %get3A_823 = vector.shape_cast %get3A_822 : vector<16xf32> to vector<16xf32>
        %mul3A_824 = arith.mulf %get3A_818, %get3A_823 : vector<16xf32>
        %add3A_825 = arith.constant 16 : i32
        %add3A_826 = arith.addi %mul3A_56, %add3A_825 : i32
        %get3A_827 = arith.constant 29 : i32
        %get3A_828 = arith.index_cast %get3A_827 : i32 to index
        %get3A_829 = arith.index_cast %add3A_826 : i32 to index
        %get3A_830 = tpu.vector_load %arg8[%get3A_828, %get3A_829] {strides = array<i32>} : memref<32x160xf32, #tpu.memory_space<vmem>>, vector<1x16xf32>,
        %get3A_831 = vector.shape_cast %get3A_830 : vector<1x16xf32> to vector<16xf32>
        %add3A_832 = arith.constant 16 : i32
        %add3A_833 = arith.addi %mul3A_56, %add3A_832 : i32
        %get3A_834 = arith.index_cast %add3A_833 : i32 to index
        %get3A_835 = tpu.vector_load %arg9[%get3A_834] {strides = array<i32>} : memref<160xf32, #tpu.memory_space<vmem>>, vector<16xf32>,
        %get3A_836 = vector.shape_cast %get3A_835 : vector<16xf32> to vector<16xf32>
        %mul3A_837 = arith.mulf %get3A_831, %get3A_836 : vector<16xf32>
        %add3A_838 = arith.constant 0 : i32
        %add3A_839 = arith.addi %mul3A_56, %add3A_838 : i32
        %get3A_840 = arith.constant 30 : i32
        %get3A_841 = arith.index_cast %get3A_840 : i32 to index
        %get3A_842 = arith.index_cast %add3A_839 : i32 to index
        %get3A_843 = tpu.vector_load %arg8[%get3A_841, %get3A_842] {strides = array<i32>} : memref<32x160xf32, #tpu.memory_space<vmem>>, vector<1x16xf32>,
        %get3A_844 = vector.shape_cast %get3A_843 : vector<1x16xf32> to vector<16xf32>
        %add3A_845 = arith.constant 0 : i32
        %add3A_846 = arith.addi %mul3A_56, %add3A_845 : i32
        %get3A_847 = arith.index_cast %add3A_846 : i32 to index
        %get3A_848 = tpu.vector_load %arg9[%get3A_847] {strides = array<i32>} : memref<160xf32, #tpu.memory_space<vmem>>, vector<16xf32>,
        %get3A_849 = vector.shape_cast %get3A_848 : vector<16xf32> to vector<16xf32>
        %mul3A_850 = arith.mulf %get3A_844, %get3A_849 : vector<16xf32>
        %add3A_851 = arith.constant 16 : i32
        %add3A_852 = arith.addi %mul3A_56, %add3A_851 : i32
        %get3A_853 = arith.constant 30 : i32
        %get3A_854 = arith.index_cast %get3A_853 : i32 to index
        %get3A_855 = arith.index_cast %add3A_852 : i32 to index
        %get3A_856 = tpu.vector_load %arg8[%get3A_854, %get3A_855] {strides = array<i32>} : memref<32x160xf32, #tpu.memory_space<vmem>>, vector<1x16xf32>,
        %get3A_857 = vector.shape_cast %get3A_856 : vector<1x16xf32> to vector<16xf32>
        %add3A_858 = arith.constant 16 : i32
        %add3A_859 = arith.addi %mul3A_56, %add3A_858 : i32
        %get3A_860 = arith.index_cast %add3A_859 : i32 to index
        %get3A_861 = tpu.vector_load %arg9[%get3A_860] {strides = array<i32>} : memref<160xf32, #tpu.memory_space<vmem>>, vector<16xf32>,
        %get3A_862 = vector.shape_cast %get3A_861 : vector<16xf32> to vector<16xf32>
        %mul3A_863 = arith.mulf %get3A_857, %get3A_862 : vector<16xf32>
        %add3A_864 = arith.constant 0 : i32
        %add3A_865 = arith.addi %mul3A_56, %add3A_864 : i32
        %get3A_866 = arith.constant 31 : i32
        %get3A_867 = arith.index_cast %get3A_866 : i32 to index
        %get3A_868 = arith.index_cast %add3A_865 : i32 to index
        %get3A_869 = tpu.vector_load %arg8[%get3A_867, %get3A_868] {strides = array<i32>} : memref<32x160xf32, #tpu.memory_space<vmem>>, vector<1x16xf32>,
        %get3A_870 = vector.shape_cast %get3A_869 : vector<1x16xf32> to vector<16xf32>
        %add3A_871 = arith.constant 0 : i32
        %add3A_872 = arith.addi %mul3A_56, %add3A_871 : i32
        %get3A_873 = arith.index_cast %add3A_872 : i32 to index
        %get3A_874 = tpu.vector_load %arg9[%get3A_873] {strides = array<i32>} : memref<160xf32, #tpu.memory_space<vmem>>, vector<16xf32>,
        %get3A_875 = vector.shape_cast %get3A_874 : vector<16xf32> to vector<16xf32>
        %mul3A_876 = arith.mulf %get3A_870, %get3A_875 : vector<16xf32>
        %add3A_877 = arith.constant 16 : i32
        %add3A_878 = arith.addi %mul3A_56, %add3A_877 : i32
        %get3A_879 = arith.constant 31 : i32
        %get3A_880 = arith.index_cast %get3A_879 : i32 to index
        %get3A_881 = arith.index_cast %add3A_878 : i32 to index
        %get3A_882 = tpu.vector_load %arg8[%get3A_880, %get3A_881] {strides = array<i32>} : memref<32x160xf32, #tpu.memory_space<vmem>>, vector<1x16xf32>,
        %get3A_883 = vector.shape_cast %get3A_882 : vector<1x16xf32> to vector<16xf32>
        %add3A_884 = arith.constant 16 : i32
        %add3A_885 = arith.addi %mul3A_56, %add3A_884 : i32
        %get3A_886 = arith.index_cast %add3A_885 : i32 to index
        %get3A_887 = tpu.vector_load %arg9[%get3A_886] {strides = array<i32>} : memref<160xf32, #tpu.memory_space<vmem>>, vector<16xf32>,
        %get3A_888 = vector.shape_cast %get3A_887 : vector<16xf32> to vector<16xf32>
        %mul3A_889 = arith.mulf %get3A_883, %get3A_888 : vector<16xf32>
        %parallel_loop3A_890 = arith.constant 0 : i32
        %parallel_loop3A_891 = arith.constant 64 : i32
        %parallel_loop3A_892 = arith.constant 1 : i32
        scf.for %parallel_loop3A_893 = %parallel_loop3A_890 to %parallel_loop3A_891 step %parallel_loop3A_892  : i32 {
          %parallel_loop3A_894 = arith.index_cast %parallel_loop3A_893 : i32 to index
          %parallel_loop3A_895 = arith.constant 16 : index
          %parallel_loop3A_896 = tpu.vector_load %arg11[%parallel_loop3A_894, %parallel_loop3A_895] {strides = array<i32>} : memref<64x32xi32, #tpu.memory_space<vmem>>, vector<1x16xi32>,
          %parallel_loop3A_897 = vector.shape_cast %parallel_loop3A_896 : vector<1x16xi32> to vector<16xi32>
          %parallel_loop3A_898 = vector.extract_strided_slice %parallel_loop3A_897 {offsets = [0], sizes = [1], strides = [1]} : vector<16xi32> to vector<1xi32>
          %parallel_loop3A_899 = vector.extract %parallel_loop3A_898[0] : i32 from vector<1xi32>
          %parallel_loop3A_900 = arith.constant 0 : i32
          %parallel_loop3A_901 = arith.addi %mul3A_56, %parallel_loop3A_900 : i32
          %parallel_loop3A_902 = arith.index_cast %parallel_loop3A_899 : i32 to index
          %parallel_loop3A_903 = arith.index_cast %parallel_loop3A_901 : i32 to index
          %parallel_loop3A_904 = tpu.vector_load %arg7[%parallel_loop3A_902, %parallel_loop3A_903] {strides = array<i32>} : memref<256x160xf32, #tpu.memory_space<vmem>>, vector<1x16xf32>,
          %parallel_loop3A_905 = vector.shape_cast %parallel_loop3A_904 : vector<1x16xf32> to vector<16xf32>
          %parallel_loop3A_906 = arith.mulf %parallel_loop3A_905, %mul3A_486 : vector<16xf32>
          %parallel_loop3A_907 = vector.extract_strided_slice %parallel_loop3A_897 {offsets = [1], sizes = [1], strides = [1]} : vector<16xi32> to vector<1xi32>
          %parallel_loop3A_908 = vector.extract %parallel_loop3A_907[0] : i32 from vector<1xi32>
          %parallel_loop3A_909 = arith.constant 0 : i32
          %parallel_loop3A_910 = arith.addi %mul3A_56, %parallel_loop3A_909 : i32
          %parallel_loop3A_911 = arith.index_cast %parallel_loop3A_908 : i32 to index
          %parallel_loop3A_912 = arith.index_cast %parallel_loop3A_910 : i32 to index
          %parallel_loop3A_913 = tpu.vector_load %arg7[%parallel_loop3A_911, %parallel_loop3A_912] {strides = array<i32>} : memref<256x160xf32, #tpu.memory_space<vmem>>, vector<1x16xf32>,
          %parallel_loop3A_914 = vector.shape_cast %parallel_loop3A_913 : vector<1x16xf32> to vector<16xf32>
          %parallel_loop3A_915 = arith.mulf %parallel_loop3A_914, %mul3A_512 : vector<16xf32>
          %parallel_loop3A_916 = arith.addf %parallel_loop3A_906, %parallel_loop3A_915 : vector<16xf32>
          %parallel_loop3A_917 = vector.extract_strided_slice %parallel_loop3A_897 {offsets = [2], sizes = [1], strides = [1]} : vector<16xi32> to vector<1xi32>
          %parallel_loop3A_918 = vector.extract %parallel_loop3A_917[0] : i32 from vector<1xi32>
          %parallel_loop3A_919 = arith.constant 0 : i32
          %parallel_loop3A_920 = arith.addi %mul3A_56, %parallel_loop3A_919 : i32
          %parallel_loop3A_921 = arith.index_cast %parallel_loop3A_918 : i32 to index
          %parallel_loop3A_922 = arith.index_cast %parallel_loop3A_920 : i32 to index
          %parallel_loop3A_923 = tpu.vector_load %arg7[%parallel_loop3A_921, %parallel_loop3A_922] {strides = array<i32>} : memref<256x160xf32, #tpu.memory_space<vmem>>, vector<1x16xf32>,
          %parallel_loop3A_924 = vector.shape_cast %parallel_loop3A_923 : vector<1x16xf32> to vector<16xf32>
          %parallel_loop3A_925 = arith.mulf %parallel_loop3A_924, %mul3A_538 : vector<16xf32>
          %parallel_loop3A_926 = arith.addf %parallel_loop3A_916, %parallel_loop3A_925 : vector<16xf32>
          %parallel_loop3A_927 = vector.extract_strided_slice %parallel_loop3A_897 {offsets = [3], sizes = [1], strides = [1]} : vector<16xi32> to vector<1xi32>
          %parallel_loop3A_928 = vector.extract %parallel_loop3A_927[0] : i32 from vector<1xi32>
          %parallel_loop3A_929 = arith.constant 0 : i32
          %parallel_loop3A_930 = arith.addi %mul3A_56, %parallel_loop3A_929 : i32
          %parallel_loop3A_931 = arith.index_cast %parallel_loop3A_928 : i32 to index
          %parallel_loop3A_932 = arith.index_cast %parallel_loop3A_930 : i32 to index
          %parallel_loop3A_933 = tpu.vector_load %arg7[%parallel_loop3A_931, %parallel_loop3A_932] {strides = array<i32>} : memref<256x160xf32, #tpu.memory_space<vmem>>, vector<1x16xf32>,
          %parallel_loop3A_934 = vector.shape_cast %parallel_loop3A_933 : vector<1x16xf32> to vector<16xf32>
          %parallel_loop3A_935 = arith.mulf %parallel_loop3A_934, %mul3A_564 : vector<16xf32>
          %parallel_loop3A_936 = arith.addf %parallel_loop3A_926, %parallel_loop3A_935 : vector<16xf32>
          %parallel_loop3A_937 = vector.extract_strided_slice %parallel_loop3A_897 {offsets = [4], sizes = [1], strides = [1]} : vector<16xi32> to vector<1xi32>
          %parallel_loop3A_938 = vector.extract %parallel_loop3A_937[0] : i32 from vector<1xi32>
          %parallel_loop3A_939 = arith.constant 0 : i32
          %parallel_loop3A_940 = arith.addi %mul3A_56, %parallel_loop3A_939 : i32
          %parallel_loop3A_941 = arith.index_cast %parallel_loop3A_938 : i32 to index
          %parallel_loop3A_942 = arith.index_cast %parallel_loop3A_940 : i32 to index
          %parallel_loop3A_943 = tpu.vector_load %arg7[%parallel_loop3A_941, %parallel_loop3A_942] {strides = array<i32>} : memref<256x160xf32, #tpu.memory_space<vmem>>, vector<1x16xf32>,
          %parallel_loop3A_944 = vector.shape_cast %parallel_loop3A_943 : vector<1x16xf32> to vector<16xf32>
          %parallel_loop3A_945 = arith.mulf %parallel_loop3A_944, %mul3A_590 : vector<16xf32>
          %parallel_loop3A_946 = arith.addf %parallel_loop3A_936, %parallel_loop3A_945 : vector<16xf32>
          %parallel_loop3A_947 = vector.extract_strided_slice %parallel_loop3A_897 {offsets = [5], sizes = [1], strides = [1]} : vector<16xi32> to vector<1xi32>
          %parallel_loop3A_948 = vector.extract %parallel_loop3A_947[0] : i32 from vector<1xi32>
          %parallel_loop3A_949 = arith.constant 0 : i32
          %parallel_loop3A_950 = arith.addi %mul3A_56, %parallel_loop3A_949 : i32
          %parallel_loop3A_951 = arith.index_cast %parallel_loop3A_948 : i32 to index
          %parallel_loop3A_952 = arith.index_cast %parallel_loop3A_950 : i32 to index
          %parallel_loop3A_953 = tpu.vector_load %arg7[%parallel_loop3A_951, %parallel_loop3A_952] {strides = array<i32>} : memref<256x160xf32, #tpu.memory_space<vmem>>, vector<1x16xf32>,
          %parallel_loop3A_954 = vector.shape_cast %parallel_loop3A_953 : vector<1x16xf32> to vector<16xf32>
          %parallel_loop3A_955 = arith.mulf %parallel_loop3A_954, %mul3A_616 : vector<16xf32>
          %parallel_loop3A_956 = arith.addf %parallel_loop3A_946, %parallel_loop3A_955 : vector<16xf32>
          %parallel_loop3A_957 = vector.extract_strided_slice %parallel_loop3A_897 {offsets = [6], sizes = [1], strides = [1]} : vector<16xi32> to vector<1xi32>
          %parallel_loop3A_958 = vector.extract %parallel_loop3A_957[0] : i32 from vector<1xi32>
          %parallel_loop3A_959 = arith.constant 0 : i32
          %parallel_loop3A_960 = arith.addi %mul3A_56, %parallel_loop3A_959 : i32
          %parallel_loop3A_961 = arith.index_cast %parallel_loop3A_958 : i32 to index
          %parallel_loop3A_962 = arith.index_cast %parallel_loop3A_960 : i32 to index
          %parallel_loop3A_963 = tpu.vector_load %arg7[%parallel_loop3A_961, %parallel_loop3A_962] {strides = array<i32>} : memref<256x160xf32, #tpu.memory_space<vmem>>, vector<1x16xf32>,
          %parallel_loop3A_964 = vector.shape_cast %parallel_loop3A_963 : vector<1x16xf32> to vector<16xf32>
          %parallel_loop3A_965 = arith.mulf %parallel_loop3A_964, %mul3A_642 : vector<16xf32>
          %parallel_loop3A_966 = arith.addf %parallel_loop3A_956, %parallel_loop3A_965 : vector<16xf32>
          %parallel_loop3A_967 = vector.extract_strided_slice %parallel_loop3A_897 {offsets = [7], sizes = [1], strides = [1]} : vector<16xi32> to vector<1xi32>
          %parallel_loop3A_968 = vector.extract %parallel_loop3A_967[0] : i32 from vector<1xi32>
          %parallel_loop3A_969 = arith.constant 0 : i32
          %parallel_loop3A_970 = arith.addi %mul3A_56, %parallel_loop3A_969 : i32
          %parallel_loop3A_971 = arith.index_cast %parallel_loop3A_968 : i32 to index
          %parallel_loop3A_972 = arith.index_cast %parallel_loop3A_970 : i32 to index
          %parallel_loop3A_973 = tpu.vector_load %arg7[%parallel_loop3A_971, %parallel_loop3A_972] {strides = array<i32>} : memref<256x160xf32, #tpu.memory_space<vmem>>, vector<1x16xf32>,
          %parallel_loop3A_974 = vector.shape_cast %parallel_loop3A_973 : vector<1x16xf32> to vector<16xf32>
          %parallel_loop3A_975 = arith.mulf %parallel_loop3A_974, %mul3A_668 : vector<16xf32>
          %parallel_loop3A_976 = arith.addf %parallel_loop3A_966, %parallel_loop3A_975 : vector<16xf32>
          %parallel_loop3A_977 = vector.extract_strided_slice %parallel_loop3A_897 {offsets = [8], sizes = [1], strides = [1]} : vector<16xi32> to vector<1xi32>
          %parallel_loop3A_978 = vector.extract %parallel_loop3A_977[0] : i32 from vector<1xi32>
          %parallel_loop3A_979 = arith.constant 0 : i32
          %parallel_loop3A_980 = arith.addi %mul3A_56, %parallel_loop3A_979 : i32
          %parallel_loop3A_981 = arith.index_cast %parallel_loop3A_978 : i32 to index
          %parallel_loop3A_982 = arith.index_cast %parallel_loop3A_980 : i32 to index
          %parallel_loop3A_983 = tpu.vector_load %arg7[%parallel_loop3A_981, %parallel_loop3A_982] {strides = array<i32>} : memref<256x160xf32, #tpu.memory_space<vmem>>, vector<1x16xf32>,
          %parallel_loop3A_984 = vector.shape_cast %parallel_loop3A_983 : vector<1x16xf32> to vector<16xf32>
          %parallel_loop3A_985 = arith.mulf %parallel_loop3A_984, %mul3A_694 : vector<16xf32>
          %parallel_loop3A_986 = arith.addf %parallel_loop3A_976, %parallel_loop3A_985 : vector<16xf32>
          %parallel_loop3A_987 = vector.extract_strided_slice %parallel_loop3A_897 {offsets = [9], sizes = [1], strides = [1]} : vector<16xi32> to vector<1xi32>
          %parallel_loop3A_988 = vector.extract %parallel_loop3A_987[0] : i32 from vector<1xi32>
          %parallel_loop3A_989 = arith.constant 0 : i32
          %parallel_loop3A_990 = arith.addi %mul3A_56, %parallel_loop3A_989 : i32
          %parallel_loop3A_991 = arith.index_cast %parallel_loop3A_988 : i32 to index
          %parallel_loop3A_992 = arith.index_cast %parallel_loop3A_990 : i32 to index
          %parallel_loop3A_993 = tpu.vector_load %arg7[%parallel_loop3A_991, %parallel_loop3A_992] {strides = array<i32>} : memref<256x160xf32, #tpu.memory_space<vmem>>, vector<1x16xf32>,
          %parallel_loop3A_994 = vector.shape_cast %parallel_loop3A_993 : vector<1x16xf32> to vector<16xf32>
          %parallel_loop3A_995 = arith.mulf %parallel_loop3A_994, %mul3A_720 : vector<16xf32>
          %parallel_loop3A_996 = arith.addf %parallel_loop3A_986, %parallel_loop3A_995 : vector<16xf32>
          %parallel_loop3A_997 = vector.extract_strided_slice %parallel_loop3A_897 {offsets = [10], sizes = [1], strides = [1]} : vector<16xi32> to vector<1xi32>
          %parallel_loop3A_998 = vector.extract %parallel_loop3A_997[0] : i32 from vector<1xi32>
          %parallel_loop3A_999 = arith.constant 0 : i32
          %parallel_loop3A_1000 = arith.addi %mul3A_56, %parallel_loop3A_999 : i32
          %parallel_loop3A_1001 = arith.index_cast %parallel_loop3A_998 : i32 to index
          %parallel_loop3A_1002 = arith.index_cast %parallel_loop3A_1000 : i32 to index
          %parallel_loop3A_1003 = tpu.vector_load %arg7[%parallel_loop3A_1001, %parallel_loop3A_1002] {strides = array<i32>} : memref<256x160xf32, #tpu.memory_space<vmem>>, vector<1x16xf32>,
          %parallel_loop3A_1004 = vector.shape_cast %parallel_loop3A_1003 : vector<1x16xf32> to vector<16xf32>
          %parallel_loop3A_1005 = arith.mulf %parallel_loop3A_1004, %mul3A_746 : vector<16xf32>
          %parallel_loop3A_1006 = arith.addf %parallel_loop3A_996, %parallel_loop3A_1005 : vector<16xf32>
          %parallel_loop3A_1007 = vector.extract_strided_slice %parallel_loop3A_897 {offsets = [11], sizes = [1], strides = [1]} : vector<16xi32> to vector<1xi32>
          %parallel_loop3A_1008 = vector.extract %parallel_loop3A_1007[0] : i32 from vector<1xi32>
          %parallel_loop3A_1009 = arith.constant 0 : i32
          %parallel_loop3A_1010 = arith.addi %mul3A_56, %parallel_loop3A_1009 : i32
          %parallel_loop3A_1011 = arith.index_cast %parallel_loop3A_1008 : i32 to index
          %parallel_loop3A_1012 = arith.index_cast %parallel_loop3A_1010 : i32 to index
          %parallel_loop3A_1013 = tpu.vector_load %arg7[%parallel_loop3A_1011, %parallel_loop3A_1012] {strides = array<i32>} : memref<256x160xf32, #tpu.memory_space<vmem>>, vector<1x16xf32>,
          %parallel_loop3A_1014 = vector.shape_cast %parallel_loop3A_1013 : vector<1x16xf32> to vector<16xf32>
          %parallel_loop3A_1015 = arith.mulf %parallel_loop3A_1014, %mul3A_772 : vector<16xf32>
          %parallel_loop3A_1016 = arith.addf %parallel_loop3A_1006, %parallel_loop3A_1015 : vector<16xf32>
          %parallel_loop3A_1017 = vector.extract_strided_slice %parallel_loop3A_897 {offsets = [12], sizes = [1], strides = [1]} : vector<16xi32> to vector<1xi32>
          %parallel_loop3A_1018 = vector.extract %parallel_loop3A_1017[0] : i32 from vector<1xi32>
          %parallel_loop3A_1019 = arith.constant 0 : i32
          %parallel_loop3A_1020 = arith.addi %mul3A_56, %parallel_loop3A_1019 : i32
          %parallel_loop3A_1021 = arith.index_cast %parallel_loop3A_1018 : i32 to index
          %parallel_loop3A_1022 = arith.index_cast %parallel_loop3A_1020 : i32 to index
          %parallel_loop3A_1023 = tpu.vector_load %arg7[%parallel_loop3A_1021, %parallel_loop3A_1022] {strides = array<i32>} : memref<256x160xf32, #tpu.memory_space<vmem>>, vector<1x16xf32>,
          %parallel_loop3A_1024 = vector.shape_cast %parallel_loop3A_1023 : vector<1x16xf32> to vector<16xf32>
          %parallel_loop3A_1025 = arith.mulf %parallel_loop3A_1024, %mul3A_798 : vector<16xf32>
          %parallel_loop3A_1026 = arith.addf %parallel_loop3A_1016, %parallel_loop3A_1025 : vector<16xf32>
          %parallel_loop3A_1027 = vector.extract_strided_slice %parallel_loop3A_897 {offsets = [13], sizes = [1], strides = [1]} : vector<16xi32> to vector<1xi32>
          %parallel_loop3A_1028 = vector.extract %parallel_loop3A_1027[0] : i32 from vector<1xi32>
          %parallel_loop3A_1029 = arith.constant 0 : i32
          %parallel_loop3A_1030 = arith.addi %mul3A_56, %parallel_loop3A_1029 : i32
          %parallel_loop3A_1031 = arith.index_cast %parallel_loop3A_1028 : i32 to index
          %parallel_loop3A_1032 = arith.index_cast %parallel_loop3A_1030 : i32 to index
          %parallel_loop3A_1033 = tpu.vector_load %arg7[%parallel_loop3A_1031, %parallel_loop3A_1032] {strides = array<i32>} : memref<256x160xf32, #tpu.memory_space<vmem>>, vector<1x16xf32>,
          %parallel_loop3A_1034 = vector.shape_cast %parallel_loop3A_1033 : vector<1x16xf32> to vector<16xf32>
          %parallel_loop3A_1035 = arith.mulf %parallel_loop3A_1034, %mul3A_824 : vector<16xf32>
          %parallel_loop3A_1036 = arith.addf %parallel_loop3A_1026, %parallel_loop3A_1035 : vector<16xf32>
          %parallel_loop3A_1037 = vector.extract_strided_slice %parallel_loop3A_897 {offsets = [14], sizes = [1], strides = [1]} : vector<16xi32> to vector<1xi32>
          %parallel_loop3A_1038 = vector.extract %parallel_loop3A_1037[0] : i32 from vector<1xi32>
          %parallel_loop3A_1039 = arith.constant 0 : i32
          %parallel_loop3A_1040 = arith.addi %mul3A_56, %parallel_loop3A_1039 : i32
          %parallel_loop3A_1041 = arith.index_cast %parallel_loop3A_1038 : i32 to index
          %parallel_loop3A_1042 = arith.index_cast %parallel_loop3A_1040 : i32 to index
          %parallel_loop3A_1043 = tpu.vector_load %arg7[%parallel_loop3A_1041, %parallel_loop3A_1042] {strides = array<i32>} : memref<256x160xf32, #tpu.memory_space<vmem>>, vector<1x16xf32>,
          %parallel_loop3A_1044 = vector.shape_cast %parallel_loop3A_1043 : vector<1x16xf32> to vector<16xf32>
          %parallel_loop3A_1045 = arith.mulf %parallel_loop3A_1044, %mul3A_850 : vector<16xf32>
          %parallel_loop3A_1046 = arith.addf %parallel_loop3A_1036, %parallel_loop3A_1045 : vector<16xf32>
          %parallel_loop3A_1047 = vector.extract_strided_slice %parallel_loop3A_897 {offsets = [15], sizes = [1], strides = [1]} : vector<16xi32> to vector<1xi32>
          %parallel_loop3A_1048 = vector.extract %parallel_loop3A_1047[0] : i32 from vector<1xi32>
          %parallel_loop3A_1049 = arith.constant 0 : i32
          %parallel_loop3A_1050 = arith.addi %mul3A_56, %parallel_loop3A_1049 : i32
          %parallel_loop3A_1051 = arith.index_cast %parallel_loop3A_1048 : i32 to index
          %parallel_loop3A_1052 = arith.index_cast %parallel_loop3A_1050 : i32 to index
          %parallel_loop3A_1053 = tpu.vector_load %arg7[%parallel_loop3A_1051, %parallel_loop3A_1052] {strides = array<i32>} : memref<256x160xf32, #tpu.memory_space<vmem>>, vector<1x16xf32>,
          %parallel_loop3A_1054 = vector.shape_cast %parallel_loop3A_1053 : vector<1x16xf32> to vector<16xf32>
          %parallel_loop3A_1055 = arith.mulf %parallel_loop3A_1054, %mul3A_876 : vector<16xf32>
          %parallel_loop3A_1056 = arith.addf %parallel_loop3A_1046, %parallel_loop3A_1055 : vector<16xf32>
          %parallel_loop3A_1057 = arith.constant 0 : i32
          %parallel_loop3A_1058 = arith.addi %mul3A_56, %parallel_loop3A_1057 : i32
          %parallel_loop3A_1059 = arith.index_cast %parallel_loop3A_893 : i32 to index
          %parallel_loop3A_1060 = arith.index_cast %parallel_loop3A_1058 : i32 to index
          %parallel_loop3A_1061 = tpu.vector_load %arg10[%parallel_loop3A_1059, %parallel_loop3A_1060] {strides = array<i32>} : memref<64x160xf32, #tpu.memory_space<vmem>>, vector<1x16xf32>,
          %parallel_loop3A_1062 = vector.shape_cast %parallel_loop3A_1061 : vector<1x16xf32> to vector<16xf32>
          %parallel_loop3A_1063 = vector.shape_cast %parallel_loop3A_1056 : vector<16xf32> to vector<1x16xf32>
          tpu.vector_store %arg10[%parallel_loop3A_1059, %parallel_loop3A_1060], %parallel_loop3A_1063 {add = true, strides = array<i32>} : memref<64x160xf32, #tpu.memory_space<vmem>>, vector<1x16xf32>,
          %parallel_loop3A_1064 = vector.extract_strided_slice %parallel_loop3A_897 {offsets = [0], sizes = [1], strides = [1]} : vector<16xi32> to vector<1xi32>
          %parallel_loop3A_1065 = vector.extract %parallel_loop3A_1064[0] : i32 from vector<1xi32>
          %parallel_loop3A_1066 = arith.constant 16 : i32
          %parallel_loop3A_1067 = arith.addi %mul3A_56, %parallel_loop3A_1066 : i32
          %parallel_loop3A_1068 = arith.index_cast %parallel_loop3A_1065 : i32 to index
          %parallel_loop3A_1069 = arith.index_cast %parallel_loop3A_1067 : i32 to index
          %parallel_loop3A_1070 = tpu.vector_load %arg7[%parallel_loop3A_1068, %parallel_loop3A_1069] {strides = array<i32>} : memref<256x160xf32, #tpu.memory_space<vmem>>, vector<1x16xf32>,
          %parallel_loop3A_1071 = vector.shape_cast %parallel_loop3A_1070 : vector<1x16xf32> to vector<16xf32>
          %parallel_loop3A_1072 = arith.mulf %parallel_loop3A_1071, %mul3A_499 : vector<16xf32>
          %parallel_loop3A_1073 = vector.extract_strided_slice %parallel_loop3A_897 {offsets = [1], sizes = [1], strides = [1]} : vector<16xi32> to vector<1xi32>
          %parallel_loop3A_1074 = vector.extract %parallel_loop3A_1073[0] : i32 from vector<1xi32>
          %parallel_loop3A_1075 = arith.constant 16 : i32
          %parallel_loop3A_1076 = arith.addi %mul3A_56, %parallel_loop3A_1075 : i32
          %parallel_loop3A_1077 = arith.index_cast %parallel_loop3A_1074 : i32 to index
          %parallel_loop3A_1078 = arith.index_cast %parallel_loop3A_1076 : i32 to index
          %parallel_loop3A_1079 = tpu.vector_load %arg7[%parallel_loop3A_1077, %parallel_loop3A_1078] {strides = array<i32>} : memref<256x160xf32, #tpu.memory_space<vmem>>, vector<1x16xf32>,
          %parallel_loop3A_1080 = vector.shape_cast %parallel_loop3A_1079 : vector<1x16xf32> to vector<16xf32>
          %parallel_loop3A_1081 = arith.mulf %parallel_loop3A_1080, %mul3A_525 : vector<16xf32>
          %parallel_loop3A_1082 = arith.addf %parallel_loop3A_1072, %parallel_loop3A_1081 : vector<16xf32>
          %parallel_loop3A_1083 = vector.extract_strided_slice %parallel_loop3A_897 {offsets = [2], sizes = [1], strides = [1]} : vector<16xi32> to vector<1xi32>
          %parallel_loop3A_1084 = vector.extract %parallel_loop3A_1083[0] : i32 from vector<1xi32>
          %parallel_loop3A_1085 = arith.constant 16 : i32
          %parallel_loop3A_1086 = arith.addi %mul3A_56, %parallel_loop3A_1085 : i32
          %parallel_loop3A_1087 = arith.index_cast %parallel_loop3A_1084 : i32 to index
          %parallel_loop3A_1088 = arith.index_cast %parallel_loop3A_1086 : i32 to index
          %parallel_loop3A_1089 = tpu.vector_load %arg7[%parallel_loop3A_1087, %parallel_loop3A_1088] {strides = array<i32>} : memref<256x160xf32, #tpu.memory_space<vmem>>, vector<1x16xf32>,
          %parallel_loop3A_1090 = vector.shape_cast %parallel_loop3A_1089 : vector<1x16xf32> to vector<16xf32>
          %parallel_loop3A_1091 = arith.mulf %parallel_loop3A_1090, %mul3A_551 : vector<16xf32>
          %parallel_loop3A_1092 = arith.addf %parallel_loop3A_1082, %parallel_loop3A_1091 : vector<16xf32>
          %parallel_loop3A_1093 = vector.extract_strided_slice %parallel_loop3A_897 {offsets = [3], sizes = [1], strides = [1]} : vector<16xi32> to vector<1xi32>
          %parallel_loop3A_1094 = vector.extract %parallel_loop3A_1093[0] : i32 from vector<1xi32>
          %parallel_loop3A_1095 = arith.constant 16 : i32
          %parallel_loop3A_1096 = arith.addi %mul3A_56, %parallel_loop3A_1095 : i32
          %parallel_loop3A_1097 = arith.index_cast %parallel_loop3A_1094 : i32 to index
          %parallel_loop3A_1098 = arith.index_cast %parallel_loop3A_1096 : i32 to index
          %parallel_loop3A_1099 = tpu.vector_load %arg7[%parallel_loop3A_1097, %parallel_loop3A_1098] {strides = array<i32>} : memref<256x160xf32, #tpu.memory_space<vmem>>, vector<1x16xf32>,
          %parallel_loop3A_1100 = vector.shape_cast %parallel_loop3A_1099 : vector<1x16xf32> to vector<16xf32>
          %parallel_loop3A_1101 = arith.mulf %parallel_loop3A_1100, %mul3A_577 : vector<16xf32>
          %parallel_loop3A_1102 = arith.addf %parallel_loop3A_1092, %parallel_loop3A_1101 : vector<16xf32>
          %parallel_loop3A_1103 = vector.extract_strided_slice %parallel_loop3A_897 {offsets = [4], sizes = [1], strides = [1]} : vector<16xi32> to vector<1xi32>
          %parallel_loop3A_1104 = vector.extract %parallel_loop3A_1103[0] : i32 from vector<1xi32>
          %parallel_loop3A_1105 = arith.constant 16 : i32
          %parallel_loop3A_1106 = arith.addi %mul3A_56, %parallel_loop3A_1105 : i32
          %parallel_loop3A_1107 = arith.index_cast %parallel_loop3A_1104 : i32 to index
          %parallel_loop3A_1108 = arith.index_cast %parallel_loop3A_1106 : i32 to index
          %parallel_loop3A_1109 = tpu.vector_load %arg7[%parallel_loop3A_1107, %parallel_loop3A_1108] {strides = array<i32>} : memref<256x160xf32, #tpu.memory_space<vmem>>, vector<1x16xf32>,
          %parallel_loop3A_1110 = vector.shape_cast %parallel_loop3A_1109 : vector<1x16xf32> to vector<16xf32>
          %parallel_loop3A_1111 = arith.mulf %parallel_loop3A_1110, %mul3A_603 : vector<16xf32>
          %parallel_loop3A_1112 = arith.addf %parallel_loop3A_1102, %parallel_loop3A_1111 : vector<16xf32>
          %parallel_loop3A_1113 = vector.extract_strided_slice %parallel_loop3A_897 {offsets = [5], sizes = [1], strides = [1]} : vector<16xi32> to vector<1xi32>
          %parallel_loop3A_1114 = vector.extract %parallel_loop3A_1113[0] : i32 from vector<1xi32>
          %parallel_loop3A_1115 = arith.constant 16 : i32
          %parallel_loop3A_1116 = arith.addi %mul3A_56, %parallel_loop3A_1115 : i32
          %parallel_loop3A_1117 = arith.index_cast %parallel_loop3A_1114 : i32 to index
          %parallel_loop3A_1118 = arith.index_cast %parallel_loop3A_1116 : i32 to index
          %parallel_loop3A_1119 = tpu.vector_load %arg7[%parallel_loop3A_1117, %parallel_loop3A_1118] {strides = array<i32>} : memref<256x160xf32, #tpu.memory_space<vmem>>, vector<1x16xf32>,
          %parallel_loop3A_1120 = vector.shape_cast %parallel_loop3A_1119 : vector<1x16xf32> to vector<16xf32>
          %parallel_loop3A_1121 = arith.mulf %parallel_loop3A_1120, %mul3A_629 : vector<16xf32>
          %parallel_loop3A_1122 = arith.addf %parallel_loop3A_1112, %parallel_loop3A_1121 : vector<16xf32>
          %parallel_loop3A_1123 = vector.extract_strided_slice %parallel_loop3A_897 {offsets = [6], sizes = [1], strides = [1]} : vector<16xi32> to vector<1xi32>
          %parallel_loop3A_1124 = vector.extract %parallel_loop3A_1123[0] : i32 from vector<1xi32>
          %parallel_loop3A_1125 = arith.constant 16 : i32
          %parallel_loop3A_1126 = arith.addi %mul3A_56, %parallel_loop3A_1125 : i32
          %parallel_loop3A_1127 = arith.index_cast %parallel_loop3A_1124 : i32 to index
          %parallel_loop3A_1128 = arith.index_cast %parallel_loop3A_1126 : i32 to index
          %parallel_loop3A_1129 = tpu.vector_load %arg7[%parallel_loop3A_1127, %parallel_loop3A_1128] {strides = array<i32>} : memref<256x160xf32, #tpu.memory_space<vmem>>, vector<1x16xf32>,
          %parallel_loop3A_1130 = vector.shape_cast %parallel_loop3A_1129 : vector<1x16xf32> to vector<16xf32>
          %parallel_loop3A_1131 = arith.mulf %parallel_loop3A_1130, %mul3A_655 : vector<16xf32>
          %parallel_loop3A_1132 = arith.addf %parallel_loop3A_1122, %parallel_loop3A_1131 : vector<16xf32>
          %parallel_loop3A_1133 = vector.extract_strided_slice %parallel_loop3A_897 {offsets = [7], sizes = [1], strides = [1]} : vector<16xi32> to vector<1xi32>
          %parallel_loop3A_1134 = vector.extract %parallel_loop3A_1133[0] : i32 from vector<1xi32>
          %parallel_loop3A_1135 = arith.constant 16 : i32
          %parallel_loop3A_1136 = arith.addi %mul3A_56, %parallel_loop3A_1135 : i32
          %parallel_loop3A_1137 = arith.index_cast %parallel_loop3A_1134 : i32 to index
          %parallel_loop3A_1138 = arith.index_cast %parallel_loop3A_1136 : i32 to index
          %parallel_loop3A_1139 = tpu.vector_load %arg7[%parallel_loop3A_1137, %parallel_loop3A_1138] {strides = array<i32>} : memref<256x160xf32, #tpu.memory_space<vmem>>, vector<1x16xf32>,
          %parallel_loop3A_1140 = vector.shape_cast %parallel_loop3A_1139 : vector<1x16xf32> to vector<16xf32>
          %parallel_loop3A_1141 = arith.mulf %parallel_loop3A_1140, %mul3A_681 : vector<16xf32>
          %parallel_loop3A_1142 = arith.addf %parallel_loop3A_1132, %parallel_loop3A_1141 : vector<16xf32>
          %parallel_loop3A_1143 = vector.extract_strided_slice %parallel_loop3A_897 {offsets = [8], sizes = [1], strides = [1]} : vector<16xi32> to vector<1xi32>
          %parallel_loop3A_1144 = vector.extract %parallel_loop3A_1143[0] : i32 from vector<1xi32>
          %parallel_loop3A_1145 = arith.constant 16 : i32
          %parallel_loop3A_1146 = arith.addi %mul3A_56, %parallel_loop3A_1145 : i32
          %parallel_loop3A_1147 = arith.index_cast %parallel_loop3A_1144 : i32 to index
          %parallel_loop3A_1148 = arith.index_cast %parallel_loop3A_1146 : i32 to index
          %parallel_loop3A_1149 = tpu.vector_load %arg7[%parallel_loop3A_1147, %parallel_loop3A_1148] {strides = array<i32>} : memref<256x160xf32, #tpu.memory_space<vmem>>, vector<1x16xf32>,
          %parallel_loop3A_1150 = vector.shape_cast %parallel_loop3A_1149 : vector<1x16xf32> to vector<16xf32>
          %parallel_loop3A_1151 = arith.mulf %parallel_loop3A_1150, %mul3A_707 : vector<16xf32>
          %parallel_loop3A_1152 = arith.addf %parallel_loop3A_1142, %parallel_loop3A_1151 : vector<16xf32>
          %parallel_loop3A_1153 = vector.extract_strided_slice %parallel_loop3A_897 {offsets = [9], sizes = [1], strides = [1]} : vector<16xi32> to vector<1xi32>
          %parallel_loop3A_1154 = vector.extract %parallel_loop3A_1153[0] : i32 from vector<1xi32>
          %parallel_loop3A_1155 = arith.constant 16 : i32
          %parallel_loop3A_1156 = arith.addi %mul3A_56, %parallel_loop3A_1155 : i32
          %parallel_loop3A_1157 = arith.index_cast %parallel_loop3A_1154 : i32 to index
          %parallel_loop3A_1158 = arith.index_cast %parallel_loop3A_1156 : i32 to index
          %parallel_loop3A_1159 = tpu.vector_load %arg7[%parallel_loop3A_1157, %parallel_loop3A_1158] {strides = array<i32>} : memref<256x160xf32, #tpu.memory_space<vmem>>, vector<1x16xf32>,
          %parallel_loop3A_1160 = vector.shape_cast %parallel_loop3A_1159 : vector<1x16xf32> to vector<16xf32>
          %parallel_loop3A_1161 = arith.mulf %parallel_loop3A_1160, %mul3A_733 : vector<16xf32>
          %parallel_loop3A_1162 = arith.addf %parallel_loop3A_1152, %parallel_loop3A_1161 : vector<16xf32>
          %parallel_loop3A_1163 = vector.extract_strided_slice %parallel_loop3A_897 {offsets = [10], sizes = [1], strides = [1]} : vector<16xi32> to vector<1xi32>
          %parallel_loop3A_1164 = vector.extract %parallel_loop3A_1163[0] : i32 from vector<1xi32>
          %parallel_loop3A_1165 = arith.constant 16 : i32
          %parallel_loop3A_1166 = arith.addi %mul3A_56, %parallel_loop3A_1165 : i32
          %parallel_loop3A_1167 = arith.index_cast %parallel_loop3A_1164 : i32 to index
          %parallel_loop3A_1168 = arith.index_cast %parallel_loop3A_1166 : i32 to index
          %parallel_loop3A_1169 = tpu.vector_load %arg7[%parallel_loop3A_1167, %parallel_loop3A_1168] {strides = array<i32>} : memref<256x160xf32, #tpu.memory_space<vmem>>, vector<1x16xf32>,
          %parallel_loop3A_1170 = vector.shape_cast %parallel_loop3A_1169 : vector<1x16xf32> to vector<16xf32>
          %parallel_loop3A_1171 = arith.mulf %parallel_loop3A_1170, %mul3A_759 : vector<16xf32>
          %parallel_loop3A_1172 = arith.addf %parallel_loop3A_1162, %parallel_loop3A_1171 : vector<16xf32>
          %parallel_loop3A_1173 = vector.extract_strided_slice %parallel_loop3A_897 {offsets = [11], sizes = [1], strides = [1]} : vector<16xi32> to vector<1xi32>
          %parallel_loop3A_1174 = vector.extract %parallel_loop3A_1173[0] : i32 from vector<1xi32>
          %parallel_loop3A_1175 = arith.constant 16 : i32
          %parallel_loop3A_1176 = arith.addi %mul3A_56, %parallel_loop3A_1175 : i32
          %parallel_loop3A_1177 = arith.index_cast %parallel_loop3A_1174 : i32 to index
          %parallel_loop3A_1178 = arith.index_cast %parallel_loop3A_1176 : i32 to index
          %parallel_loop3A_1179 = tpu.vector_load %arg7[%parallel_loop3A_1177, %parallel_loop3A_1178] {strides = array<i32>} : memref<256x160xf32, #tpu.memory_space<vmem>>, vector<1x16xf32>,
          %parallel_loop3A_1180 = vector.shape_cast %parallel_loop3A_1179 : vector<1x16xf32> to vector<16xf32>
          %parallel_loop3A_1181 = arith.mulf %parallel_loop3A_1180, %mul3A_785 : vector<16xf32>
          %parallel_loop3A_1182 = arith.addf %parallel_loop3A_1172, %parallel_loop3A_1181 : vector<16xf32>
          %parallel_loop3A_1183 = vector.extract_strided_slice %parallel_loop3A_897 {offsets = [12], sizes = [1], strides = [1]} : vector<16xi32> to vector<1xi32>
          %parallel_loop3A_1184 = vector.extract %parallel_loop3A_1183[0] : i32 from vector<1xi32>
          %parallel_loop3A_1185 = arith.constant 16 : i32
          %parallel_loop3A_1186 = arith.addi %mul3A_56, %parallel_loop3A_1185 : i32
          %parallel_loop3A_1187 = arith.index_cast %parallel_loop3A_1184 : i32 to index
          %parallel_loop3A_1188 = arith.index_cast %parallel_loop3A_1186 : i32 to index
          %parallel_loop3A_1189 = tpu.vector_load %arg7[%parallel_loop3A_1187, %parallel_loop3A_1188] {strides = array<i32>} : memref<256x160xf32, #tpu.memory_space<vmem>>, vector<1x16xf32>,
          %parallel_loop3A_1190 = vector.shape_cast %parallel_loop3A_1189 : vector<1x16xf32> to vector<16xf32>
          %parallel_loop3A_1191 = arith.mulf %parallel_loop3A_1190, %mul3A_811 : vector<16xf32>
          %parallel_loop3A_1192 = arith.addf %parallel_loop3A_1182, %parallel_loop3A_1191 : vector<16xf32>
          %parallel_loop3A_1193 = vector.extract_strided_slice %parallel_loop3A_897 {offsets = [13], sizes = [1], strides = [1]} : vector<16xi32> to vector<1xi32>
          %parallel_loop3A_1194 = vector.extract %parallel_loop3A_1193[0] : i32 from vector<1xi32>
          %parallel_loop3A_1195 = arith.constant 16 : i32
          %parallel_loop3A_1196 = arith.addi %mul3A_56, %parallel_loop3A_1195 : i32
          %parallel_loop3A_1197 = arith.index_cast %parallel_loop3A_1194 : i32 to index
          %parallel_loop3A_1198 = arith.index_cast %parallel_loop3A_1196 : i32 to index
          %parallel_loop3A_1199 = tpu.vector_load %arg7[%parallel_loop3A_1197, %parallel_loop3A_1198] {strides = array<i32>} : memref<256x160xf32, #tpu.memory_space<vmem>>, vector<1x16xf32>,
          %parallel_loop3A_1200 = vector.shape_cast %parallel_loop3A_1199 : vector<1x16xf32> to vector<16xf32>
          %parallel_loop3A_1201 = arith.mulf %parallel_loop3A_1200, %mul3A_837 : vector<16xf32>
          %parallel_loop3A_1202 = arith.addf %parallel_loop3A_1192, %parallel_loop3A_1201 : vector<16xf32>
          %parallel_loop3A_1203 = vector.extract_strided_slice %parallel_loop3A_897 {offsets = [14], sizes = [1], strides = [1]} : vector<16xi32> to vector<1xi32>
          %parallel_loop3A_1204 = vector.extract %parallel_loop3A_1203[0] : i32 from vector<1xi32>
          %parallel_loop3A_1205 = arith.constant 16 : i32
          %parallel_loop3A_1206 = arith.addi %mul3A_56, %parallel_loop3A_1205 : i32
          %parallel_loop3A_1207 = arith.index_cast %parallel_loop3A_1204 : i32 to index
          %parallel_loop3A_1208 = arith.index_cast %parallel_loop3A_1206 : i32 to index
          %parallel_loop3A_1209 = tpu.vector_load %arg7[%parallel_loop3A_1207, %parallel_loop3A_1208] {strides = array<i32>} : memref<256x160xf32, #tpu.memory_space<vmem>>, vector<1x16xf32>,
          %parallel_loop3A_1210 = vector.shape_cast %parallel_loop3A_1209 : vector<1x16xf32> to vector<16xf32>
          %parallel_loop3A_1211 = arith.mulf %parallel_loop3A_1210, %mul3A_863 : vector<16xf32>
          %parallel_loop3A_1212 = arith.addf %parallel_loop3A_1202, %parallel_loop3A_1211 : vector<16xf32>
          %parallel_loop3A_1213 = vector.extract_strided_slice %parallel_loop3A_897 {offsets = [15], sizes = [1], strides = [1]} : vector<16xi32> to vector<1xi32>
          %parallel_loop3A_1214 = vector.extract %parallel_loop3A_1213[0] : i32 from vector<1xi32>
          %parallel_loop3A_1215 = arith.constant 16 : i32
          %parallel_loop3A_1216 = arith.addi %mul3A_56, %parallel_loop3A_1215 : i32
          %parallel_loop3A_1217 = arith.index_cast %parallel_loop3A_1214 : i32 to index
          %parallel_loop3A_1218 = arith.index_cast %parallel_loop3A_1216 : i32 to index
          %parallel_loop3A_1219 = tpu.vector_load %arg7[%parallel_loop3A_1217, %parallel_loop3A_1218] {strides = array<i32>} : memref<256x160xf32, #tpu.memory_space<vmem>>, vector<1x16xf32>,
          %parallel_loop3A_1220 = vector.shape_cast %parallel_loop3A_1219 : vector<1x16xf32> to vector<16xf32>
          %parallel_loop3A_1221 = arith.mulf %parallel_loop3A_1220, %mul3A_889 : vector<16xf32>
          %parallel_loop3A_1222 = arith.addf %parallel_loop3A_1212, %parallel_loop3A_1221 : vector<16xf32>
          %parallel_loop3A_1223 = arith.constant 16 : i32
          %parallel_loop3A_1224 = arith.addi %mul3A_56, %parallel_loop3A_1223 : i32
          %parallel_loop3A_1225 = arith.index_cast %parallel_loop3A_893 : i32 to index
          %parallel_loop3A_1226 = arith.index_cast %parallel_loop3A_1224 : i32 to index
          %parallel_loop3A_1227 = tpu.vector_load %arg10[%parallel_loop3A_1225, %parallel_loop3A_1226] {strides = array<i32>} : memref<64x160xf32, #tpu.memory_space<vmem>>, vector<1x16xf32>,
          %parallel_loop3A_1228 = vector.shape_cast %parallel_loop3A_1227 : vector<1x16xf32> to vector<16xf32>
          %parallel_loop3A_1229 = vector.shape_cast %parallel_loop3A_1222 : vector<16xf32> to vector<1x16xf32>
          tpu.vector_store %arg10[%parallel_loop3A_1225, %parallel_loop3A_1226], %parallel_loop3A_1229 {add = true, strides = array<i32>} : memref<64x160xf32, #tpu.memory_space<vmem>>, vector<1x16xf32>,
        } {sc.loop_unroll_factor = 1 : i64, sc.parallel_access}
      }
      %scan3A_49 = arith.constant 5 : i32
    }
    %scan3A_28 = arith.constant 32 : i32
    %broadcast_in_dim3A_29 = arith.constant 1.000000e+00 : f32
    %broadcast_in_dim3A_30 = vector.broadcast %broadcast_in_dim3A_29 : f32 to vector<16xf32>
    %broadcast_in_dim3A_31 = arith.constant -1.000000e+00 : f32
    %broadcast_in_dim3A_32 = vector.broadcast %broadcast_in_dim3A_31 : f32 to vector<16xf32>
    %scan3A_33 = arith.constant 0 : i32
    %scan3A_34 = arith.constant 64 : i32
    %scan3A_35 = arith.addi %scan3A_33, %scan3A_34 : i32
    %scan3A_36 = arith.constant 1 : i32
    scf.for %scan3A_38 = %scan3A_33 to %scan3A_35 step %scan3A_36  : i32 {
      %mul3A_39 = arith.constant 1 : i32
      %mul3A_40 = arith.muli %scan3A_38, %mul3A_39 : i32
      %add3A_41 = arith.constant 0 : i32
      %add3A_42 = arith.addi %add3A_41, %mul3A_40 : i32
      %get3A = arith.index_cast %add3A_42 : i32 to index
      %get3A_43 = arith.constant 0 : index
      %get3A_44 = tpu.vector_load %arg10[%get3A, %get3A_43] {strides = array<i32>} : memref<64x160xf32, #tpu.memory_space<vmem>>, vector<1x16xf32>,
      %get3A_45 = vector.shape_cast %get3A_44 : vector<1x16xf32> to vector<16xf32>
      %gt3A = arith.constant 0.000000e+00 : f32
      %gt3A_46 = vector.broadcast %gt3A : f32 to vector<16xf32>
      %gt3A_47 = arith.cmpf ogt, %get3A_45, %gt3A_46 : vector<16xf32>
      %select_n3A = arith.select %gt3A_47, %broadcast_in_dim3A_30, %broadcast_in_dim3A_32 : vector<16xi1>, vector<16xf32>
      %swap3A = arith.index_cast %add3A_42 : i32 to index
      %swap3A_48 = arith.constant 0 : index
      %swap3A_49 = tpu.vector_load %arg10[%swap3A, %swap3A_48] {strides = array<i32>} : memref<64x160xf32, #tpu.memory_space<vmem>>, vector<1x16xf32>,
      %swap3A_50 = vector.shape_cast %swap3A_49 : vector<1x16xf32> to vector<16xf32>
      %swap3A_51 = vector.shape_cast %select_n3A : vector<16xf32> to vector<1x16xf32>
      tpu.vector_store %arg10[%swap3A, %swap3A_48], %swap3A_51 {strides = array<i32>} : memref<64x160xf32, #tpu.memory_space<vmem>>, vector<1x16xf32>,
      %get3A_52 = arith.index_cast %add3A_42 : i32 to index
      %get3A_53 = arith.constant 16 : index
      %get3A_54 = tpu.vector_load %arg10[%get3A_52, %get3A_53] {strides = array<i32>} : memref<64x160xf32, #tpu.memory_space<vmem>>, vector<1x16xf32>,
      %get3A_55 = vector.shape_cast %get3A_54 : vector<1x16xf32> to vector<16xf32>
      %gt3A_56 = arith.constant 0.000000e+00 : f32
      %gt3A_57 = vector.broadcast %gt3A_56 : f32 to vector<16xf32>
      %gt3A_58 = arith.cmpf ogt, %get3A_55, %gt3A_57 : vector<16xf32>
      %select_n3A_59 = arith.select %gt3A_58, %broadcast_in_dim3A_30, %broadcast_in_dim3A_32 : vector<16xi1>, vector<16xf32>
      %swap3A_60 = arith.index_cast %add3A_42 : i32 to index
      %swap3A_61 = arith.constant 16 : index
      %swap3A_62 = tpu.vector_load %arg10[%swap3A_60, %swap3A_61] {strides = array<i32>} : memref<64x160xf32, #tpu.memory_space<vmem>>, vector<1x16xf32>,
      %swap3A_63 = vector.shape_cast %swap3A_62 : vector<1x16xf32> to vector<16xf32>
      %swap3A_64 = vector.shape_cast %select_n3A_59 : vector<16xf32> to vector<1x16xf32>
      tpu.vector_store %arg10[%swap3A_60, %swap3A_61], %swap3A_64 {strides = array<i32>} : memref<64x160xf32, #tpu.memory_space<vmem>>, vector<1x16xf32>,
      %get3A_65 = arith.index_cast %add3A_42 : i32 to index
      %get3A_66 = arith.constant 32 : index
      %get3A_67 = tpu.vector_load %arg10[%get3A_65, %get3A_66] {strides = array<i32>} : memref<64x160xf32, #tpu.memory_space<vmem>>, vector<1x16xf32>,
      %get3A_68 = vector.shape_cast %get3A_67 : vector<1x16xf32> to vector<16xf32>
      %gt3A_69 = arith.constant 0.000000e+00 : f32
      %gt3A_70 = vector.broadcast %gt3A_69 : f32 to vector<16xf32>
      %gt3A_71 = arith.cmpf ogt, %get3A_68, %gt3A_70 : vector<16xf32>
      %select_n3A_72 = arith.select %gt3A_71, %broadcast_in_dim3A_30, %broadcast_in_dim3A_32 : vector<16xi1>, vector<16xf32>
      %swap3A_73 = arith.index_cast %add3A_42 : i32 to index
      %swap3A_74 = arith.constant 32 : index
      %swap3A_75 = tpu.vector_load %arg10[%swap3A_73, %swap3A_74] {strides = array<i32>} : memref<64x160xf32, #tpu.memory_space<vmem>>, vector<1x16xf32>,
      %swap3A_76 = vector.shape_cast %swap3A_75 : vector<1x16xf32> to vector<16xf32>
      %swap3A_77 = vector.shape_cast %select_n3A_72 : vector<16xf32> to vector<1x16xf32>
      tpu.vector_store %arg10[%swap3A_73, %swap3A_74], %swap3A_77 {strides = array<i32>} : memref<64x160xf32, #tpu.memory_space<vmem>>, vector<1x16xf32>,
      %get3A_78 = arith.index_cast %add3A_42 : i32 to index
      %get3A_79 = arith.constant 48 : index
      %get3A_80 = tpu.vector_load %arg10[%get3A_78, %get3A_79] {strides = array<i32>} : memref<64x160xf32, #tpu.memory_space<vmem>>, vector<1x16xf32>,
      %get3A_81 = vector.shape_cast %get3A_80 : vector<1x16xf32> to vector<16xf32>
      %gt3A_82 = arith.constant 0.000000e+00 : f32
      %gt3A_83 = vector.broadcast %gt3A_82 : f32 to vector<16xf32>
      %gt3A_84 = arith.cmpf ogt, %get3A_81, %gt3A_83 : vector<16xf32>
      %select_n3A_85 = arith.select %gt3A_84, %broadcast_in_dim3A_30, %broadcast_in_dim3A_32 : vector<16xi1>, vector<16xf32>
      %swap3A_86 = arith.index_cast %add3A_42 : i32 to index
      %swap3A_87 = arith.constant 48 : index
      %swap3A_88 = tpu.vector_load %arg10[%swap3A_86, %swap3A_87] {strides = array<i32>} : memref<64x160xf32, #tpu.memory_space<vmem>>, vector<1x16xf32>,
      %swap3A_89 = vector.shape_cast %swap3A_88 : vector<1x16xf32> to vector<16xf32>
      %swap3A_90 = vector.shape_cast %select_n3A_85 : vector<16xf32> to vector<1x16xf32>
      tpu.vector_store %arg10[%swap3A_86, %swap3A_87], %swap3A_90 {strides = array<i32>} : memref<64x160xf32, #tpu.memory_space<vmem>>, vector<1x16xf32>,
      %get3A_91 = arith.index_cast %add3A_42 : i32 to index
      %get3A_92 = arith.constant 64 : index
      %get3A_93 = tpu.vector_load %arg10[%get3A_91, %get3A_92] {strides = array<i32>} : memref<64x160xf32, #tpu.memory_space<vmem>>, vector<1x16xf32>,
      %get3A_94 = vector.shape_cast %get3A_93 : vector<1x16xf32> to vector<16xf32>
      %gt3A_95 = arith.constant 0.000000e+00 : f32
      %gt3A_96 = vector.broadcast %gt3A_95 : f32 to vector<16xf32>
      %gt3A_97 = arith.cmpf ogt, %get3A_94, %gt3A_96 : vector<16xf32>
      %select_n3A_98 = arith.select %gt3A_97, %broadcast_in_dim3A_30, %broadcast_in_dim3A_32 : vector<16xi1>, vector<16xf32>
      %swap3A_99 = arith.index_cast %add3A_42 : i32 to index
      %swap3A_100 = arith.constant 64 : index
      %swap3A_101 = tpu.vector_load %arg10[%swap3A_99, %swap3A_100] {strides = array<i32>} : memref<64x160xf32, #tpu.memory_space<vmem>>, vector<1x16xf32>,
      %swap3A_102 = vector.shape_cast %swap3A_101 : vector<1x16xf32> to vector<16xf32>
      %swap3A_103 = vector.shape_cast %select_n3A_98 : vector<16xf32> to vector<1x16xf32>
      tpu.vector_store %arg10[%swap3A_99, %swap3A_100], %swap3A_103 {strides = array<i32>} : memref<64x160xf32, #tpu.memory_space<vmem>>, vector<1x16xf32>,
      %get3A_104 = arith.index_cast %add3A_42 : i32 to index
      %get3A_105 = arith.constant 80 : index
      %get3A_106 = tpu.vector_load %arg10[%get3A_104, %get3A_105] {strides = array<i32>} : memref<64x160xf32, #tpu.memory_space<vmem>>, vector<1x16xf32>,
      %get3A_107 = vector.shape_cast %get3A_106 : vector<1x16xf32> to vector<16xf32>
      %gt3A_108 = arith.constant 0.000000e+00 : f32
      %gt3A_109 = vector.broadcast %gt3A_108 : f32 to vector<16xf32>
      %gt3A_110 = arith.cmpf ogt, %get3A_107, %gt3A_109 : vector<16xf32>
      %select_n3A_111 = arith.select %gt3A_110, %broadcast_in_dim3A_30, %broadcast_in_dim3A_32 : vector<16xi1>, vector<16xf32>
      %swap3A_112 = arith.index_cast %add3A_42 : i32 to index
      %swap3A_113 = arith.constant 80 : index
      %swap3A_114 = tpu.vector_load %arg10[%swap3A_112, %swap3A_113] {strides = array<i32>} : memref<64x160xf32, #tpu.memory_space<vmem>>, vector<1x16xf32>,
      %swap3A_115 = vector.shape_cast %swap3A_114 : vector<1x16xf32> to vector<16xf32>
      %swap3A_116 = vector.shape_cast %select_n3A_111 : vector<16xf32> to vector<1x16xf32>
      tpu.vector_store %arg10[%swap3A_112, %swap3A_113], %swap3A_116 {strides = array<i32>} : memref<64x160xf32, #tpu.memory_space<vmem>>, vector<1x16xf32>,
      %get3A_117 = arith.index_cast %add3A_42 : i32 to index
      %get3A_118 = arith.constant 96 : index
      %get3A_119 = tpu.vector_load %arg10[%get3A_117, %get3A_118] {strides = array<i32>} : memref<64x160xf32, #tpu.memory_space<vmem>>, vector<1x16xf32>,
      %get3A_120 = vector.shape_cast %get3A_119 : vector<1x16xf32> to vector<16xf32>
      %gt3A_121 = arith.constant 0.000000e+00 : f32
      %gt3A_122 = vector.broadcast %gt3A_121 : f32 to vector<16xf32>
      %gt3A_123 = arith.cmpf ogt, %get3A_120, %gt3A_122 : vector<16xf32>
      %select_n3A_124 = arith.select %gt3A_123, %broadcast_in_dim3A_30, %broadcast_in_dim3A_32 : vector<16xi1>, vector<16xf32>
      %swap3A_125 = arith.index_cast %add3A_42 : i32 to index
      %swap3A_126 = arith.constant 96 : index
      %swap3A_127 = tpu.vector_load %arg10[%swap3A_125, %swap3A_126] {strides = array<i32>} : memref<64x160xf32, #tpu.memory_space<vmem>>, vector<1x16xf32>,
      %swap3A_128 = vector.shape_cast %swap3A_127 : vector<1x16xf32> to vector<16xf32>
      %swap3A_129 = vector.shape_cast %select_n3A_124 : vector<16xf32> to vector<1x16xf32>
      tpu.vector_store %arg10[%swap3A_125, %swap3A_126], %swap3A_129 {strides = array<i32>} : memref<64x160xf32, #tpu.memory_space<vmem>>, vector<1x16xf32>,
      %get3A_130 = arith.index_cast %add3A_42 : i32 to index
      %get3A_131 = arith.constant 112 : index
      %get3A_132 = tpu.vector_load %arg10[%get3A_130, %get3A_131] {strides = array<i32>} : memref<64x160xf32, #tpu.memory_space<vmem>>, vector<1x16xf32>,
      %get3A_133 = vector.shape_cast %get3A_132 : vector<1x16xf32> to vector<16xf32>
      %gt3A_134 = arith.constant 0.000000e+00 : f32
      %gt3A_135 = vector.broadcast %gt3A_134 : f32 to vector<16xf32>
      %gt3A_136 = arith.cmpf ogt, %get3A_133, %gt3A_135 : vector<16xf32>
      %select_n3A_137 = arith.select %gt3A_136, %broadcast_in_dim3A_30, %broadcast_in_dim3A_32 : vector<16xi1>, vector<16xf32>
      %swap3A_138 = arith.index_cast %add3A_42 : i32 to index
      %swap3A_139 = arith.constant 112 : index
      %swap3A_140 = tpu.vector_load %arg10[%swap3A_138, %swap3A_139] {strides = array<i32>} : memref<64x160xf32, #tpu.memory_space<vmem>>, vector<1x16xf32>,
      %swap3A_141 = vector.shape_cast %swap3A_140 : vector<1x16xf32> to vector<16xf32>
      %swap3A_142 = vector.shape_cast %select_n3A_137 : vector<16xf32> to vector<1x16xf32>
      tpu.vector_store %arg10[%swap3A_138, %swap3A_139], %swap3A_142 {strides = array<i32>} : memref<64x160xf32, #tpu.memory_space<vmem>>, vector<1x16xf32>,
      %get3A_143 = arith.index_cast %add3A_42 : i32 to index
      %get3A_144 = arith.constant 128 : index
      %get3A_145 = tpu.vector_load %arg10[%get3A_143, %get3A_144] {strides = array<i32>} : memref<64x160xf32, #tpu.memory_space<vmem>>, vector<1x16xf32>,
      %get3A_146 = vector.shape_cast %get3A_145 : vector<1x16xf32> to vector<16xf32>
      %gt3A_147 = arith.constant 0.000000e+00 : f32
      %gt3A_148 = vector.broadcast %gt3A_147 : f32 to vector<16xf32>
      %gt3A_149 = arith.cmpf ogt, %get3A_146, %gt3A_148 : vector<16xf32>
      %select_n3A_150 = arith.select %gt3A_149, %broadcast_in_dim3A_30, %broadcast_in_dim3A_32 : vector<16xi1>, vector<16xf32>
      %swap3A_151 = arith.index_cast %add3A_42 : i32 to index
      %swap3A_152 = arith.constant 128 : index
      %swap3A_153 = tpu.vector_load %arg10[%swap3A_151, %swap3A_152] {strides = array<i32>} : memref<64x160xf32, #tpu.memory_space<vmem>>, vector<1x16xf32>,
      %swap3A_154 = vector.shape_cast %swap3A_153 : vector<1x16xf32> to vector<16xf32>
      %swap3A_155 = vector.shape_cast %select_n3A_150 : vector<16xf32> to vector<1x16xf32>
      tpu.vector_store %arg10[%swap3A_151, %swap3A_152], %swap3A_155 {strides = array<i32>} : memref<64x160xf32, #tpu.memory_space<vmem>>, vector<1x16xf32>,
      %get3A_156 = arith.index_cast %add3A_42 : i32 to index
      %get3A_157 = arith.constant 144 : index
      %get3A_158 = tpu.vector_load %arg10[%get3A_156, %get3A_157] {strides = array<i32>} : memref<64x160xf32, #tpu.memory_space<vmem>>, vector<1x16xf32>,
      %get3A_159 = vector.shape_cast %get3A_158 : vector<1x16xf32> to vector<16xf32>
      %gt3A_160 = arith.constant 0.000000e+00 : f32
      %gt3A_161 = vector.broadcast %gt3A_160 : f32 to vector<16xf32>
      %gt3A_162 = arith.cmpf ogt, %get3A_159, %gt3A_161 : vector<16xf32>
      %select_n3A_163 = arith.select %gt3A_162, %broadcast_in_dim3A_30, %broadcast_in_dim3A_32 : vector<16xi1>, vector<16xf32>
      %swap3A_164 = arith.index_cast %add3A_42 : i32 to index
      %swap3A_165 = arith.constant 144 : index
      %swap3A_166 = tpu.vector_load %arg10[%swap3A_164, %swap3A_165] {strides = array<i32>} : memref<64x160xf32, #tpu.memory_space<vmem>>, vector<1x16xf32>,
      %swap3A_167 = vector.shape_cast %swap3A_166 : vector<1x16xf32> to vector<16xf32>
      %swap3A_168 = vector.shape_cast %select_n3A_163 : vector<16xf32> to vector<1x16xf32>
      tpu.vector_store %arg10[%swap3A_164, %swap3A_165], %swap3A_168 {strides = array<i32>} : memref<64x160xf32, #tpu.memory_space<vmem>>, vector<1x16xf32>,
    }
    %scan3A_37 = arith.constant 64 : i32
    "tpu.region"() ({
      %run_scoped3A = tpu.sem_alloc : memref<!tpu.dma_semaphore, #tpu.memory_space<semaphore_mem>>
      %dma_start3A_38 = arith.constant 0 : i32
      %dma_start3A_39 = arith.constant 0 : i32
      %dma_start3A_40 = tpu.memref_slice %arg6[%add3A, %dma_start3A_38, %dma_start3A_39] : memref<32x64x160xf32, #tpu.memory_space<hbm>> -> memref<1x64x160xf32, #tpu.memory_space<hbm>>
      %dma_start3A_41 = tpu.memref_squeeze %dma_start3A_40 : memref<1x64x160xf32, #tpu.memory_space<hbm>> -> memref<64x160xf32, #tpu.memory_space<hbm>>
      %dma_start3A_42 = arith.constant 0 : i32
      %dma_start3A_43 = arith.constant 0 : i32
      %dma_start3A_44 = tpu.memref_slice %arg6[%add3A, %dma_start3A_42, %dma_start3A_43] : memref<32x64x160xf32, #tpu.memory_space<hbm>> -> memref<1x64x160xf32, #tpu.memory_space<hbm>>
      %dma_start3A_45 = tpu.memref_squeeze %dma_start3A_44 : memref<1x64x160xf32, #tpu.memory_space<hbm>> -> memref<64x160xf32, #tpu.memory_space<hbm>>
      tpu.enqueue_dma source(%arg10 : memref<64x160xf32, #tpu.memory_space<vmem>>) target(%dma_start3A_45 : memref<64x160xf32, #tpu.memory_space<hbm>>) target_semaphore(%run_scoped3A : memref<!tpu.dma_semaphore, #tpu.memory_space<semaphore_mem>>)
      %dma_wait3A_46 = arith.constant 0 : i32
      %dma_wait3A_47 = arith.constant 0 : i32
      %dma_wait3A_48 = tpu.memref_slice %arg6[%add3A, %dma_wait3A_46, %dma_wait3A_47] : memref<32x64x160xf32, #tpu.memory_space<hbm>> -> memref<1x64x160xf32, #tpu.memory_space<hbm>>
      %dma_wait3A_49 = tpu.memref_squeeze %dma_wait3A_48 : memref<1x64x160xf32, #tpu.memory_space<hbm>> -> memref<64x160xf32, #tpu.memory_space<hbm>>
      %dma_wait3A_50 = arith.constant 0 : i32
      %dma_wait3A_51 = arith.constant 0 : i32
      %dma_wait3A_52 = tpu.memref_slice %arg6[%add3A, %dma_wait3A_50, %dma_wait3A_51] : memref<32x64x160xf32, #tpu.memory_space<hbm>> -> memref<1x64x160xf32, #tpu.memory_space<hbm>>
      %dma_wait3A_53 = tpu.memref_squeeze %dma_wait3A_52 : memref<1x64x160xf32, #tpu.memory_space<hbm>> -> memref<64x160xf32, #tpu.memory_space<hbm>>
      tpu.wait_dma2 semaphore(%run_scoped3A : memref<!tpu.dma_semaphore, #tpu.memory_space<semaphore_mem>>) src(%arg10 : memref<64x160xf32, #tpu.memory_space<vmem>>) dst(%dma_wait3A_53 : memref<64x160xf32, #tpu.memory_space<hbm>>)
      tpu.yield
    }) : () -> ()
    return
  }
}

module attributes {stable_mosaic.version = 14 : i64} {
  func.func @body(%arg0: memref<32x2048x1xi32, #tpu.memory_space<vmem>>, %arg1: memref<256x5120xbf16, #tpu.memory_space<vmem>>, %arg2: memref<256x5120xbf16, #tpu.memory_space<vmem>>, %arg3: memref<32x5120xf32, #tpu.memory_space<vmem>>, %arg4: memref<32x5120xf32, #tpu.memory_space<vmem>>, %arg5: memref<64x5120xf32, #tpu.memory_space<vmem>>, %arg6: memref<64x5120xf32, #tpu.memory_space<vmem>>) attributes {dimension_semantics = [], scalar_prefetch = 0 : i64, scratch_operands = 1 : i64, tpu.core_type = #tpu.core_type<tc>} {
    %iota3A = tpu.iota {dimensions = array<i32: 1>} : vector<2048x256xi32>
    %broadcast_in_dim3A = arith.constant 0.000000e+00 : f32
    %broadcast_in_dim3A_0 = vector.broadcast %broadcast_in_dim3A : f32 to vector<64x5120xf32>
    %swap3A = arith.constant 0 : index
    %swap3A_1 = arith.constant 0 : index
    %swap3A_2 = vector.load %arg6[%swap3A, %swap3A_1] : memref<64x5120xf32, #tpu.memory_space<vmem>>, vector<64x5120xf32>
    tpu.vector_store %arg6[%swap3A, %swap3A_1], %broadcast_in_dim3A_0 {strides = array<i32>} : memref<64x5120xf32, #tpu.memory_space<vmem>>, vector<64x5120xf32>,
    %scan3A = arith.constant 0 : i32
    %scan3A_3 = arith.constant 32 : i32
    %scan3A_4 = arith.addi %scan3A, %scan3A_3 : i32
    %scan3A_5 = arith.constant 1 : i32
    scf.for %scan3A_17 = %scan3A to %scan3A_4 step %scan3A_5  : i32 {
      %get3A_18 = arith.index_cast %scan3A_17 : i32 to index
      %get3A_19 = arith.constant 0 : index
      %get3A_20 = arith.constant 0 : index
      %get3A_21 = vector.load %arg0[%get3A_18, %get3A_19, %get3A_20] : memref<32x2048x1xi32, #tpu.memory_space<vmem>>, vector<1x2048x1xi32>
      %get3A_22 = vector.shape_cast %get3A_21 : vector<1x2048x1xi32> to vector<2048x1xi32>
      %eq3A = vector.broadcast %get3A_22 : vector<2048x1xi32> to vector<2048x256xi32>
      %eq3A_23 = arith.cmpi eq, %eq3A, %iota3A : vector<2048x256xi32>
      %convert_element_type3A = arith.extui %eq3A_23 : vector<2048x256xi1> to vector<2048x256xi32>
      %convert_element_type3A_24 = arith.sitofp %convert_element_type3A : vector<2048x256xi32> to vector<2048x256xf32>
      %convert_element_type3A_25 = arith.truncf %convert_element_type3A_24 : vector<2048x256xf32> to vector<2048x256xbf16>
      %scan3A_26 = arith.constant 0 : i32
      %scan3A_27 = arith.constant 10 : i32
      %scan3A_28 = arith.addi %scan3A_26, %scan3A_27 : i32
      %scan3A_29 = arith.constant 1 : i32
      scf.for %scan3A_31 = %scan3A_26 to %scan3A_28 step %scan3A_29  : i32 {
        %mul3A = arith.constant 512 : i32
        %mul3A_32 = arith.muli %scan3A_31, %mul3A : i32
        %get3A_33 = arith.constant 0 : index
        %get3A_34 = arith.index_cast %mul3A_32 : i32 to index
        %get3A_35 = vector.load %arg1[%get3A_33, %get3A_34] : memref<256x5120xbf16, #tpu.memory_space<vmem>>, vector<256x512xbf16>
        %mul3A_36 = arith.constant 512 : i32
        %mul3A_37 = arith.muli %scan3A_31, %mul3A_36 : i32
        %get3A_38 = arith.constant 0 : index
        %get3A_39 = arith.index_cast %mul3A_37 : i32 to index
        %get3A_40 = vector.load %arg2[%get3A_38, %get3A_39] : memref<256x5120xbf16, #tpu.memory_space<vmem>>, vector<256x512xbf16>
        %dot_general3A = arith.constant dense<0.000000e+00> : vector<2048x512xf32>
        %dot_general3A_41 = tpu.matmul %convert_element_type3A_25, %get3A_35, %dot_general3A {dimension_numbers = #tpu.dot_dimension_numbers<[1], [0], [0], [1], [0, 0, 1, 1], [], []>, transpose_lhs_hint = false} : vector<2048x256xbf16>, vector<256x512xbf16>, vector<2048x512xf32> -> vector<2048x512xf32>
        %dot_general3A_42 = arith.constant dense<0.000000e+00> : vector<2048x512xf32>
        %dot_general3A_43 = tpu.matmul %convert_element_type3A_25, %get3A_40, %dot_general3A_42 {dimension_numbers = #tpu.dot_dimension_numbers<[1], [0], [0], [1], [0, 0, 1, 1], [], []>, transpose_lhs_hint = false} : vector<2048x256xbf16>, vector<256x512xbf16>, vector<2048x512xf32> -> vector<2048x512xf32>
        %add3A = arith.addf %dot_general3A_41, %dot_general3A_43 : vector<2048x512xf32>
        %mul3A_44 = arith.constant 512 : i32
        %mul3A_45 = arith.muli %scan3A_31, %mul3A_44 : i32
        %get3A_46 = arith.constant 0 : index
        %get3A_47 = arith.index_cast %mul3A_45 : i32 to index
        %get3A_48 = vector.load %arg3[%get3A_46, %get3A_47] : memref<32x5120xf32, #tpu.memory_space<vmem>>, vector<32x512xf32>
        %mul3A_49 = arith.constant 512 : i32
        %mul3A_50 = arith.muli %scan3A_31, %mul3A_49 : i32
        %get3A_51 = arith.index_cast %scan3A_17 : i32 to index
        %get3A_52 = arith.index_cast %mul3A_50 : i32 to index
        %get3A_53 = vector.load %arg4[%get3A_51, %get3A_52] : memref<32x5120xf32, #tpu.memory_space<vmem>>, vector<1x512xf32>
        %get3A_54 = vector.shape_cast %get3A_53 : vector<1x512xf32> to vector<512xf32>
        %broadcast_in_dim3A_55 = vector.shape_cast %get3A_54 : vector<512xf32> to vector<1x512xf32>
        %mul3A_56 = vector.broadcast %broadcast_in_dim3A_55 : vector<1x512xf32> to vector<32x512xf32>
        %mul3A_57 = arith.mulf %get3A_48, %mul3A_56 : vector<32x512xf32>
        %reshape3A = vector.shape_cast %add3A : vector<2048x512xf32> to vector<32x64x512xf32>
        %broadcast_in_dim3A_58 = vector.shape_cast %mul3A_57 : vector<32x512xf32> to vector<32x1x512xf32>
        %mul3A_59 = vector.broadcast %broadcast_in_dim3A_58 : vector<32x1x512xf32> to vector<32x64x512xf32>
        %mul3A_60 = arith.mulf %reshape3A, %mul3A_59 : vector<32x64x512xf32>
        %reduce_sum3A = arith.constant dense<0.000000e+00> : vector<64x512xf32>
        %reduce_sum3A_61 = vector.multi_reduction <add>, %mul3A_60, %reduce_sum3A [0] : vector<32x64x512xf32> to vector<64x512xf32>
        %mul3A_62 = arith.constant 512 : i32
        %mul3A_63 = arith.muli %scan3A_31, %mul3A_62 : i32
        %get3A_64 = arith.constant 0 : index
        %get3A_65 = arith.index_cast %mul3A_63 : i32 to index
        %get3A_66 = vector.load %arg6[%get3A_64, %get3A_65] : memref<64x5120xf32, #tpu.memory_space<vmem>>, vector<64x512xf32>
        %add3A_67 = arith.addf %get3A_66, %reduce_sum3A_61 : vector<64x512xf32>
        %swap3A_68 = arith.constant 0 : index
        %swap3A_69 = arith.index_cast %mul3A_63 : i32 to index
        %swap3A_70 = vector.load %arg6[%swap3A_68, %swap3A_69] : memref<64x5120xf32, #tpu.memory_space<vmem>>, vector<64x512xf32>
        tpu.vector_store %arg6[%swap3A_68, %swap3A_69], %add3A_67 {strides = array<i32>} : memref<64x5120xf32, #tpu.memory_space<vmem>>, vector<64x512xf32>,
      }
      %scan3A_30 = arith.constant 10 : i32
    }
    %scan3A_6 = arith.constant 32 : i32
    %get3A = arith.constant 0 : index
    %get3A_7 = arith.constant 0 : index
    %get3A_8 = vector.load %arg6[%get3A, %get3A_7] : memref<64x5120xf32, #tpu.memory_space<vmem>>, vector<64x5120xf32>
    %gt3A = arith.constant 0.000000e+00 : f32
    %gt3A_9 = vector.broadcast %gt3A : f32 to vector<64x5120xf32>
    %gt3A_10 = arith.cmpf ogt, %get3A_8, %gt3A_9 : vector<64x5120xf32>
    %jit3A = arith.constant 1.000000e+00 : f32
    %jit3A_11 = arith.constant -1.000000e+00 : f32
    %broadcast_in_dim3A_12 = vector.broadcast %jit3A : f32 to vector<64x5120xf32>
    %broadcast_in_dim3A_13 = vector.broadcast %jit3A_11 : f32 to vector<64x5120xf32>
    %select_n3A = arith.select %gt3A_10, %broadcast_in_dim3A_12, %broadcast_in_dim3A_13 : vector<64x5120xi1>, vector<64x5120xf32>
    %swap3A_14 = arith.constant 0 : index
    %swap3A_15 = arith.constant 0 : index
    %swap3A_16 = vector.load %arg5[%swap3A_14, %swap3A_15] : memref<64x5120xf32, #tpu.memory_space<vmem>>, vector<64x5120xf32>
    tpu.vector_store %arg5[%swap3A_14, %swap3A_15], %select_n3A {strides = array<i32>} : memref<64x5120xf32, #tpu.memory_space<vmem>>, vector<64x5120xf32>,
    return
  }
}

</mosaic_0001>

<sc_bundles>
// kernel: kernel.4.cloned.1.call-start
scs
__scs_entry_jumppad:
0x0: {  	(pc) =	sbr.rel $0x88, $3  }
0x1: {  	(tag) =	ssettag $0x0;
	lr =	simm.s32 $0x1  }
0x2: {  	[smem:$0x3F9D] =	sst lr;
	_ =	strace $0xD0000000  }
0x3: {  	_ = 	snop  }
0x4: {  	_ = 	snop  }
0x5: {  	_ = 	snop  }
0x6: {  	_ = 	snop  }
0x7: {  	_ = 	snop  }
__scs_overlays_trampoline_lowered:
0x8: {  	[smem:$0x3FAC] =	sst s0  }
0x9: {  	[smem:$0x3FAD] =	sst s1  }
0xa: {  	[smem:$0x3FAE] =	sst s2  }
0xb: {  	[smem:$0x3FAF] =	sst s3  }
0xc: {  	[smem:$0x3FB0] =	sst s4  }
0xd: {  	[smem:$0x3FB1] =	sst s5  }
0xe: {  	[smem:$0x3FB2] =	sst s6  }
0xf: {  	[smem:$0x3FB3] =	sst s7  }
0x10: {  	[smem:$0x3FB4] =	sst s8  }
0x11: {  	[smem:$0x3FB5] =	sst s9;
	s0 =	simm.s32 @!p0 $0x0  }
0x12: {  	s1 =	sld [smem:$0x3F9B];
	s0 =	simm.s32 @p0 $0x1  }
0x13: {  	[smem:$0x3FB6] =	sst s0;
	s0 =	simm.s32 @!p1 $0x0  }
0x14: {  	s2 =	sld [smem:$0x3F9A];
	s0 =	simm.s32 @p1 $0x1  }
0x15: {  	[smem:$0x3FB7] =	sst s0;
	s0 =	simm.s32 @!p2 $0x0  }
0x16: {  	s3 =	sld [smem:$0x3FDB];
	s0 =	simm.s32 @p2 $0x1  }
0x17: {  	s4 =	simm.s32 $0x1BF5;
	[smem:$0x3FB9] =	sst s0  }
0x18: {  	s0 =	sld [smem:$0x3F9C];
	_ =	swait.ge [sflag:s4], $0x0  }
0x19: {  	s7 =	sld [smem:$0x3F9D]  }
0x1a: {  	s8 =	sadd.s32 $0xFFFFE003, lr  }
0x1b: {  	s9 =	sadd.s32 $0xFFFFFEF7, lr;
	s5 =	simm.s32 $0xFFFFFFFF;
	p2 =	slt.u32 s8, $0xFFFFF086  }
0x1c: {  	p1 =	slt.u32 s9, $0xF7A;
	s5 =	simm.s32 @!p2 $0x0  }
0x1d: {  	s5 =	simm.s32 @p1 $0x1;
	p0 =	seq.s32 s7, s2  }
0x1e: {  	s7 =	smul.u32 @!p0 $0xF7A, s2;
	p2 =	seq.s32 @!p0 s5, $0x0  }
0x1f: {  	s9 =	smul.u32 $0xF7A, s1;
	s8 =	simm.s32 @!p0 $0x1BF5;
	p2 =	por !p2, p0  }
0x20: {  	[sflag:s8] =	ssyncset.s32 @!p0 $0xFFFFF086;
	s6 =	sadd.s32 @!p0 s3, s7;
	s7 =	simm.s32 @!p0 $0x108  }
0x21: {  	s3 =	sadd.s32 s3, s9;
	s6 =	sadd.s32 @!p0 $0x88, s6;
	s7 =	simm.s32 @p2 $0x1082  }
0x22: {  	[simem:s7], [sflag:s8] =	dma.local @!p0 [hbm:s6], $0xF7A  }
0x23: {  	s9 =	sor.u32 $0xD0000000, s2;
	s6 =	simm.s32 $0x108;
	_ =	swait.ge @!p0 [sflag:s8], $0x0  }
0x24: {  	s3 =	sadd.s32 $0x88, s3;
	s6 =	simm.s32 @!p1 $0x1082;
	[sflag:s4] =	ssyncset.s32 $0xFFFFF086  }
0x25: {  	[simem:s6], [sflag:s4] =	dma.local [hbm:s3], $0xF7A  }
0x26: {  	[smem:$0x3F9D] =	sst s1;
	(tag) =	ssettag s2;
	_ =	strace s9  }
0x27: {  	s1 =	sld [smem:$0x3FAD]  }
0x28: {  	s2 =	sld [smem:$0x3FAE]  }
0x29: {  	s4 =	sld [smem:$0x3FB0]  }
0x2a: {  	p0 =	seq.s32 s5, $0x0;
	s5 =	sld [smem:$0x3FB1]  }
0x2b: {  	s6 =	sld [smem:$0x3FB2]  }
0x2c: {  	s7 =	sld [smem:$0x3FB3]  }
0x2d: {  	s3 =	simm.s32 $0x108;
	s8 =	sld [smem:$0x3FB4]  }
0x2e: {  	s3 =	simm.s32 @!p0 $0x1082;
	s9 =	sld [smem:$0x3FB5]  }
0x2f: {  	lr =	sadd.s32 s0, s3;
	s0 =	sld [smem:$0x3FAC]  }
0x30: {  	s3 =	sld [smem:$0x3FAF]  }
0x31: {  	[smem:$0x3FB8] =	sst s10  }
0x32: {  	s10 =	sld [smem:$0x3FB6];
	_ =	sdelay $0x3  }
0x33: {  	p0 =	seq.s32 s10, $0x1;
	s10 =	sld [smem:$0x3FB8];
	_ =	sdelay $0x3  }
0x34: {  	[smem:$0x3FB8] =	sst s10  }
0x35: {  	s10 =	sld [smem:$0x3FB7];
	_ =	sdelay $0x3  }
0x36: {  	p1 =	seq.s32 s10, $0x1;
	s10 =	sld [smem:$0x3FB8];
	_ =	sdelay $0x3  }
0x37: {  	[smem:$0x3FB8] =	sst s10  }
0x38: {  	s10 =	sld [smem:$0x3FB9]  }
0x39: {  	_ = 	snop;
	(pc) =	sbr.ind lr, $3  }
0x3a: {  	_ = 	snop  }
0x3b: {  	_ = 	snop  }
0x3c: {  	p2 =	seq.s32 s10, $0x1;
	s10 =	sld [smem:$0x3FB8]  }
0x3d: {  	_ =	shalt  }
0x3e: {  	_ =	shalt  }
0x3f: {  	_ =	shalt  }
0x40: {  	_ =	shalt  }
0x41: {  	_ =	shalt  }
0x42: {  	_ =	shalt  }
0x43: {  	_ =	shalt  }
0x44: {  	_ =	shalt  }
0x45: {  	_ =	shalt  }
0x46: {  	_ =	shalt  }
0x47: {  	_ =	shalt  }
0x48: {  	_ =	shalt  }
0x49: {  	_ =	shalt  }
0x4a: {  	_ =	shalt  }
0x4b: {  	_ =	shalt  }
0x4c: {  	_ =	shalt  }
0x4d: {  	_ =	shalt  }
0x4e: {  	_ =	shalt  }
0x4f: {  	_ =	shalt  }
0x50: {  	_ =	shalt  }
0x51: {  	_ =	shalt  }
0x52: {  	_ =	shalt  }
0x53: {  	_ =	shalt  }
0x54: {  	_ =	shalt  }
0x55: {  	_ =	shalt  }
0x56: {  	_ =	shalt  }
0x57: {  	_ =	shalt  }
0x58: {  	_ =	shalt  }
0x59: {  	_ =	shalt  }
0x5a: {  	_ =	shalt  }
0x5b: {  	_ =	shalt  }
0x5c: {  	_ =	shalt  }
0x5d: {  	_ =	shalt  }
0x5e: {  	_ =	shalt  }
0x5f: {  	_ =	shalt  }
0x60: {  	_ =	shalt  }
0x61: {  	_ =	shalt  }
0x62: {  	_ =	shalt  }
0x63: {  	_ =	shalt  }
0x64: {  	_ =	shalt  }
0x65: {  	_ =	shalt  }
0x66: {  	_ =	shalt  }
0x67: {  	_ =	shalt  }
0x68: {  	_ =	shalt  }
0x69: {  	_ =	shalt  }
0x6a: {  	_ =	shalt  }
0x6b: {  	_ =	shalt  }
0x6c: {  	_ =	shalt  }
0x6d: {  	_ =	shalt  }
0x6e: {  	_ =	shalt  }
0x6f: {  	_ =	shalt  }
0x70: {  	_ =	shalt  }
0x71: {  	_ =	shalt  }
0x72: {  	_ =	shalt  }
0x73: {  	_ =	shalt  }
0x74: {  	_ =	shalt  }
0x75: {  	_ =	shalt  }
0x76: {  	_ =	shalt  }
0x77: {  	_ =	shalt  }
0x78: {  	_ =	shalt  }
0x79: {  	_ =	shalt  }
0x7a: {  	_ =	shalt  }
0x7b: {  	_ =	shalt  }
0x7c: {  	_ =	shalt  }
0x7d: {  	_ =	shalt  }
0x7e: {  	_ =	shalt  }
0x7f: {  	_ =	shalt  }
0x80: {  	_ =	shalt  }
0x81: {  	_ =	shalt  }
0x82: {  	_ =	shalt  }
0x83: {  	_ =	shalt  }
0x84: {  	_ =	shalt  }
0x85: {  	_ =	shalt  }
0x86: {  	_ =	shalt  }
0x87: {  	_ =	shalt  }
.Lfunc_end0:
.L_simem_size_0:
called_computation_lowered:
.L_overlay_start_0:
0x88: {  	s2 =	sld [smem:$0x3FD9]  }
0x89: {  	s3 =	sld [smem:$0x3FFE];
	_ =	sdelay $0x1  }
0x8a: {  	s1 =	srdreg.scid  }
0x8b: {  	s0 =	sand.u32 $0x1, s1  }
0x8c: {  	s16 =	sshll.u32 s0, $0xA;
	s2 =	sadd.s32 s3, s2  }
0x8d: {  	s2 =	sadd.s32 s2, s16  }
0x8e: {  	[smem:$0x3FC4] =	sst s2  }
0x8f: {  	_ = 	snop  }
0x90: {  	(tm) =	ssettm $0x1  }
0x91: {  	s17 =	sld [smem:$0x3FFB];
	_ =	sdelay $0x3  }
0x92: {  	_ =	strace s17  }
0x93: {  	s2 =	sld [smem:$0x3FFC];
	_ =	sdelay $0x3  }
0x94: {  	_ =	strace s2  }
0x95: {  	s2 =	sld [smem:$0x3FFD];
	_ =	sdelay $0x3  }
0x96: {  	_ =	strace s2  }
0x97: {  	_ =	strace $0x8FFFFFFF  }
0x98: {  	s18 =	sld [smem:$0x3FDB];
	_ =	sdelay $0x1  }
0x99: {  	s19 =	simm.s32 $_scs_section_size  }
0x9a: {  	s4 =	simm.s32 $_size__tile_overlayer_lowered;
	s5 =	simm.s32 $_tile_overlayer_lowered  }
0x9b: {  	s22 =	simm.s32 $0x1BFF;
	s21 =	sshll.u32 s5, $0x1;
	s2 =	sadd.s32 s19, s18  }
0x9c: {  	s6 =	simm.s32 $0x0;
	s20 =	sshll.u32 s4, $0x1;
	s4 =	sadd.s32 s21, s2  }
0x9d: {  	[timem:s6], [sflag:s22] =	dma.local [hbm:s4], s20  }
0x9e: {  	_ =	swait.ge [sflag:s22], s20  }
0x9f: {  	s3 =	ssub.s32 $0x0, s20;
	[sflag:s22] =	ssyncset.done $0x0  }
0xa0: {  	[sflag:s22] =	ssyncadd.s32 s3;
	_ =	sdelay $0x1  }
0xa1: {  	s23 =	simm.s32 $0x1B8B  }
0xa2: {  	_ =	swait.ge [sflag:s23], $0x1  }
0xa3: {  	[sflag:s23] =	ssyncset.done $0x0  }
0xa4: {  	s25 =	simm.s32 $0x1B8E;
	s24 =	sld [smem:$0x3FFE];
	[sflag:s23] =	ssyncadd.s32 $0xFFFFFFFF  }
0xa5: {  	s26 =	simm.s32 $execute0_lowered;
	[smem:$0x3FD2] =	sst s25  }
0xa6: {  	s4 =	sshll.u32 s26, $0x1;
	_ =	strace $0x80000046;
	[dreg:$0x1] =	wrdreg $0xFFFFFFFF  }
0xa7: {  	s28 =	simm.s32 $_size_execute0_lowered;
	s2 =	sadd.s32 s2, s4;
	[dreg:$0x0] =	wrdreg $0x0  }
0xa8: {  	s4 =	sshll.u32 s28, $0x1;
	[dreg:$0x2] =	wrdreg s2  }
0xa9: {  	[dreg:$0x3] =	wrdreg s4  }
0xaa: {  	[dreg:$0x4] =	wrdreg $0xC0  }
0xab: {  	_ =	task [dreg:s6], $0x5FFFF  }
0xac: {  	[dreg:$0x1] =	wrdreg $0xFFFFFFFF  }
0xad: {  	[dreg:$0x0] =	wrdreg $0x60  }
0xae: {  	[dreg:$0x2] =	wrdreg s24  }
0xaf: {  	[dreg:$0x3] =	wrdreg $0x9  }
0xb0: {  	_ =	task.clear_ibuf [dreg:s6], $0x4FFFF;
	_ =	strace $0x90000046  }
0xb1: {  	s29 =	simm.s32 $0x9;
	_ =	strace $0x80000048  }
0xb2: {  	_ =	swait.ge [sflag:s29], $0x1  }
0xb3: {  	[sflag:s29] =	ssyncadd.s32 $0xFFFFFFFF  }
0xb4: {  	_ =	strace $0x90000048  }
0xb5: {  	_ =	sfence  }
0xb6: {  	s30 =	sld [smem:$0x0];
	_ =	sdelay $0x2  }
0xb7: {  	s31 =	sshll.u32 s1, $0xD;
	s1 =	sshrl.u32 s1, $0x2  }
0xb8: {  	s3 =	sand.u32 $0x4000, s31;
	s1 =	sadd.s32 s1, s30  }
0xb9: {  	s0 =	sor.u32 s3, s0;
	s1 =	sshll.u32 s1, $0x11  }
0xba: {  	s0 =	sor.u32 s1, s0  }
0xbb: {  	s0 =	sadd.s32 $0x8F2B, s0  }
0xbc: {  	[sflag:s0] =	ssyncadd.remote.s32 $0x1  }
0xbd: {  	_ =	sfence.sel $0xFFFF  }
0xbe: {  	[dreg:$0x0] =	wrdreg $0xFFFFFFFF;
	(pc) =	sbr.abs _section_cstart, $3  }
0xbf: {  	[dreg:$0x1] =	wrdreg $0xFFFFFFFF  }
0xc0: {  	_ =	task.clear_ibuf [dreg:s6], $0x2FFFF;
	_ =	strace $0x9FFFFFFF  }
0xc1: {  	(tm) =	ssettm $0x7FFFFFFF  }
tec
execute0_lowered:
.L_overlay_start_1:
0x0: {  	(tag) =	ssettag $0x1  }
0x1: {  	s0 =	srdreg.scid;
	s1 =	stileid.u32  }
0x2: {  	s2 =	rddreg [dreg:$0x0];
	s4 =	simm.s32 $0x0;
	s0 =	sand.u32 $0x1, s0  }
0x3: {  	s1 =	sshll.u32 s1, $0x1;
	[smem:$0x7FF] =	sst s4;
	s5 =	sadd.s32 $0x1A00, s2  }
0x4: {  	s28 =	sadd.s32 $0xD800, s2;
	s1 =	sor.u32 s0, s1;
	_ =	strace $0x80000047  }
0x5: {  	[dreg:$0x3] =	wrdreg s5;
	s0 =	ssub.s32 $0x2, s0;
	s3 =	smul.u32 $0xA0, s1  }
0x6: {  	[dreg:$0x4] =	wrdreg s28;
	s1 =	smul.u32 $0x500, s1;
	s29 =	sshrl.u32 s0, $0x1  }
0x7: {  	s0 =	ssub.s32 s0, s29;
	[dreg:$0x2] =	wrdreg s3  }
0x8: {  	s3 =	sshrl.u32 s3, $0x3;
	s1 =	sadd.s32 s1, s2;
	s0 =	smax.u32 s0, $0x1  }
0x9: {  	s3 =	sadd.s32 s3, s2;
	s1 =	sadd.s32 $0xB4800, s1;
	[dreg:$0x8] =	wrdreg s0  }
0xa: {  	s30 =	sadd.s32 $0x66600, s3;
	[dreg:$0x7] =	wrdreg s1  }
0xb: {  	s31 =	sadd.s32 $0x3A00, s3;
	[dreg:$0x5] =	wrdreg s30  }
0xc: {  	v0 =	vimm.f32 $0.0e+00;
	v1 =	vimm.f32 $-1.000000000e+00;
	s2 =	simm.s32 $0x0;
	[dreg:$0x6] =	wrdreg s31  }
.LBB2_1:
0xd: {  	s0 =	rddreg [dreg:$0x5];
	s1 =	simm.s32 $0xA0;
	s30 =	simm.s32 $0x2710  }
0xe: {  	[tilespmem:s4], [sflag:$0x1] =	stream.strided.gather [hbm4b:s0+s1], $0xA000, s30, s1, $0x38;
	[tilespmem:$0xE4A0] =	vst v63  }
0xf: {  	s31 =	rddreg [dreg:$0x6];
	s3 =	simm.s32 $0xA000  }
0x10: {  	[tilespmem:s3], [sflag:$0x2] =	stream.strided.gather [hbm4b:s31+s1], $0x1400, s30, s1, $0x38;
	[tilespmem:$0xE4A0] =	vst v63  }
0x11: {  	[dreg:$0x9] =	wrdreg s2;
	s0 =	simm.s32 $0x0;
	s1 =	simm.s32 $0x280  }
.LBB2_2:
0x12: {  	p0 =	sne.s32 s1, $0x9D80;
	[tilespmem:s0+$0xB530] =	vst v0  }
0x13: {  	[tilespmem:s0+$0xB4A0] =	vst v0  }
0x14: {  	[tilespmem:s0+$0xB4B0] =	vst v0  }
0x15: {  	[tilespmem:s0+$0xB4C0] =	vst v0  }
0x16: {  	[tilespmem:s0+$0xB4D0] =	vst v0  }
.Ltmp0:
0x17: {  	[tilespmem:s0+$0xB4E0] =	vst v0;
	(pc) =	sbr.rel @p0 .LBB2_2-.Ltmp0, $4  }
0x18: {  	[tilespmem:s0+$0xB4F0] =	vst v0  }
0x19: {  	[tilespmem:s0+$0xB500] =	vst v0  }
0x1a: {  	[tilespmem:s0+$0xB510] =	vst v0  }
0x1b: {  	[tilespmem:s0+$0xB520] =	vst v0;
	s0 =	sshra.s32 s1, $0x2;
	s1 =	sadd.s32 $0x280, s1  }
0x1c: {  	[tilespmem:s0+$0xB530] =	vst v0  }
0x1d: {  	[tilespmem:s0+$0xB4A0] =	vst v0  }
0x1e: {  	[tilespmem:s0+$0xB4B0] =	vst v0  }
0x1f: {  	[tilespmem:s0+$0xB4C0] =	vst v0  }
0x20: {  	[tilespmem:s0+$0xB4D0] =	vst v0  }
0x21: {  	[tilespmem:s0+$0xB4E0] =	vst v0  }
0x22: {  	[tilespmem:s0+$0xB4F0] =	vst v0  }
0x23: {  	[tilespmem:s0+$0xB500] =	vst v0  }
0x24: {  	[tilespmem:s0+$0xB510] =	vst v0  }
0x25: {  	[tilespmem:s0+$0xB520] =	vst v0;
	s30 =	simm.s32 $0x1  }
0x26: {  	_ =	swait.ge [sflag:s30], $0xA000  }
0x27: {  	[sflag:s30] =	ssyncset.done $0x0  }
0x28: {  	s31 =	simm.s32 $0x2;
	[sflag:s30] =	ssyncadd.s32 $0xFFFF6000  }
0x29: {  	_ =	swait.ge [sflag:s31], $0x1400  }
0x2a: {  	[sflag:s31] =	ssyncset.done $0x0  }
0x2b: {  	s2 =	simm.s32 $0x0;
	[sflag:s31] =	ssyncadd.s32 $0xFFFFEC00  }
.LBB2_4:
0x2c: {  	s1 =	rddreg [dreg:$0x3]  }
0x2d: {  	s0 =	sshll.u32 s2, $0x8;
	[dreg:$0xa] =	wrdreg s2;
	s26 =	simm.s32 $0xDCA0  }
0x2e: {  	s3 =	simm.s32 $0x0;
	s28 =	simm.s32 $0x3;
	s0 =	sadd.s32 s1, s0  }
0x2f: {  	[tilespmem:s26], [sflag:$0x3] =	stream.linear.gather [hbm4b:s0+s3], $0x800, $0x38;
	[tilespmem:$0xE4A0] =	vst v63  }
0x30: {  	s25 =	smul.u32 $0x2710, s2;
	_ =	swait.ge [sflag:s28], $0x800  }
0x31: {  	s29 =	rddreg [dreg:$0x2]  }
0x32: {  	s0 =	sadd.s32 s29, s25  }
0x33: {  	[sflag:s28] =	ssyncset.done $0x0;
	s30 =	rddreg [dreg:$0x4];
	s0 =	sshrl.u32 s0, $0x3  }
0x34: {  	s31 =	simm.s32 $0xB400;
	[sflag:s28] =	ssyncadd.s32 $0xFFFFF800;
	s0 =	sadd.s32 s30, s0  }
0x35: {  	[tilespmem:s31], [sflag:$0x3] =	stream.linear.gather [hbm4b:s0+s3], $0xA0, $0x38;
	[tilespmem:$0xE4A0] =	vst v63  }
0x36: {  	_ =	swait.ge [sflag:s28], $0xA0  }
0x37: {  	[sflag:s28] =	ssyncset.done $0x0  }
0x38: {  	s2 =	simm.s32 $0x0;
	s26 =	simm.s32 $0xB4A0;
	[sflag:s28] =	ssyncadd.s32 $0xFFFFFF60  }
.LBB2_5:
0x39: {  	s0 =	simm.s32 $0x0  }
0x3a: {  	v2 =	vld [tilespmem:s0+$0xDCA0];
	_ =	sdelay $0x4  }
0x3b: {  	s24 =	sshll.u32 s2, $0x5;
	v2 =	vmul.u32 $0x280, v2  }
0x3c: {  	v13 =	vld [tilespmem:s24+$0xA000]  }
0x3d: {  	v10 =	vld [tilespmem:s24+$0xB400];
	v14 =	vshra.s32 v2, $0x2  }
0x3e: {  	v4 =	vld [tilespmem:s24+$0xB410];
	(v2sf) =	vpush v14, $0x5  }
0x3f: {  	v15 =	vld [tilespmem:s24+$0xA0A0];
	(v2sf) =	vpush v14, $0x0  }
0x40: {  	v11 =	vld [tilespmem:s24+$0xA0B0];
	(v2sf) =	vpush v14, $0x1  }
0x41: {  	v16 =	vld [tilespmem:s24+$0xA140];
	(v2sf) =	vpush v14, $0x3  }
0x42: {  	v5 =	vld [tilespmem:s24+$0xA150];
	(v2sf) =	vpush v14, $0x2  }
0x43: {  	v17 =	vld [tilespmem:s24+$0xA1E0]  }
0x44: {  	v6 =	vld [tilespmem:s24+$0xA1F0]  }
0x45: {  	v18 =	vld [tilespmem:s24+$0xA280]  }
0x46: {  	v7 =	vld [tilespmem:s24+$0xA290];
	(v2sf) =	vpush v14, $0x4  }
0x47: {  	v19 =	vld [tilespmem:s24+$0xA320]  }
0x48: {  	v8 =	vld [tilespmem:s24+$0xA330]  }
0x49: {  	v20 =	vld [tilespmem:s24+$0xA3C0]  }
0x4a: {  	v3 =	vmov s24;
	v9 =	vld [tilespmem:s24+$0xA3D0];
	(v2sf) =	vpush v14, $0x6  }
0x4b: {  	v21 =	vld [tilespmem:s24+$0xA460]  }
0x4c: {  	v12 =	vld [tilespmem:s24+$0xA470];
	(v2sf) =	vpush v14, $0x7  }
0x4d: {  	v22 =	vld [tilespmem:s24+$0xA500];
	s18 =	spop (v2sf)  }
0x4e: {  	[dreg:$0xc] =	wrdreg s2;
	v38 =	vld [tilespmem:s24+$0xA510];
	s6 =	spop (v2sf);
	(v2sf) =	vpush v14, $0x8  }
0x4f: {  	v24 =	vld.idx.msk [tilespmem:v3+s6+$0x0 ss:$0x1], $0xffff;
	s15 =	spop (v2sf)  }
0x50: {  	(v2sf) =	vpush v14, $0x9;
	v25 =	vld.idx.msk [tilespmem:v3+s15+$0x0 ss:$0x1], $0xffff;
	s3 =	spop (v2sf)  }
0x51: {  	v39 =	vld [tilespmem:s24+$0xA5B0];
	s5 =	spop (v2sf)  }
0x52: {  	(v2sf) =	vpush v14, $0xA;
	v26 =	vld.idx.msk [tilespmem:v3+s5+$0x0 ss:$0x1], $0xffff  }
0x53: {  	v40 =	vld [tilespmem:s24+$0xA650];
	v32 =	vmul.f32 v10, v13;
	v33 =	vmul.f32 v15, v10  }
0x54: {  	v23 =	vmul.f32 v16, v10;
	v15 =	vld.idx.msk [tilespmem:v3+s3+$0x0 ss:$0x1], $0xffff;
	(v2sf) =	vpush v14, $0xB  }
0x55: {  	v42 =	vld [tilespmem:s24+$0xA6F0];
	s4 =	spop (v2sf);
	v16 =	vmul.f32 v24, v32;
	v24 =	vmul.f32 v25, v33  }
0x56: {  	s23 =	simm.s32 $0x20;
	(v2sf) =	vpush v14, $0xC;
	v25 =	vld.idx.msk [tilespmem:v3+s4+$0x0 ss:$0x1], $0xffff  }
0x57: {  	v34 =	vmul.f32 v17, v10;
	v17 =	vld [tilespmem:s23+$0xDCA0];
	v16 =	vadd.f32 v24, v16;
	v24 =	vmul.f32 v26, v23  }
0x58: {  	v27 =	vld.idx.msk [tilespmem:v3+s18+$0x0 ss:$0x1], $0xffff;
	(v2sf) =	vpush v14, $0xD  }
0x59: {  	v43 =	vld [tilespmem:s24+$0xA790];
	v28 =	vmul.f32 v18, v10;
	s7 =	spop (v2sf);
	v15 =	vmul.f32 v15, v34;
	v16 =	vadd.f32 v24, v16  }
0x5a: {  	(v2sf) =	vpush v14, $0xE;
	v24 =	vld.idx.msk [tilespmem:v3+s7+$0x0 ss:$0x1], $0xffff  }
0x5b: {  	v31 =	vld [tilespmem:s24+$0xA960];
	s8 =	spop (v2sf);
	v26 =	vmul.f32 v19, v10;
	v15 =	vadd.f32 v15, v16;
	v16 =	vmul.f32 v25, v28  }
0x5c: {  	v17 =	vmul.u32 $0x280, v17;
	(v2sf) =	vpush v14, $0xF;
	v19 =	vld.idx.msk [tilespmem:v3+s8+$0x0 ss:$0x1], $0xffff  }
0x5d: {  	v13 =	vld [tilespmem:s24+$0xA5A0];
	v20 =	vmul.f32 v20, v10;
	s9 =	spop (v2sf);
	v15 =	vadd.f32 v16, v15;
	v16 =	vmul.f32 v27, v26  }
0x5e: {  	v21 =	vmul.f32 v21, v10;
	v36 =	vshra.s32 v17, $0x2;
	v25 =	vld.idx.msk [tilespmem:v3+s9+$0x0 ss:$0x1], $0xffff  }
0x5f: {  	v18 =	vld [tilespmem:s24+$0xA640];
	(v2sf) =	vpush v36, $0x5;
	s13 =	spop (v2sf);
	v15 =	vadd.f32 v16, v15;
	v16 =	vmul.f32 v24, v20  }
0x60: {  	v22 =	vmul.f32 v22, v10;
	(v2sf) =	vpush v36, $0x0;
	v17 =	vld.idx.msk [tilespmem:v3+s13+$0x0 ss:$0x1], $0xffff  }
0x61: {  	v14 =	vld [tilespmem:s24+$0xA6E0];
	(v2sf) =	vpush v36, $0x1;
	s28 =	spop (v2sf);
	v15 =	vadd.f32 v16, v15;
	v16 =	vmul.f32 v19, v21  }
0x62: {  	v24 =	vmul.f32 v13, v10;
	v13 =	vld.idx.msk [tilespmem:v3+s28+$0x0 ss:$0x1], $0xffff  }
0x63: {  	v27 =	vld [tilespmem:s24+$0xA780];
	(v2sf) =	vpush v36, $0x3;
	s29 =	spop (v2sf);
	v15 =	vadd.f32 v16, v15;
	v16 =	vmul.f32 v25, v22  }
0x64: {  	(v2sf) =	vpush v36, $0x2;
	v19 =	vld.idx.msk [tilespmem:v3+s29+$0x0 ss:$0x1], $0xffff  }
0x65: {  	v35 =	vmul.f32 v18, v10;
	v18 =	vld [tilespmem:s24+$0xA820];
	s30 =	spop (v2sf);
	v15 =	vadd.f32 v16, v15;
	v16 =	vmul.f32 v17, v24  }
0x66: {  	v17 =	vld.idx.msk [tilespmem:v3+s30+$0x0 ss:$0x1], $0xffff  }
0x67: {  	v29 =	vmul.f32 v14, v10;
	v14 =	vld [tilespmem:s24+$0xA8C0];
	s31 =	spop (v2sf);
	v13 =	vmul.f32 v13, v35;
	v15 =	vadd.f32 v16, v15  }
0x68: {  	(v2sf) =	vpush v36, $0x4;
	v16 =	vld.idx.msk [tilespmem:v3+s31+$0x0 ss:$0x1], $0xffff  }
0x69: {  	v44 =	vld [tilespmem:s24+$0xA830];
	v30 =	vmul.f32 v27, v10;
	s1 =	spop (v2sf);
	v13 =	vadd.f32 v13, v15;
	v15 =	vmul.f32 v19, v29  }
0x6a: {  	v25 =	vmul.f32 v18, v10;
	v18 =	vld.idx.msk [tilespmem:v3+s1+$0x0 ss:$0x1], $0xffff  }
0x6b: {  	v2 =	vld [tilespmem:s24+$0xA010];
	s0 =	spop (v2sf);
	v13 =	vadd.f32 v15, v13;
	v15 =	vmul.f32 v17, v30  }
0x6c: {  	v27 =	vmul.f32 v14, v10;
	(v2sf) =	vpush v36, $0x6;
	v14 =	vld.idx.msk [tilespmem:v3+s0+$0x0 ss:$0x1], $0xffff  }
0x6d: {  	v45 =	vld [tilespmem:s24+$0xA8D0];
	(v2sf) =	vpush v36, $0x7;
	v13 =	vadd.f32 v15, v13;
	v15 =	vmul.f32 v16, v25  }
0x6e: {  	s25 =	simm.s32 $0x40;
	v47 =	vld [tilespmem:s24+$0xA970];
	v31 =	vmul.f32 v31, v10;
	v12 =	vmul.f32 v12, v4;
	s14 =	spop (v2sf)  }
0x6f: {  	s10 =	sor.u32 $0x10, s24;
	v41 =	vld [tilespmem:s25+$0xDCA0];
	(v2sf) =	vpush v36, $0x8;
	s2 =	spop (v2sf);
	v10 =	vadd.f32 v15, v13;
	v13 =	vmul.f32 v18, v27  }
0x70: {  	v37 =	vld.idx.msk [tilespmem:v3+s14+$0x0 ss:$0x1], $0xffff;
	[dreg:$0xd] =	wrdreg s10;
	v17 =	vmul.f32 v4, v2;
	v2 =	vmov s10;
	s10 =	spop (v2sf);
	(v2sf) =	vpush v36, $0x9  }
0x71: {  	v46 =	vld.idx.msk [tilespmem:v3+s2+$0x0 ss:$0x1], $0xffff;
	v18 =	vmul.f32 v11, v4;
	v11 =	vmul.f32 v14, v31;
	v10 =	vadd.f32 v13, v10  }
0x72: {  	v19 =	vmul.f32 v5, v4;
	v16 =	vmul.f32 v6, v4;
	v5 =	vld.idx.msk [tilespmem:v3+s10+$0x0 ss:$0x1], $0xffff;
	s12 =	spop (v2sf)  }
0x73: {  	(v2sf) =	vpush v36, $0xA;
	v15 =	vmul.f32 v7, v4;
	v48 =	vld.idx.msk [tilespmem:v3+s12+$0x0 ss:$0x1], $0xffff;
	s11 =	spop (v2sf);
	v6 =	vadd.f32 v11, v10  }
0x74: {  	v14 =	vmul.f32 v8, v4;
	v7 =	vmul.f32 v42, v4;
	v49 =	vld.idx.msk [tilespmem:v3+s11+$0x0 ss:$0x1], $0xffff  }
0x75: {  	v8 =	vmul.f32 v43, v4;
	(v2sf) =	vpush v36, $0xB;
	v13 =	vmul.f32 v9, v4;
	[tilespmem:s26+$0x0] =	vst.add.f32.msk $0xffff, v6  }
0x76: {  	(v2sf) =	vpush v36, $0xC;
	v9 =	vmul.f32 v40, v4;
	v11 =	vmul.f32 v38, v4;
	v60 =	vld.idx.msk [tilespmem:v2+s6+$0x0 ss:$0x1], $0xffff  }
0x77: {  	v61 =	vmul.f32 v5, v33;
	v6 =	vmul.f32 v46, v32;
	s6 =	spop (v2sf);
	v50 =	vld.idx.msk [tilespmem:v2+s15+$0x0 ss:$0x1], $0xffff  }
0x78: {  	v10 =	vmul.f32 v39, v4;
	v5 =	vmul.f32 v44, v4;
	v46 =	vld.idx.msk [tilespmem:v3+s6+$0x0 ss:$0x1], $0xffff  }
0x79: {  	v63 =	vmul.f32 v49, v23;
	v38 =	vld.idx.msk [tilespmem:v2+s5+$0x0 ss:$0x1], $0xffff;
	(v2sf) =	vpush v36, $0xD;
	v62 =	vadd.f32 v61, v6  }
0x7a: {  	v48 =	vmul.f32 v48, v34;
	v39 =	vld.idx.msk [tilespmem:v2+s3+$0x0 ss:$0x1], $0xffff;
	v6 =	vmul.f32 v45, v4  }
0x7b: {  	s22 =	smov.u32 s26;
	v40 =	vld.idx.msk [tilespmem:v2+s4+$0x0 ss:$0x1], $0xffff;
	v4 =	vmul.f32 v47, v4;
	s17 =	spop (v2sf);
	(v2sf) =	vpush v36, $0xE;
	v47 =	vadd.f32 v63, v62  }
0x7c: {  	s3 =	simm.s32 $0x180;
	v45 =	vld.idx.msk [tilespmem:v3+s17+$0x0 ss:$0x1], $0xffff;
	s15 =	spop (v2sf);
	[dreg:$0xb] =	wrdreg s26;
	v42 =	vmul.f32 v60, v17;
	v43 =	vmul.f32 v50, v18  }
.LBB2_6:
0x7d: {  	p0 =	sne.s32 s3, $0x1F80;
	v44 =	vadd.f32 v48, v47;
	v46 =	vmul.f32 v46, v28;
	v47 =	vld.idx.msk [tilespmem:v3+s15+$0x0 ss:$0x1], $0xffff;
	(v2sf) =	vpush v36, $0xF  }
0x7e: {  	v36 =	vmul.u32 $0x280, v41;
	v38 =	vmul.f32 v38, v19;
	s4 =	spop (v2sf);
	v41 =	vadd.f32 v43, v42;
	v42 =	vld.idx.msk [tilespmem:v2+s18+$0x0 ss:$0x1], $0xffff;
	s18 =	smov.u32 s14  }
0x7f: {  	v37 =	vmul.f32 v37, v26;
	v43 =	vadd.f32 v46, v44;
	v44 =	vld.idx.msk [tilespmem:v3+s4+$0x0 ss:$0x1], $0xffff  }
0x80: {  	v36 =	vshra.s32 v36, $0x2;
	v39 =	vmul.f32 v39, v16;
	s5 =	spop (v2sf);
	v38 =	vadd.f32 v38, v41;
	v41 =	vld.idx.msk [tilespmem:v2+s7+$0x0 ss:$0x1], $0xffff;
	s7 =	smov.u32 s17  }
0x81: {  	(v2sf) =	vpush v36, $0x5;
	v37 =	vadd.f32 v37, v43;
	v43 =	vmul.f32 v45, v20;
	v45 =	vld.idx.msk [tilespmem:v3+s5+$0x0 ss:$0x1], $0xffff  }
0x82: {  	s14 =	spop (v2sf);
	v38 =	vadd.f32 v39, v38;
	v39 =	vmul.f32 v40, v15;
	v40 =	vld.idx.msk [tilespmem:v2+s8+$0x0 ss:$0x1], $0xffff;
	s8 =	smov.u32 s15  }
0x83: {  	(v2sf) =	vpush v36, $0x0;
	v37 =	vadd.f32 v43, v37;
	v43 =	vmul.f32 v47, v21;
	v46 =	vld.idx.msk [tilespmem:v3+s14+$0x0 ss:$0x1], $0xffff  }
0x84: {  	(v2sf) =	vpush v36, $0x1;
	s15 =	spop (v2sf);
	v38 =	vadd.f32 v39, v38;
	v39 =	vmul.f32 v42, v14;
	v42 =	vld.idx.msk [tilespmem:v2+s9+$0x0 ss:$0x1], $0xffff;
	s9 =	smov.u32 s4  }
0x85: {  	(v2sf) =	vpush v36, $0x3;
	v37 =	vadd.f32 v43, v37;
	v43 =	vmul.f32 v44, v22;
	v44 =	vld.idx.msk [tilespmem:v3+s15+$0x0 ss:$0x1], $0xffff;
	s4 =	spop (v2sf)  }
0x86: {  	(v2sf) =	vpush v36, $0x2;
	v38 =	vadd.f32 v39, v38;
	v39 =	vmul.f32 v41, v13;
	v41 =	vld.idx.msk [tilespmem:v2+s13+$0x0 ss:$0x1], $0xffff;
	s13 =	smov.u32 s5  }
0x87: {  	v37 =	vadd.f32 v43, v37;
	v43 =	vmul.f32 v45, v24;
	v45 =	vld.idx.msk [tilespmem:v3+s4+$0x0 ss:$0x1], $0xffff  }
0x88: {  	s5 =	spop (v2sf);
	v38 =	vadd.f32 v39, v38;
	v39 =	vmul.f32 v40, v12;
	v40 =	vld.idx.msk [tilespmem:v2+s28+$0x0 ss:$0x1], $0xffff;
	s28 =	smov.u32 s14  }
0x89: {  	v37 =	vadd.f32 v43, v37;
	v43 =	vmul.f32 v46, v35;
	v46 =	vld.idx.msk [tilespmem:v3+s5+$0x0 ss:$0x1], $0xffff  }
0x8a: {  	(v2sf) =	vpush v36, $0x4;
	s16 =	spop (v2sf);
	v38 =	vadd.f32 v39, v38;
	v39 =	vmul.f32 v42, v11;
	v42 =	vld.idx.msk [tilespmem:v2+s29+$0x0 ss:$0x1], $0xffff;
	s29 =	smov.u32 s15  }
0x8b: {  	v37 =	vadd.f32 v43, v37;
	v43 =	vmul.f32 v44, v29;
	v44 =	vld.idx.msk [tilespmem:v3+s16+$0x0 ss:$0x1], $0xffff  }
0x8c: {  	s15 =	spop (v2sf);
	v38 =	vadd.f32 v39, v38;
	v39 =	vmul.f32 v41, v10;
	v47 =	vld.idx.msk [tilespmem:v2+s30+$0x0 ss:$0x1], $0xffff;
	s30 =	smov.u32 s4  }
0x8d: {  	v37 =	vadd.f32 v43, v37;
	v43 =	vmul.f32 v45, v30;
	v45 =	vld.idx.msk [tilespmem:v3+s15+$0x0 ss:$0x1], $0xffff  }
0x8e: {  	s4 =	sshra.s32 s3, $0x2;
	(v2sf) =	vpush v36, $0x6;
	v38 =	vadd.f32 v39, v38;
	v39 =	vmul.f32 v40, v9;
	v40 =	vld.idx.msk [tilespmem:v2+s31+$0x0 ss:$0x1], $0xffff;
	s31 =	smov.u32 s5  }
0x8f: {  	v46 =	vmul.f32 v46, v25;
	v41 =	vld [tilespmem:s4+$0xDCA0];
	v43 =	vadd.f32 v43, v37  }
0x90: {  	s14 =	spop (v2sf);
	(v2sf) =	vpush v36, $0x7;
	v38 =	vadd.f32 v39, v38;
	v39 =	vmul.f32 v42, v7;
	v42 =	vld.idx.msk [tilespmem:v2+s1+$0x0 ss:$0x1], $0xffff;
	s1 =	smov.u32 s16  }
0x91: {  	v44 =	vmul.f32 v44, v27;
	v37 =	vld.idx.msk [tilespmem:v3+s14+$0x0 ss:$0x1], $0xffff;
	v43 =	vadd.f32 v46, v43  }
0x92: {  	s4 =	spop (v2sf);
	(v2sf) =	vpush v36, $0x8;
	v38 =	vadd.f32 v39, v38;
	v39 =	vmul.f32 v47, v8;
	v46 =	vld.idx.msk [tilespmem:v2+s0+$0x0 ss:$0x1], $0xffff;
	s0 =	smov.u32 s15  }
0x93: {  	v47 =	vld.idx.msk [tilespmem:v3+s4+$0x0 ss:$0x1], $0xffff;
	s5 =	spop (v2sf);
	v43 =	vadd.f32 v44, v43;
	v44 =	vmul.f32 v45, v31  }
0x94: {  	v45 =	vld.idx.msk [tilespmem:v3+s5+$0x0 ss:$0x1], $0xffff;
	s15 =	spop (v2sf);
	(v2sf) =	vpush v36, $0x9;
	v38 =	vadd.f32 v39, v38;
	v39 =	vmul.f32 v40, v5  }
0x95: {  	v40 =	vld.idx.msk [tilespmem:v3+s15+$0x0 ss:$0x1], $0xffff;
	s16 =	spop (v2sf);
	v43 =	vadd.f32 v44, v43  }
0x96: {  	s22 =	sadd.s32 $0xA0, s22;
	v44 =	vld.idx.msk [tilespmem:v3+s16+$0x0 ss:$0x1], $0xffff;
	(v2sf) =	vpush v36, $0xA;
	v38 =	vadd.f32 v39, v38;
	v39 =	vmul.f32 v42, v6  }
0x97: {  	[tilespmem:s22+$0x0] =	vst.add.f32.msk $0xffff, v43  }
0x98: {  	(v2sf) =	vpush v36, $0xB;
	v42 =	vld.idx.msk [tilespmem:v2+s2+$0x0 ss:$0x1], $0xffff;
	v38 =	vadd.f32 v39, v38;
	v39 =	vmul.f32 v46, v4;
	s2 =	smov.u32 s4  }
0x99: {  	s4 =	spop (v2sf);
	(v2sf) =	vpush v36, $0xC;
	v43 =	vld.idx.msk [tilespmem:v2+s10+$0x0 ss:$0x1], $0xffff;
	s10 =	smov.u32 s5  }
0x9a: {  	v47 =	vmul.f32 v47, v32;
	v45 =	vmul.f32 v45, v33;
	v46 =	vld.idx.msk [tilespmem:v3+s4+$0x0 ss:$0x1], $0xffff;
	v39 =	vadd.f32 v39, v38  }
.Ltmp1:
0x9b: {  	v38 =	vld.idx.msk [tilespmem:v2+s11+$0x0 ss:$0x1], $0xffff;
	s11 =	smov.u32 s16;
	(pc) =	sbr.rel @p0 .LBB2_6-.Ltmp1, $4  }
0x9c: {  	v45 =	vadd.f32 v45, v47;
	v44 =	vmul.f32 v44, v23;
	(v2sf) =	vpush v36, $0xD;
	[tilespmem:s26+$0x10] =	vst.add.f32.msk $0xffff, v39;
	s26 =	smov.u32 s22  }
0x9d: {  	s17 =	spop (v2sf);
	v39 =	vld.idx.msk [tilespmem:v2+s12+$0x0 ss:$0x1], $0xffff;
	s12 =	smov.u32 s15  }
0x9e: {  	v48 =	vmul.f32 v40, v34;
	v47 =	vadd.f32 v44, v45;
	v45 =	vld.idx.msk [tilespmem:v3+s17+$0x0 ss:$0x1], $0xffff;
	(v2sf) =	vpush v36, $0xE  }
0x9f: {  	s3 =	sadd.s32 $0x80, s3;
	v42 =	vmul.f32 v42, v17;
	v43 =	vmul.f32 v43, v18;
	s15 =	spop (v2sf);
	v40 =	vld.idx.msk [tilespmem:v2+s6+$0x0 ss:$0x1], $0xffff;
	s6 =	smov.u32 s4  }
0xa0: {  	v41 =	vmul.u32 $0x280, v41;
	_ =	sdelay $0x1  }
0xa1: {  	(v2sf) =	vpush v36, $0xF;
	v49 =	vshra.s32 v41, $0x2  }
0xa2: {  	(v2sf) =	vpush v49, $0x5;
	_ =	sdelay $0x1  }
0xa3: {  	(v2sf) =	vpush v49, $0x0;
	_ =	sdelay $0x1  }
0xa4: {  	(v2sf) =	vpush v49, $0x1  }
0xa5: {  	(v2sf) =	vpush v49, $0x3;
	_ =	sdelay $0x1  }
0xa6: {  	s5 =	spop (v2sf);
	(v2sf) =	vpush v49, $0x2  }
0xa7: {  	s16 =	spop (v2sf)  }
0xa8: {  	s19 =	spop (v2sf)  }
0xa9: {  	s20 =	spop (v2sf)  }
0xaa: {  	[dreg:$0x11] =	wrdreg s5;
	(v2sf) =	vpush v49, $0x4;
	s21 =	spop (v2sf)  }
0xab: {  	[dreg:$0x15] =	wrdreg s16;
	s25 =	spop (v2sf)  }
0xac: {  	[dreg:$0x13] =	wrdreg s19;
	s23 =	spop (v2sf)  }
0xad: {  	[dreg:$0xf] =	wrdreg s20;
	(v2sf) =	vpush v49, $0x6;
	s3 =	spop (v2sf)  }
0xae: {  	[dreg:$0x17] =	wrdreg s3;
	s4 =	spop (v2sf)  }
0xaf: {  	[dreg:$0x1a] =	wrdreg s4  }
0xb0: {  	(v2sf) =	vpush v49, $0x7;
	v44 =	vld.idx.msk [tilespmem:v2+s18+$0x0 ss:$0x1], $0xffff;
	s18 =	spop (v2sf)  }
0xb1: {  	[dreg:$0x1e] =	wrdreg s18  }
0xb2: {  	(v2sf) =	vpush v49, $0x8;
	v50 =	vld.idx.msk [tilespmem:v3+s18+$0x0 ss:$0x1], $0xffff;
	s18 =	spop (v2sf)  }
0xb3: {  	s3 =	spop (v2sf)  }
0xb4: {  	(v2sf) =	vpush v49, $0x9;
	v51 =	vld.idx.msk [tilespmem:v3+s18+$0x0 ss:$0x1], $0xffff;
	[dreg:$0x1c] =	wrdreg s3  }
0xb5: {  	v52 =	vld.idx.msk [tilespmem:v2+s7+$0x0 ss:$0x1], $0xffff;
	s7 =	spop (v2sf)  }
0xb6: {  	(v2sf) =	vpush v49, $0xA;
	v53 =	vld.idx.msk [tilespmem:v3+s7+$0x0 ss:$0x1], $0xffff  }
0xb7: {  	v41 =	vld.idx.msk [tilespmem:v2+s8+$0x0 ss:$0x1], $0xffff  }
0xb8: {  	(v2sf) =	vpush v49, $0xB;
	v54 =	vld.idx.msk [tilespmem:v3+s3+$0x0 ss:$0x1], $0xffff  }
0xb9: {  	v36 =	vld.idx.msk [tilespmem:v2+s9+$0x0 ss:$0x1], $0xffff;
	s9 =	spop (v2sf);
	v50 =	vmul.f32 v50, v32;
	v33 =	vmul.f32 v51, v33  }
0xba: {  	(v2sf) =	vpush v49, $0xC;
	v63 =	vld.idx.msk [tilespmem:v3+s9+$0x0 ss:$0x1], $0xffff  }
0xbb: {  	v32 =	vld.idx.msk [tilespmem:v2+s13+$0x0 ss:$0x1], $0xffff;
	v33 =	vadd.f32 v33, v50;
	v23 =	vmul.f32 v53, v23  }
0xbc: {  	v47 =	vadd.f32 v48, v47;
	v46 =	vmul.f32 v46, v28;
	(v2sf) =	vpush v49, $0xD;
	s13 =	spop (v2sf);
	v53 =	vld.idx.msk [tilespmem:v3+s4+$0x0 ss:$0x1], $0xffff  }
0xbd: {  	v56 =	vld.idx.msk [tilespmem:v3+s15+$0x0 ss:$0x1], $0xffff;
	v55 =	vmul.f32 v54, v34;
	[dreg:$0x18] =	wrdreg s13;
	v23 =	vadd.f32 v23, v33  }
0xbe: {  	v37 =	vmul.f32 v37, v26;
	v46 =	vadd.f32 v46, v47;
	(v2sf) =	vpush v49, $0xE;
	v57 =	vld.idx.msk [tilespmem:v3+s13+$0x0 ss:$0x1], $0xffff  }
0xbf: {  	s4 =	spop (v2sf);
	v28 =	vmul.f32 v63, v28;
	v58 =	vld.idx.msk [tilespmem:v3+s5+$0x0 ss:$0x1], $0xffff;
	v23 =	vadd.f32 v55, v23  }
0xc0: {  	v45 =	vmul.f32 v45, v20;
	v37 =	vadd.f32 v37, v46;
	(v2sf) =	vpush v49, $0xF;
	v59 =	vld.idx.msk [tilespmem:v3+s4+$0x0 ss:$0x1], $0xffff  }
0xc1: {  	s8 =	spop (v2sf);
	v26 =	vmul.f32 v53, v26;
	v23 =	vadd.f32 v28, v23;
	v28 =	vld.idx.msk [tilespmem:v3+s16+$0x0 ss:$0x1], $0xffff  }
0xc2: {  	v37 =	vadd.f32 v45, v37;
	v34 =	vmul.f32 v56, v21;
	v60 =	vld.idx.msk [tilespmem:v3+s8+$0x0 ss:$0x1], $0xffff  }
0xc3: {  	v20 =	vmul.f32 v57, v20;
	v23 =	vadd.f32 v26, v23;
	v26 =	vld.idx.msk [tilespmem:v3+s19+$0x0 ss:$0x1], $0xffff;
	s19 =	spop (v2sf)  }
0xc4: {  	v34 =	vadd.f32 v34, v37;
	v33 =	vmul.f32 v58, v22;
	v61 =	vld.idx.msk [tilespmem:v3+s19+$0x0 ss:$0x1], $0xffff  }
0xc5: {  	v21 =	vmul.f32 v59, v21;
	s3 =	spop (v2sf);
	v20 =	vadd.f32 v20, v23;
	v23 =	vld.idx.msk [tilespmem:v3+s20+$0x0 ss:$0x1], $0xffff  }
0xc6: {  	v33 =	vadd.f32 v33, v34;
	v62 =	vld.idx.msk [tilespmem:v3+s3+$0x0 ss:$0x1], $0xffff;
	v28 =	vmul.f32 v28, v24  }
0xc7: {  	v63 =	vld.idx.msk [tilespmem:v3+s21+$0x0 ss:$0x1], $0xffff;
	s13 =	spop (v2sf);
	v20 =	vadd.f32 v21, v20;
	v21 =	vmul.f32 v60, v22  }
0xc8: {  	v22 =	vadd.f32 v28, v33;
	v26 =	vmul.f32 v26, v35;
	v28 =	vld.idx.msk [tilespmem:v3+s13+$0x0 ss:$0x1], $0xffff  }
0xc9: {  	v48 =	vld.idx.msk [tilespmem:v3+s25+$0x0 ss:$0x1], $0xffff;
	s5 =	smov.u32 s25;
	s25 =	spop (v2sf);
	v20 =	vadd.f32 v21, v20;
	v21 =	vmul.f32 v61, v24  }
0xca: {  	v24 =	vld.idx.msk [tilespmem:v3+s25+$0x0 ss:$0x1], $0xffff;
	v22 =	vadd.f32 v26, v22;
	v23 =	vmul.f32 v23, v29  }
0xcb: {  	s20 =	spop (v2sf);
	v26 =	vld.idx.msk [tilespmem:v3+s23+$0x0 ss:$0x1], $0xffff;
	v20 =	vadd.f32 v21, v20;
	v21 =	vmul.f32 v62, v35  }
0xcc: {  	s16 =	smov.u32 s21;
	s21 =	rddreg [dreg:$0x17];
	v49 =	vld.idx.msk [tilespmem:v3+s20+$0x0 ss:$0x1], $0xffff;
	v22 =	vadd.f32 v23, v22;
	v23 =	vmul.f32 v63, v30  }
0xcd: {  	v50 =	vld.idx.msk [tilespmem:v3+s21+$0x0 ss:$0x1], $0xffff;
	s21 =	spop (v2sf);
	v20 =	vadd.f32 v21, v20;
	v21 =	vmul.f32 v28, v29  }
0xce: {  	v28 =	vld.idx.msk [tilespmem:v3+s21+$0x0 ss:$0x1], $0xffff;
	v22 =	vadd.f32 v23, v22;
	v23 =	vmul.f32 v48, v25  }
0xcf: {  	v29 =	vld.idx.msk [tilespmem:v2+s28+$0x0 ss:$0x1], $0xffff;
	s28 =	spop (v2sf);
	v20 =	vadd.f32 v21, v20;
	v21 =	vmul.f32 v24, v30  }
0xd0: {  	v24 =	vld.idx.msk [tilespmem:v3+s28+$0x0 ss:$0x1], $0xffff;
	v22 =	vadd.f32 v23, v22;
	v23 =	vmul.f32 v26, v27  }
0xd1: {  	v30 =	vld.idx.msk [tilespmem:v2+s31+$0x0 ss:$0x1], $0xffff;
	v20 =	vadd.f32 v21, v20;
	v21 =	vmul.f32 v49, v25  }
0xd2: {  	v26 =	vld.idx.msk [tilespmem:v2+s29+$0x0 ss:$0x1], $0xffff;
	v22 =	vadd.f32 v23, v22;
	v23 =	vmul.f32 v50, v31  }
0xd3: {  	v25 =	vld.idx.msk [tilespmem:v2+s30+$0x0 ss:$0x1], $0xffff;
	v20 =	vadd.f32 v21, v20;
	v21 =	vmul.f32 v28, v27  }
0xd4: {  	v27 =	vld.idx.msk [tilespmem:v2+s1+$0x0 ss:$0x1], $0xffff;
	v22 =	vadd.f32 v23, v22  }
0xd5: {  	s1 =	sadd.s32 $0xA0, s22;
	v23 =	vld.idx.msk [tilespmem:v2+s0+$0x0 ss:$0x1], $0xffff;
	v20 =	vadd.f32 v21, v20;
	v21 =	vmul.f32 v24, v31  }
0xd6: {  	[tilespmem:s1+$0x0] =	vst.add.f32.msk $0xffff, v22  }
0xd7: {  	v22 =	vld.idx.msk [tilespmem:v2+s2+$0x0 ss:$0x1], $0xffff;
	v20 =	vadd.f32 v21, v20  }
0xd8: {  	v28 =	vmul.f32 v38, v19;
	s22 =	sadd.s32 $0xA0, s1;
	v24 =	vadd.f32 v43, v42;
	v21 =	vld.idx.msk [tilespmem:v2+s10+$0x0 ss:$0x1], $0xffff  }
0xd9: {  	[tilespmem:s22+$0x0] =	vst.add.f32.msk $0xffff, v20  }
0xda: {  	v24 =	vadd.f32 v28, v24;
	v28 =	vmul.f32 v39, v16;
	s30 =	rddreg [dreg:$0x1e];
	v31 =	vld.idx.msk [tilespmem:v2+s18+$0x0 ss:$0x1], $0xffff  }
0xdb: {  	v20 =	vld.idx.msk [tilespmem:v2+s30+$0x0 ss:$0x1], $0xffff  }
0xdc: {  	v51 =	vld.idx.msk [tilespmem:v2+s11+$0x0 ss:$0x1], $0xffff;
	v24 =	vadd.f32 v28, v24;
	v28 =	vmul.f32 v40, v15  }
0xdd: {  	v53 =	vld.idx.msk [tilespmem:v2+s7+$0x0 ss:$0x1], $0xffff  }
0xde: {  	v55 =	vmul.f32 v52, v13;
	v54 =	vld.idx.msk [tilespmem:v2+s12+$0x0 ss:$0x1], $0xffff;
	s31 =	rddreg [dreg:$0x1c];
	v24 =	vadd.f32 v28, v24;
	v28 =	vmul.f32 v44, v14  }
0xdf: {  	v56 =	vld.idx.msk [tilespmem:v2+s31+$0x0 ss:$0x1], $0xffff;
	v22 =	vmul.f32 v22, v17;
	v21 =	vmul.f32 v21, v18  }
0xe0: {  	v24 =	vadd.f32 v28, v24;
	v28 =	vld.idx.msk [tilespmem:v2+s6+$0x0 ss:$0x1], $0xffff;
	v18 =	vmul.f32 v31, v18;
	v17 =	vmul.f32 v20, v17  }
0xe1: {  	v57 =	vmul.f32 v41, v12;
	v21 =	vadd.f32 v21, v22;
	v22 =	vmul.f32 v51, v19;
	v20 =	vld.idx.msk [tilespmem:v2+s9+$0x0 ss:$0x1], $0xffff  }
0xe2: {  	s6 =	rddreg [dreg:$0x1a];
	v24 =	vadd.f32 v55, v24;
	v31 =	vld.idx.msk [tilespmem:v2+s14+$0x0 ss:$0x1], $0xffff;
	v17 =	vadd.f32 v18, v17;
	v18 =	vmul.f32 v53, v19  }
0xe3: {  	v21 =	vadd.f32 v22, v21;
	v22 =	vmul.f32 v54, v16;
	v19 =	vld.idx.msk [tilespmem:v2+s6+$0x0 ss:$0x1], $0xffff  }
0xe4: {  	v58 =	vld.idx.msk [tilespmem:v2+s17+$0x0 ss:$0x1], $0xffff;
	s7 =	rddreg [dreg:$0x18];
	v16 =	vmul.f32 v56, v16;
	v24 =	vadd.f32 v57, v24;
	v17 =	vadd.f32 v18, v17  }
0xe5: {  	v21 =	vadd.f32 v22, v21;
	v22 =	vmul.f32 v28, v15;
	v28 =	vld.idx.msk [tilespmem:v2+s7+$0x0 ss:$0x1], $0xffff;
	v18 =	vmul.f32 v36, v11  }
0xe6: {  	v59 =	vld.idx.msk [tilespmem:v2+s15+$0x0 ss:$0x1], $0xffff;
	v15 =	vmul.f32 v20, v15;
	v16 =	vadd.f32 v16, v17  }
0xe7: {  	s9 =	rddreg [dreg:$0x11];
	v20 =	vmul.f32 v31, v14;
	v17 =	vadd.f32 v18, v24;
	v18 =	vadd.f32 v22, v21;
	v21 =	vld.idx.msk [tilespmem:v2+s4+$0x0 ss:$0x1], $0xffff  }
0xe8: {  	v22 =	vmul.f32 v32, v10;
	v24 =	vld.idx.msk [tilespmem:v2+s9+$0x0 ss:$0x1], $0xffff;
	v14 =	vmul.f32 v19, v14;
	v15 =	vadd.f32 v15, v16  }
0xe9: {  	s10 =	rddreg [dreg:$0x15];
	v19 =	vld.idx.msk [tilespmem:v2+s8+$0x0 ss:$0x1], $0xffff;
	v16 =	vadd.f32 v20, v18;
	v18 =	vmul.f32 v58, v13  }
0xea: {  	v17 =	vadd.f32 v22, v17;
	v20 =	vld.idx.msk [tilespmem:v2+s10+$0x0 ss:$0x1], $0xffff;
	v13 =	vmul.f32 v28, v13;
	v14 =	vadd.f32 v14, v15  }
0xeb: {  	s11 =	rddreg [dreg:$0x13];
	v22 =	vld.idx.msk [tilespmem:v2+s19+$0x0 ss:$0x1], $0xffff;
	v15 =	vmul.f32 v29, v9;
	v16 =	vadd.f32 v18, v16;
	v18 =	vmul.f32 v59, v12  }
0xec: {  	v28 =	vld.idx.msk [tilespmem:v2+s11+$0x0 ss:$0x1], $0xffff;
	v12 =	vmul.f32 v21, v12;
	v13 =	vadd.f32 v13, v14  }
0xed: {  	s12 =	rddreg [dreg:$0xf];
	v14 =	vadd.f32 v15, v17;
	v15 =	vadd.f32 v18, v16;
	v16 =	vmul.f32 v24, v11;
	v17 =	vld.idx.msk [tilespmem:v2+s3+$0x0 ss:$0x1], $0xffff  }
0xee: {  	v21 =	vld.idx.msk [tilespmem:v2+s12+$0x0 ss:$0x1], $0xffff;
	v18 =	vmul.f32 v26, v7;
	v11 =	vmul.f32 v19, v11;
	v12 =	vadd.f32 v12, v13  }
0xef: {  	v13 =	vadd.f32 v16, v15;
	v15 =	vmul.f32 v20, v10;
	v16 =	vld.idx.msk [tilespmem:v2+s13+$0x0 ss:$0x1], $0xffff  }
0xf0: {  	v14 =	vadd.f32 v18, v14;
	v18 =	vld.idx.msk [tilespmem:v2+s16+$0x0 ss:$0x1], $0xffff;
	v10 =	vmul.f32 v22, v10;
	v11 =	vadd.f32 v11, v12  }
0xf1: {  	v19 =	vld.idx.msk [tilespmem:v2+s25+$0x0 ss:$0x1], $0xffff;
	v12 =	vmul.f32 v25, v8;
	v13 =	vadd.f32 v15, v13;
	v15 =	vmul.f32 v28, v9  }
0xf2: {  	v20 =	vld.idx.msk [tilespmem:v2+s5+$0x0 ss:$0x1], $0xffff;
	v9 =	vmul.f32 v17, v9;
	v10 =	vadd.f32 v10, v11  }
0xf3: {  	v11 =	vadd.f32 v12, v14;
	v12 =	vadd.f32 v15, v13;
	v13 =	vmul.f32 v21, v7;
	v14 =	vld.idx.msk [tilespmem:v2+s20+$0x0 ss:$0x1], $0xffff  }
0xf4: {  	v17 =	vld.idx.msk [tilespmem:v2+s23+$0x0 ss:$0x1], $0xffff;
	v15 =	vmul.f32 v30, v5;
	v7 =	vmul.f32 v16, v7;
	v9 =	vadd.f32 v9, v10  }
0xf5: {  	s14 =	rddreg [dreg:$0x17];
	v10 =	vadd.f32 v13, v12;
	v12 =	vmul.f32 v18, v8;
	v13 =	vld.idx.msk [tilespmem:v2+s21+$0x0 ss:$0x1], $0xffff  }
0xf6: {  	v11 =	vadd.f32 v15, v11;
	v15 =	vld.idx.msk [tilespmem:v2+s14+$0x0 ss:$0x1], $0xffff;
	v8 =	vmul.f32 v19, v8;
	v7 =	vadd.f32 v7, v9  }
0xf7: {  	v16 =	vld.idx.msk [tilespmem:v2+s28+$0x0 ss:$0x1], $0xffff;
	v9 =	vmul.f32 v27, v6;
	v10 =	vadd.f32 v12, v10;
	v12 =	vmul.f32 v20, v5  }
0xf8: {  	v5 =	vmul.f32 v14, v5;
	v7 =	vadd.f32 v8, v7  }
0xf9: {  	v8 =	vadd.f32 v9, v11;
	v9 =	vadd.f32 v12, v10;
	v10 =	vmul.f32 v17, v6  }
0xfa: {  	v11 =	vmul.f32 v23, v4;
	v6 =	vmul.f32 v13, v6;
	v5 =	vadd.f32 v5, v7  }
0xfb: {  	v7 =	vadd.f32 v10, v9;
	v9 =	vmul.f32 v15, v4  }
0xfc: {  	v8 =	vadd.f32 v11, v8;
	v4 =	vmul.f32 v16, v4;
	v5 =	vadd.f32 v6, v5  }
0xfd: {  	v6 =	vadd.f32 v9, v7  }
0xfe: {  	[tilespmem:s26+$0x10] =	vst.add.f32.msk $0xffff, v8;
	v4 =	vadd.f32 v4, v5  }
0xff: {  	[tilespmem:s1+$0x10] =	vst.add.f32.msk $0xffff, v6  }
0x100: {  	s15 =	simm.s32 $0x0;
	[tilespmem:s22+$0x10] =	vst.add.f32.msk $0xffff, v4  }
0x101: {  	v4 =	vld [tilespmem:s15+$0xDCB0];
	_ =	sdelay $0x4  }
0x102: {  	v4 =	vmul.u32 $0x280, v4  }
0x103: {  	v13 =	vld [tilespmem:s24+$0xAA00]  }
0x104: {  	v7 =	vld [tilespmem:s24+$0xB400];
	v14 =	vshra.s32 v4, $0x2  }
0x105: {  	v5 =	vld [tilespmem:s24+$0xAA10];
	(v2sf) =	vpush v14, $0x5  }
0x106: {  	v15 =	vld [tilespmem:s24+$0xAAA0];
	(v2sf) =	vpush v14, $0x0  }
0x107: {  	v8 =	vld [tilespmem:s24+$0xAAB0];
	(v2sf) =	vpush v14, $0x1  }
0x108: {  	v16 =	vld [tilespmem:s24+$0xAB40];
	(v2sf) =	vpush v14, $0x3  }
0x109: {  	v6 =	vld [tilespmem:s24+$0xAB50];
	(v2sf) =	vpush v14, $0x2  }
0x10a: {  	v17 =	vld [tilespmem:s24+$0xABE0]  }
0x10b: {  	v9 =	vld [tilespmem:s24+$0xABF0]  }
0x10c: {  	v18 =	vld [tilespmem:s24+$0xAC80]  }
0x10d: {  	v10 =	vld [tilespmem:s24+$0xAC90];
	(v2sf) =	vpush v14, $0x4  }
0x10e: {  	v19 =	vld [tilespmem:s24+$0xAD20]  }
0x10f: {  	v12 =	vld [tilespmem:s24+$0xAD30]  }
0x110: {  	v20 =	vld [tilespmem:s24+$0xADC0]  }
0x111: {  	v11 =	vld [tilespmem:s24+$0xADD0];
	(v2sf) =	vpush v14, $0x6  }
0x112: {  	v21 =	vld [tilespmem:s24+$0xAE60];
	(v2sf) =	vpush v14, $0x7  }
0x113: {  	v60 =	vld [tilespmem:s24+$0xAE70]  }
0x114: {  	v22 =	vld [tilespmem:s24+$0xAF00];
	s10 =	spop (v2sf)  }
0x115: {  	v61 =	vld [tilespmem:s24+$0xAF10];
	(v2sf) =	vpush v14, $0x8;
	s17 =	spop (v2sf)  }
0x116: {  	v24 =	vld.idx.msk [tilespmem:v3+s17+$0x0 ss:$0x1], $0xffff;
	s19 =	spop (v2sf)  }
0x117: {  	(v2sf) =	vpush v14, $0x9;
	v25 =	vld.idx.msk [tilespmem:v3+s19+$0x0 ss:$0x1], $0xffff;
	s20 =	spop (v2sf)  }
0x118: {  	v62 =	vld [tilespmem:s24+$0xAFB0];
	s21 =	spop (v2sf)  }
0x119: {  	(v2sf) =	vpush v14, $0xA;
	v26 =	vld.idx.msk [tilespmem:v3+s21+$0x0 ss:$0x1], $0xffff  }
0x11a: {  	v63 =	vld [tilespmem:s24+$0xB050];
	v32 =	vmul.f32 v7, v13;
	v33 =	vmul.f32 v15, v7  }
0x11b: {  	v23 =	vmul.f32 v16, v7;
	v15 =	vld.idx.msk [tilespmem:v3+s20+$0x0 ss:$0x1], $0xffff;
	(v2sf) =	vpush v14, $0xB  }
0x11c: {  	v52 =	vld [tilespmem:s24+$0xB0F0];
	s23 =	spop (v2sf);
	v16 =	vmul.f32 v24, v32;
	v24 =	vmul.f32 v25, v33  }
0x11d: {  	s30 =	simm.s32 $0x20;
	(v2sf) =	vpush v14, $0xC;
	v25 =	vld.idx.msk [tilespmem:v3+s23+$0x0 ss:$0x1], $0xffff  }
0x11e: {  	v34 =	vmul.f32 v17, v7;
	v17 =	vld [tilespmem:s30+$0xDCB0];
	v16 =	vadd.f32 v24, v16;
	v24 =	vmul.f32 v26, v23  }
0x11f: {  	v28 =	vmul.f32 v18, v7;
	v27 =	vld.idx.msk [tilespmem:v3+s10+$0x0 ss:$0x1], $0xffff;
	(v2sf) =	vpush v14, $0xD  }
0x120: {  	v53 =	vld [tilespmem:s24+$0xB190];
	s7 =	spop (v2sf);
	(v2sf) =	vpush v14, $0xE;
	v15 =	vmul.f32 v15, v34;
	v16 =	vadd.f32 v24, v16  }
0x121: {  	s8 =	spop (v2sf);
	(v2sf) =	vpush v14, $0xF;
	v24 =	vld.idx.msk [tilespmem:v3+s7+$0x0 ss:$0x1], $0xffff  }
0x122: {  	v18 =	vld [tilespmem:s24+$0xB040];
	v26 =	vmul.f32 v19, v7;
	v15 =	vadd.f32 v15, v16;
	v16 =	vmul.f32 v25, v28  }
0x123: {  	v17 =	vmul.u32 $0x280, v17;
	v19 =	vld.idx.msk [tilespmem:v3+s8+$0x0 ss:$0x1], $0xffff  }
0x124: {  	v13 =	vld [tilespmem:s24+$0xAFA0];
	v20 =	vmul.f32 v20, v7;
	s9 =	spop (v2sf);
	v15 =	vadd.f32 v16, v15;
	v16 =	vmul.f32 v27, v26  }
0x125: {  	v21 =	vmul.f32 v21, v7;
	v36 =	vshra.s32 v17, $0x2;
	v25 =	vld.idx.msk [tilespmem:v3+s9+$0x0 ss:$0x1], $0xffff  }
0x126: {  	v14 =	vld [tilespmem:s24+$0xB0E0];
	(v2sf) =	vpush v36, $0x5;
	s13 =	spop (v2sf);
	v15 =	vadd.f32 v16, v15;
	v16 =	vmul.f32 v24, v20  }
0x127: {  	v22 =	vmul.f32 v22, v7;
	v35 =	vmul.f32 v18, v7;
	(v2sf) =	vpush v36, $0x0;
	v17 =	vld.idx.msk [tilespmem:v3+s13+$0x0 ss:$0x1], $0xffff  }
0x128: {  	v18 =	vld [tilespmem:s24+$0xB220];
	(v2sf) =	vpush v36, $0x1;
	s25 =	spop (v2sf);
	v15 =	vadd.f32 v16, v15;
	v16 =	vmul.f32 v19, v21  }
0x129: {  	v24 =	vmul.f32 v13, v7;
	v13 =	vld.idx.msk [tilespmem:v3+s25+$0x0 ss:$0x1], $0xffff  }
0x12a: {  	v27 =	vld [tilespmem:s24+$0xB180];
	(v2sf) =	vpush v36, $0x3;
	s26 =	spop (v2sf);
	v15 =	vadd.f32 v16, v15;
	v16 =	vmul.f32 v25, v22  }
0x12b: {  	(v2sf) =	vpush v36, $0x2;
	v19 =	vld.idx.msk [tilespmem:v3+s26+$0x0 ss:$0x1], $0xffff  }
0x12c: {  	v29 =	vmul.f32 v14, v7;
	v14 =	vld [tilespmem:s24+$0xB2C0];
	s28 =	spop (v2sf);
	v15 =	vadd.f32 v16, v15;
	v16 =	vmul.f32 v17, v24  }
0x12d: {  	v17 =	vld.idx.msk [tilespmem:v3+s28+$0x0 ss:$0x1], $0xffff  }
0x12e: {  	v31 =	vld [tilespmem:s24+$0xB360];
	s29 =	spop (v2sf);
	v13 =	vmul.f32 v13, v35;
	v15 =	vadd.f32 v16, v15  }
0x12f: {  	s16 =	rddreg [dreg:$0xd];
	(v2sf) =	vpush v36, $0x4;
	v16 =	vld.idx.msk [tilespmem:v3+s29+$0x0 ss:$0x1], $0xffff  }
0x130: {  	v4 =	vld [tilespmem:s16+$0xB400];
	v30 =	vmul.f32 v27, v7;
	s1 =	spop (v2sf);
	v13 =	vadd.f32 v13, v15;
	v15 =	vmul.f32 v19, v29  }
0x131: {  	v25 =	vmul.f32 v18, v7;
	v18 =	vld.idx.msk [tilespmem:v3+s1+$0x0 ss:$0x1], $0xffff;
	s0 =	spop (v2sf)  }
0x132: {  	v27 =	vmul.f32 v14, v7;
	v14 =	vld.idx.msk [tilespmem:v3+s0+$0x0 ss:$0x1], $0xffff;
	v13 =	vadd.f32 v15, v13;
	v15 =	vmul.f32 v17, v30  }
0x133: {  	v54 =	vld [tilespmem:s24+$0xB230];
	(v2sf) =	vpush v36, $0x6  }
0x134: {  	v55 =	vld [tilespmem:s24+$0xB2D0];
	(v2sf) =	vpush v36, $0x7;
	v13 =	vadd.f32 v15, v13;
	v15 =	vmul.f32 v16, v25  }
0x135: {  	s31 =	simm.s32 $0x40;
	v56 =	vld [tilespmem:s24+$0xB370];
	v31 =	vmul.f32 v31, v7;
	s22 =	spop (v2sf)  }
0x136: {  	v42 =	vld [tilespmem:s31+$0xDCB0];
	(v2sf) =	vpush v36, $0x8;
	s2 =	spop (v2sf);
	v7 =	vadd.f32 v15, v13;
	v13 =	vmul.f32 v18, v27  }
0x137: {  	v37 =	vld.idx.msk [tilespmem:v3+s22+$0x0 ss:$0x1], $0xffff;
	v19 =	vmul.f32 v8, v4;
	v8 =	vmul.f32 v14, v31;
	s18 =	spop (v2sf)  }
0x138: {  	v17 =	vmul.f32 v6, v4;
	(v2sf) =	vpush v36, $0x9;
	v6 =	vld.idx.msk [tilespmem:v3+s18+$0x0 ss:$0x1], $0xffff;
	v7 =	vadd.f32 v13, v7  }
0x139: {  	v14 =	vmul.f32 v12, v4;
	s12 =	spop (v2sf);
	v18 =	vmul.f32 v4, v5;
	v5 =	vld.idx.msk [tilespmem:v3+s2+$0x0 ss:$0x1], $0xffff  }
0x13a: {  	v12 =	vmul.f32 v60, v4;
	(v2sf) =	vpush v36, $0xA;
	v57 =	vld.idx.msk [tilespmem:v3+s12+$0x0 ss:$0x1], $0xffff;
	s11 =	spop (v2sf);
	v7 =	vadd.f32 v8, v7  }
0x13b: {  	s24 =	rddreg [dreg:$0xb];
	v16 =	vmul.f32 v9, v4;
	v9 =	vmul.f32 v63, v4;
	v58 =	vld.idx.msk [tilespmem:v3+s11+$0x0 ss:$0x1], $0xffff  }
0x13c: {  	(v2sf) =	vpush v36, $0xB;
	v15 =	vmul.f32 v10, v4;
	v10 =	vmul.f32 v62, v4;
	[tilespmem:s24+$0x0] =	vst.add.f32.msk $0xffff, v7  }
0x13d: {  	(v2sf) =	vpush v36, $0xC;
	v13 =	vmul.f32 v11, v4;
	v11 =	vmul.f32 v61, v4;
	v59 =	vld.idx.msk [tilespmem:v2+s17+$0x0 ss:$0x1], $0xffff  }
0x13e: {  	s6 =	spop (v2sf);
	v6 =	vmul.f32 v6, v33;
	v61 =	vmul.f32 v5, v32;
	v60 =	vld.idx.msk [tilespmem:v2+s19+$0x0 ss:$0x1], $0xffff  }
0x13f: {  	(v2sf) =	vpush v36, $0xD;
	v46 =	vld.idx.msk [tilespmem:v3+s6+$0x0 ss:$0x1], $0xffff;
	v8 =	vmul.f32 v53, v4;
	v48 =	vmul.f32 v57, v34  }
0x140: {  	v5 =	vmul.f32 v54, v4;
	v63 =	vmul.f32 v58, v23;
	v38 =	vld.idx.msk [tilespmem:v2+s21+$0x0 ss:$0x1], $0xffff;
	v62 =	vadd.f32 v6, v61  }
0x141: {  	v7 =	vmul.f32 v52, v4;
	v6 =	vmul.f32 v55, v4;
	v39 =	vld.idx.msk [tilespmem:v2+s20+$0x0 ss:$0x1], $0xffff  }
0x142: {  	v4 =	vmul.f32 v56, v4;
	s17 =	spop (v2sf);
	(v2sf) =	vpush v36, $0xE;
	v40 =	vld.idx.msk [tilespmem:v2+s23+$0x0 ss:$0x1], $0xffff;
	v47 =	vadd.f32 v63, v62  }
0x143: {  	s3 =	simm.s32 $0x180;
	s14 =	smov.u32 s24;
	v45 =	vld.idx.msk [tilespmem:v3+s17+$0x0 ss:$0x1], $0xffff;
	s15 =	spop (v2sf);
	v41 =	vmul.f32 v59, v18;
	v43 =	vmul.f32 v60, v19  }
.LBB2_8:
0x144: {  	p0 =	sne.s32 s3, $0x1F80;
	v44 =	vadd.f32 v48, v47;
	v46 =	vmul.f32 v46, v28;
	v47 =	vld.idx.msk [tilespmem:v3+s15+$0x0 ss:$0x1], $0xffff;
	(v2sf) =	vpush v36, $0xF  }
0x145: {  	v36 =	vmul.u32 $0x280, v42;
	v38 =	vmul.f32 v38, v17;
	s4 =	spop (v2sf);
	v41 =	vadd.f32 v43, v41;
	v42 =	vld.idx.msk [tilespmem:v2+s10+$0x0 ss:$0x1], $0xffff;
	s10 =	smov.u32 s22  }
0x146: {  	v37 =	vmul.f32 v37, v26;
	v43 =	vadd.f32 v46, v44;
	v44 =	vld.idx.msk [tilespmem:v3+s4+$0x0 ss:$0x1], $0xffff  }
0x147: {  	v36 =	vshra.s32 v36, $0x2;
	v39 =	vmul.f32 v39, v16;
	s5 =	spop (v2sf);
	v38 =	vadd.f32 v38, v41;
	v41 =	vld.idx.msk [tilespmem:v2+s7+$0x0 ss:$0x1], $0xffff;
	s7 =	smov.u32 s17  }
0x148: {  	(v2sf) =	vpush v36, $0x5;
	v37 =	vadd.f32 v37, v43;
	v43 =	vmul.f32 v45, v20;
	v45 =	vld.idx.msk [tilespmem:v3+s5+$0x0 ss:$0x1], $0xffff  }
0x149: {  	s16 =	spop (v2sf);
	v38 =	vadd.f32 v39, v38;
	v39 =	vmul.f32 v40, v15;
	v40 =	vld.idx.msk [tilespmem:v2+s8+$0x0 ss:$0x1], $0xffff;
	s8 =	smov.u32 s15  }
0x14a: {  	(v2sf) =	vpush v36, $0x0;
	v37 =	vadd.f32 v43, v37;
	v43 =	vmul.f32 v47, v21;
	v46 =	vld.idx.msk [tilespmem:v3+s16+$0x0 ss:$0x1], $0xffff  }
0x14b: {  	(v2sf) =	vpush v36, $0x1;
	s15 =	spop (v2sf);
	v38 =	vadd.f32 v39, v38;
	v39 =	vmul.f32 v42, v14;
	v42 =	vld.idx.msk [tilespmem:v2+s9+$0x0 ss:$0x1], $0xffff;
	s9 =	smov.u32 s4  }
0x14c: {  	(v2sf) =	vpush v36, $0x3;
	v37 =	vadd.f32 v43, v37;
	v43 =	vmul.f32 v44, v22;
	v44 =	vld.idx.msk [tilespmem:v3+s15+$0x0 ss:$0x1], $0xffff;
	s4 =	spop (v2sf)  }
0x14d: {  	(v2sf) =	vpush v36, $0x2;
	v38 =	vadd.f32 v39, v38;
	v39 =	vmul.f32 v41, v13;
	v41 =	vld.idx.msk [tilespmem:v2+s13+$0x0 ss:$0x1], $0xffff;
	s13 =	smov.u32 s5  }
0x14e: {  	v37 =	vadd.f32 v43, v37;
	v43 =	vmul.f32 v45, v24;
	v45 =	vld.idx.msk [tilespmem:v3+s4+$0x0 ss:$0x1], $0xffff  }
0x14f: {  	s5 =	spop (v2sf);
	v38 =	vadd.f32 v39, v38;
	v39 =	vmul.f32 v40, v12;
	v40 =	vld.idx.msk [tilespmem:v2+s25+$0x0 ss:$0x1], $0xffff;
	s25 =	smov.u32 s16  }
0x150: {  	v37 =	vadd.f32 v43, v37;
	v43 =	vmul.f32 v46, v35;
	v46 =	vld.idx.msk [tilespmem:v3+s5+$0x0 ss:$0x1], $0xffff  }
0x151: {  	(v2sf) =	vpush v36, $0x4;
	s16 =	spop (v2sf);
	v38 =	vadd.f32 v39, v38;
	v39 =	vmul.f32 v42, v11;
	v47 =	vld.idx.msk [tilespmem:v2+s26+$0x0 ss:$0x1], $0xffff;
	s26 =	smov.u32 s15  }
0x152: {  	v42 =	vmul.f32 v44, v29;
	v37 =	vadd.f32 v43, v37;
	v43 =	vld.idx.msk [tilespmem:v3+s16+$0x0 ss:$0x1], $0xffff  }
0x153: {  	s15 =	spop (v2sf);
	v38 =	vadd.f32 v39, v38;
	v39 =	vmul.f32 v41, v10;
	v41 =	vld.idx.msk [tilespmem:v2+s28+$0x0 ss:$0x1], $0xffff;
	s28 =	smov.u32 s4  }
0x154: {  	v44 =	vmul.f32 v45, v30;
	v37 =	vadd.f32 v42, v37;
	v45 =	vld.idx.msk [tilespmem:v3+s15+$0x0 ss:$0x1], $0xffff  }
0x155: {  	s4 =	sshra.s32 s3, $0x2;
	(v2sf) =	vpush v36, $0x6;
	v38 =	vadd.f32 v39, v38;
	v39 =	vmul.f32 v40, v9;
	v40 =	vld.idx.msk [tilespmem:v2+s29+$0x0 ss:$0x1], $0xffff;
	s29 =	smov.u32 s5  }
0x156: {  	v46 =	vmul.f32 v46, v25;
	v42 =	vld [tilespmem:s4+$0xDCB0];
	v44 =	vadd.f32 v44, v37  }
0x157: {  	s22 =	spop (v2sf);
	(v2sf) =	vpush v36, $0x7;
	v38 =	vadd.f32 v39, v38;
	v39 =	vmul.f32 v47, v7;
	v47 =	vld.idx.msk [tilespmem:v2+s1+$0x0 ss:$0x1], $0xffff;
	s1 =	smov.u32 s16  }
0x158: {  	v43 =	vmul.f32 v43, v27;
	v37 =	vld.idx.msk [tilespmem:v3+s22+$0x0 ss:$0x1], $0xffff;
	v44 =	vadd.f32 v46, v44  }
0x159: {  	s4 =	spop (v2sf);
	(v2sf) =	vpush v36, $0x8;
	v38 =	vadd.f32 v39, v38;
	v39 =	vmul.f32 v41, v8;
	v41 =	vld.idx.msk [tilespmem:v2+s0+$0x0 ss:$0x1], $0xffff;
	s0 =	smov.u32 s15  }
0x15a: {  	v46 =	vld.idx.msk [tilespmem:v3+s4+$0x0 ss:$0x1], $0xffff;
	s5 =	spop (v2sf);
	v43 =	vadd.f32 v43, v44;
	v44 =	vmul.f32 v45, v31  }
0x15b: {  	v45 =	vld.idx.msk [tilespmem:v3+s5+$0x0 ss:$0x1], $0xffff;
	s15 =	spop (v2sf);
	(v2sf) =	vpush v36, $0x9;
	v38 =	vadd.f32 v39, v38;
	v39 =	vmul.f32 v40, v5  }
0x15c: {  	v40 =	vld.idx.msk [tilespmem:v3+s15+$0x0 ss:$0x1], $0xffff;
	s16 =	spop (v2sf);
	v43 =	vadd.f32 v44, v43  }
0x15d: {  	s14 =	sadd.s32 $0xA0, s14;
	v44 =	vld.idx.msk [tilespmem:v3+s16+$0x0 ss:$0x1], $0xffff;
	(v2sf) =	vpush v36, $0xA;
	v38 =	vadd.f32 v39, v38;
	v39 =	vmul.f32 v47, v6  }
0x15e: {  	[tilespmem:s14+$0x0] =	vst.add.f32.msk $0xffff, v43  }
0x15f: {  	(v2sf) =	vpush v36, $0xB;
	v43 =	vld.idx.msk [tilespmem:v2+s2+$0x0 ss:$0x1], $0xffff;
	v38 =	vadd.f32 v39, v38;
	v39 =	vmul.f32 v41, v4;
	s2 =	smov.u32 s4  }
0x160: {  	s4 =	spop (v2sf);
	(v2sf) =	vpush v36, $0xC;
	v49 =	vld.idx.msk [tilespmem:v2+s18+$0x0 ss:$0x1], $0xffff;
	s18 =	smov.u32 s5  }
0x161: {  	v41 =	vmul.f32 v46, v32;
	v45 =	vmul.f32 v45, v33;
	v46 =	vld.idx.msk [tilespmem:v3+s4+$0x0 ss:$0x1], $0xffff;
	v39 =	vadd.f32 v39, v38  }
.Ltmp2:
0x162: {  	v38 =	vld.idx.msk [tilespmem:v2+s11+$0x0 ss:$0x1], $0xffff;
	s11 =	smov.u32 s16;
	(pc) =	sbr.rel @p0 .LBB2_8-.Ltmp2, $4  }
0x163: {  	v41 =	vadd.f32 v45, v41;
	v44 =	vmul.f32 v44, v23;
	(v2sf) =	vpush v36, $0xD;
	[tilespmem:s24+$0x10] =	vst.add.f32.msk $0xffff, v39;
	s24 =	smov.u32 s14  }
0x164: {  	s17 =	spop (v2sf);
	v39 =	vld.idx.msk [tilespmem:v2+s12+$0x0 ss:$0x1], $0xffff;
	s12 =	smov.u32 s15  }
0x165: {  	v48 =	vmul.f32 v40, v34;
	v47 =	vadd.f32 v44, v41;
	v45 =	vld.idx.msk [tilespmem:v3+s17+$0x0 ss:$0x1], $0xffff;
	(v2sf) =	vpush v36, $0xE  }
0x166: {  	s3 =	sadd.s32 $0x80, s3;
	v41 =	vmul.f32 v43, v18;
	v43 =	vmul.f32 v49, v19;
	s15 =	spop (v2sf);
	v40 =	vld.idx.msk [tilespmem:v2+s6+$0x0 ss:$0x1], $0xffff;
	s6 =	smov.u32 s4  }
0x167: {  	v42 =	vmul.u32 $0x280, v42;
	_ =	sdelay $0x1  }
0x168: {  	(v2sf) =	vpush v36, $0xF;
	v49 =	vshra.s32 v42, $0x2  }
0x169: {  	(v2sf) =	vpush v49, $0x5  }
0x16a: {  	(v2sf) =	vpush v49, $0x0  }
0x16b: {  	(v2sf) =	vpush v49, $0x1  }
0x16c: {  	(v2sf) =	vpush v49, $0x3;
	_ =	sdelay $0x2  }
0x16d: {  	(v2sf) =	vpush v49, $0x2  }
0x16e: {  	s5 =	spop (v2sf)  }
0x16f: {  	s16 =	spop (v2sf)  }
0x170: {  	s31 =	spop (v2sf)  }
0x171: {  	s19 =	spop (v2sf);
	(v2sf) =	vpush v49, $0x4  }
0x172: {  	[dreg:$0x12] =	wrdreg s5;
	s20 =	spop (v2sf)  }
0x173: {  	[dreg:$0x16] =	wrdreg s16;
	(v2sf) =	vpush v49, $0x6;
	s23 =	spop (v2sf)  }
0x174: {  	[dreg:$0x14] =	wrdreg s31;
	s21 =	spop (v2sf)  }
0x175: {  	[dreg:$0x10] =	wrdreg s19;
	s30 =	spop (v2sf)  }
0x176: {  	[dreg:$0xe] =	wrdreg s20;
	s4 =	spop (v2sf)  }
0x177: {  	(v2sf) =	vpush v49, $0x7;
	[dreg:$0x1b] =	wrdreg s4;
	s3 =	spop (v2sf)  }
0x178: {  	v44 =	vld.idx.msk [tilespmem:v2+s10+$0x0 ss:$0x1], $0xffff;
	[dreg:$0x1f] =	wrdreg s3;
	s10 =	spop (v2sf)  }
0x179: {  	(v2sf) =	vpush v49, $0x8;
	v50 =	vld.idx.msk [tilespmem:v3+s3+$0x0 ss:$0x1], $0xffff;
	s3 =	spop (v2sf)  }
0x17a: {  	(v2sf) =	vpush v49, $0x9;
	v51 =	vld.idx.msk [tilespmem:v3+s10+$0x0 ss:$0x1], $0xffff;
	[dreg:$0x1d] =	wrdreg s3  }
0x17b: {  	v52 =	vld.idx.msk [tilespmem:v2+s7+$0x0 ss:$0x1], $0xffff  }
0x17c: {  	s7 =	spop (v2sf);
	v42 =	vld.idx.msk [tilespmem:v2+s8+$0x0 ss:$0x1], $0xffff  }
0x17d: {  	(v2sf) =	vpush v49, $0xA;
	v53 =	vld.idx.msk [tilespmem:v3+s7+$0x0 ss:$0x1], $0xffff  }
0x17e: {  	v54 =	vld.idx.msk [tilespmem:v3+s3+$0x0 ss:$0x1], $0xffff  }
0x17f: {  	(v2sf) =	vpush v49, $0xB;
	v36 =	vld.idx.msk [tilespmem:v2+s9+$0x0 ss:$0x1], $0xffff  }
0x180: {  	v60 =	vld.idx.msk [tilespmem:v3+s15+$0x0 ss:$0x1], $0xffff;
	s9 =	spop (v2sf);
	v50 =	vmul.f32 v50, v32;
	v33 =	vmul.f32 v51, v33  }
0x181: {  	v47 =	vadd.f32 v48, v47;
	v46 =	vmul.f32 v46, v28;
	(v2sf) =	vpush v49, $0xC;
	v57 =	vld.idx.msk [tilespmem:v3+s9+$0x0 ss:$0x1], $0xffff  }
0x182: {  	v32 =	vld.idx.msk [tilespmem:v2+s13+$0x0 ss:$0x1], $0xffff;
	s13 =	spop (v2sf);
	v33 =	vadd.f32 v33, v50;
	v23 =	vmul.f32 v53, v23  }
0x183: {  	v37 =	vmul.f32 v37, v26;
	v46 =	vadd.f32 v46, v47;
	v58 =	vld.idx.msk [tilespmem:v3+s4+$0x0 ss:$0x1], $0xffff;
	(v2sf) =	vpush v49, $0xD;
	[dreg:$0x19] =	wrdreg s13  }
0x184: {  	v59 =	vmul.f32 v54, v34;
	v61 =	vld.idx.msk [tilespmem:v3+s13+$0x0 ss:$0x1], $0xffff;
	v23 =	vadd.f32 v23, v33  }
0x185: {  	v45 =	vmul.f32 v45, v20;
	v37 =	vadd.f32 v37, v46;
	(v2sf) =	vpush v49, $0xE;
	v63 =	vld.idx.msk [tilespmem:v3+s5+$0x0 ss:$0x1], $0xffff  }
0x186: {  	s13 =	spop (v2sf);
	v51 =	vld.idx.msk [tilespmem:v3+s16+$0x0 ss:$0x1], $0xffff;
	v62 =	vmul.f32 v57, v28;
	v23 =	vadd.f32 v59, v23  }
0x187: {  	v37 =	vadd.f32 v45, v37;
	(v2sf) =	vpush v49, $0xF;
	v34 =	vmul.f32 v60, v21;
	v49 =	vld.idx.msk [tilespmem:v3+s13+$0x0 ss:$0x1], $0xffff  }
0x188: {  	v50 =	vmul.f32 v58, v26;
	v55 =	vld.idx.msk [tilespmem:v3+s31+$0x0 ss:$0x1], $0xffff;
	s8 =	spop (v2sf);
	v23 =	vadd.f32 v62, v23  }
0x189: {  	v53 =	vld.idx.msk [tilespmem:v3+s8+$0x0 ss:$0x1], $0xffff;
	s31 =	spop (v2sf);
	v34 =	vadd.f32 v34, v37  }
0x18a: {  	v56 =	vld.idx.msk [tilespmem:v3+s31+$0x0 ss:$0x1], $0xffff;
	v54 =	vmul.f32 v61, v20;
	v33 =	vmul.f32 v63, v22;
	v23 =	vadd.f32 v50, v23  }
0x18b: {  	v57 =	vld.idx.msk [tilespmem:v3+s19+$0x0 ss:$0x1], $0xffff;
	v28 =	vmul.f32 v51, v24  }
0x18c: {  	v60 =	vld.idx.msk [tilespmem:v3+s20+$0x0 ss:$0x1], $0xffff;
	s16 =	spop (v2sf);
	v58 =	vmul.f32 v49, v21;
	v33 =	vadd.f32 v33, v34;
	v20 =	vadd.f32 v54, v23  }
0x18d: {  	v59 =	vld.idx.msk [tilespmem:v3+s16+$0x0 ss:$0x1], $0xffff;
	v26 =	vmul.f32 v55, v35  }
0x18e: {  	v45 =	vld.idx.msk [tilespmem:v3+s23+$0x0 ss:$0x1], $0xffff;
	s3 =	spop (v2sf);
	v61 =	vmul.f32 v53, v22;
	v62 =	vadd.f32 v28, v33;
	v20 =	vadd.f32 v58, v20  }
0x18f: {  	v63 =	vld.idx.msk [tilespmem:v3+s3+$0x0 ss:$0x1], $0xffff;
	v47 =	vmul.f32 v56, v24  }
0x190: {  	s5 =	smov.u32 s23;
	v49 =	vld.idx.msk [tilespmem:v3+s21+$0x0 ss:$0x1], $0xffff;
	s23 =	spop (v2sf);
	v22 =	vadd.f32 v26, v62;
	v23 =	vmul.f32 v57, v29;
	v20 =	vadd.f32 v61, v20  }
0x191: {  	v51 =	vmul.f32 v60, v30;
	v48 =	vld.idx.msk [tilespmem:v3+s23+$0x0 ss:$0x1], $0xffff  }
0x192: {  	v50 =	vmul.f32 v59, v35;
	v54 =	vld.idx.msk [tilespmem:v3+s30+$0x0 ss:$0x1], $0xffff;
	s19 =	spop (v2sf);
	v22 =	vadd.f32 v23, v22;
	v20 =	vadd.f32 v47, v20  }
0x193: {  	v56 =	vmul.f32 v45, v25;
	v53 =	vld.idx.msk [tilespmem:v3+s19+$0x0 ss:$0x1], $0xffff  }
0x194: {  	v24 =	vld.idx.msk [tilespmem:v2+s26+$0x0 ss:$0x1], $0xffff;
	v55 =	vmul.f32 v63, v29;
	s20 =	spop (v2sf);
	v22 =	vadd.f32 v51, v22;
	v20 =	vadd.f32 v50, v20  }
0x195: {  	v59 =	vmul.f32 v49, v27;
	v57 =	vld.idx.msk [tilespmem:v3+s20+$0x0 ss:$0x1], $0xffff  }
0x196: {  	v29 =	vld.idx.msk [tilespmem:v2+s25+$0x0 ss:$0x1], $0xffff;
	s25 =	spop (v2sf);
	v58 =	vmul.f32 v48, v30;
	v22 =	vadd.f32 v56, v22;
	v20 =	vadd.f32 v55, v20  }
0x197: {  	v3 =	vld.idx.msk [tilespmem:v3+s25+$0x0 ss:$0x1], $0xffff;
	v61 =	vmul.f32 v54, v31  }
0x198: {  	v26 =	vld.idx.msk [tilespmem:v2+s29+$0x0 ss:$0x1], $0xffff;
	v60 =	vmul.f32 v53, v25;
	v22 =	vadd.f32 v59, v22;
	v20 =	vadd.f32 v58, v20  }
0x199: {  	v23 =	vld.idx.msk [tilespmem:v2+s0+$0x0 ss:$0x1], $0xffff  }
0x19a: {  	v25 =	vld.idx.msk [tilespmem:v2+s28+$0x0 ss:$0x1], $0xffff;
	v62 =	vmul.f32 v57, v27;
	v22 =	vadd.f32 v61, v22;
	v20 =	vadd.f32 v60, v20  }
0x19b: {  	s0 =	sadd.s32 $0xA0, s14;
	v27 =	vld.idx.msk [tilespmem:v2+s1+$0x0 ss:$0x1], $0xffff  }
0x19c: {  	v3 =	vmul.f32 v3, v31;
	[tilespmem:s0+$0x0] =	vst.add.f32.msk $0xffff, v22;
	v20 =	vadd.f32 v62, v20  }
0x19d: {  	v63 =	vld.idx.msk [tilespmem:v2+s2+$0x0 ss:$0x1], $0xffff  }
0x19e: {  	v37 =	vadd.f32 v43, v41;
	v43 =	vld.idx.msk [tilespmem:v2+s18+$0x0 ss:$0x1], $0xffff;
	v3 =	vadd.f32 v3, v20  }
0x19f: {  	s1 =	sadd.s32 $0xA0, s0;
	v48 =	vld.idx.msk [tilespmem:v2+s11+$0x0 ss:$0x1], $0xffff  }
0x1a0: {  	[tilespmem:s1+$0x0] =	vst.add.f32.msk $0xffff, v3  }
0x1a1: {  	s4 =	rddreg [dreg:$0x1f];
	v46 =	vld.idx.msk [tilespmem:v2+s10+$0x0 ss:$0x1], $0xffff  }
0x1a2: {  	v41 =	vmul.f32 v38, v17;
	v3 =	vld.idx.msk [tilespmem:v2+s4+$0x0 ss:$0x1], $0xffff  }
0x1a3: {  	v51 =	vld.idx.msk [tilespmem:v2+s12+$0x0 ss:$0x1], $0xffff  }
0x1a4: {  	v45 =	vmul.f32 v39, v16;
	v22 =	vadd.f32 v41, v37;
	v49 =	vld.idx.msk [tilespmem:v2+s7+$0x0 ss:$0x1], $0xffff  }
0x1a5: {  	v47 =	vmul.f32 v40, v15;
	v50 =	vmul.f32 v44, v14;
	v54 =	vld.idx.msk [tilespmem:v2+s6+$0x0 ss:$0x1], $0xffff;
	s12 =	rddreg [dreg:$0x1d]  }
0x1a6: {  	v22 =	vadd.f32 v45, v22;
	v21 =	vmul.f32 v63, v18;
	v20 =	vmul.f32 v43, v19;
	v53 =	vld.idx.msk [tilespmem:v2+s12+$0x0 ss:$0x1], $0xffff  }
0x1a7: {  	v58 =	vld.idx.msk [tilespmem:v2+s22+$0x0 ss:$0x1], $0xffff;
	v55 =	vmul.f32 v46, v19;
	v3 =	vmul.f32 v3, v18  }
0x1a8: {  	v22 =	vadd.f32 v47, v22;
	v57 =	vmul.f32 v48, v17;
	v20 =	vadd.f32 v20, v21;
	v56 =	vld.idx.msk [tilespmem:v2+s9+$0x0 ss:$0x1], $0xffff  }
0x1a9: {  	v52 =	vmul.f32 v52, v13;
	v41 =	vld.idx.msk [tilespmem:v2+s15+$0x0 ss:$0x1], $0xffff;
	s14 =	rddreg [dreg:$0x1b];
	v60 =	vmul.f32 v49, v17;
	v3 =	vadd.f32 v55, v3  }
0x1aa: {  	v22 =	vadd.f32 v50, v22;
	v62 =	vmul.f32 v51, v16;
	v61 =	vld.idx.msk [tilespmem:v2+s14+$0x0 ss:$0x1], $0xffff;
	v20 =	vadd.f32 v57, v20  }
0x1ab: {  	v59 =	vmul.f32 v42, v12;
	v63 =	vld.idx.msk [tilespmem:v2+s17+$0x0 ss:$0x1], $0xffff;
	s17 =	rddreg [dreg:$0x19];
	v37 =	vmul.f32 v53, v16;
	v3 =	vadd.f32 v60, v3  }
0x1ac: {  	v39 =	vmul.f32 v54, v15;
	v22 =	vadd.f32 v52, v22;
	v40 =	vld.idx.msk [tilespmem:v2+s17+$0x0 ss:$0x1], $0xffff;
	v20 =	vadd.f32 v62, v20  }
0x1ad: {  	v38 =	vmul.f32 v36, v11;
	v52 =	vld.idx.msk [tilespmem:v2+s8+$0x0 ss:$0x1], $0xffff;
	v42 =	vmul.f32 v56, v15;
	v3 =	vadd.f32 v37, v3  }
0x1ae: {  	v45 =	vmul.f32 v58, v14;
	s18 =	rddreg [dreg:$0x12];
	v22 =	vadd.f32 v59, v22;
	v44 =	vadd.f32 v39, v20;
	v46 =	vld.idx.msk [tilespmem:v2+s13+$0x0 ss:$0x1], $0xffff  }
0x1af: {  	v47 =	vmul.f32 v32, v10;
	v48 =	vld.idx.msk [tilespmem:v2+s18+$0x0 ss:$0x1], $0xffff;
	v49 =	vmul.f32 v61, v14;
	v3 =	vadd.f32 v42, v3  }
0x1b0: {  	s22 =	rddreg [dreg:$0x16];
	v57 =	vld.idx.msk [tilespmem:v2+s31+$0x0 ss:$0x1], $0xffff;
	v51 =	vmul.f32 v63, v13;
	v43 =	vadd.f32 v38, v22;
	v50 =	vadd.f32 v45, v44  }
0x1b1: {  	s26 =	rddreg [dreg:$0x14];
	v53 =	vld.idx.msk [tilespmem:v2+s22+$0x0 ss:$0x1], $0xffff;
	v54 =	vmul.f32 v40, v13;
	v3 =	vadd.f32 v49, v3  }
0x1b2: {  	v58 =	vld.idx.msk [tilespmem:v2+s26+$0x0 ss:$0x1], $0xffff;
	v56 =	vmul.f32 v41, v12;
	v16 =	vadd.f32 v47, v43;
	v15 =	vadd.f32 v51, v50  }
0x1b3: {  	v63 =	vld.idx.msk [tilespmem:v2+s16+$0x0 ss:$0x1], $0xffff;
	v55 =	vmul.f32 v29, v9;
	v59 =	vmul.f32 v46, v12;
	v3 =	vadd.f32 v54, v3  }
0x1b4: {  	v24 =	vmul.f32 v24, v7;
	s28 =	rddreg [dreg:$0x10];
	v33 =	vld.idx.msk [tilespmem:v2+s3+$0x0 ss:$0x1], $0xffff;
	v62 =	vmul.f32 v48, v11;
	v61 =	vadd.f32 v56, v15  }
0x1b5: {  	s29 =	rddreg [dreg:$0xe];
	v30 =	vmul.f32 v52, v11;
	v29 =	vld.idx.msk [tilespmem:v2+s28+$0x0 ss:$0x1], $0xffff;
	v60 =	vadd.f32 v55, v16;
	v3 =	vadd.f32 v59, v3  }
0x1b6: {  	v36 =	vmul.f32 v25, v8;
	v34 =	vld.idx.msk [tilespmem:v2+s29+$0x0 ss:$0x1], $0xffff;
	v32 =	vmul.f32 v53, v10;
	v31 =	vadd.f32 v62, v61  }
0x1b7: {  	v38 =	vld.idx.msk [tilespmem:v2+s23+$0x0 ss:$0x1], $0xffff;
	v35 =	vmul.f32 v57, v10;
	v13 =	vadd.f32 v24, v60;
	v3 =	vadd.f32 v30, v3  }
0x1b8: {  	v40 =	vmul.f32 v63, v9;
	v37 =	vmul.f32 v58, v9;
	v12 =	vadd.f32 v32, v31  }
0x1b9: {  	v39 =	vld.idx.msk [tilespmem:v2+s5+$0x0 ss:$0x1], $0xffff;
	v45 =	vmul.f32 v26, v5;
	v41 =	vadd.f32 v36, v13;
	v3 =	vadd.f32 v35, v3  }
0x1ba: {  	v47 =	vmul.f32 v33, v7;
	v44 =	vld.idx.msk [tilespmem:v2+s19+$0x0 ss:$0x1], $0xffff;
	v43 =	vmul.f32 v29, v7;
	v42 =	vadd.f32 v37, v12  }
0x1bb: {  	v46 =	vld.idx.msk [tilespmem:v2+s21+$0x0 ss:$0x1], $0xffff;
	v53 =	vmul.f32 v27, v6;
	v10 =	vadd.f32 v45, v41;
	v3 =	vadd.f32 v40, v3  }
0x1bc: {  	v52 =	vmul.f32 v38, v8;
	v50 =	vld.idx.msk [tilespmem:v2+s20+$0x0 ss:$0x1], $0xffff;
	v49 =	vmul.f32 v34, v8;
	v48 =	vadd.f32 v43, v42  }
0x1bd: {  	v51 =	vld.idx.msk [tilespmem:v2+s30+$0x0 ss:$0x1], $0xffff;
	v56 =	vadd.f32 v53, v10;
	v59 =	vmul.f32 v23, v4;
	v3 =	vadd.f32 v47, v3  }
0x1be: {  	v2 =	vld.idx.msk [tilespmem:v2+s25+$0x0 ss:$0x1], $0xffff;
	v54 =	vmul.f32 v39, v5;
	v9 =	vadd.f32 v49, v48  }
0x1bf: {  	v55 =	vmul.f32 v44, v5;
	v7 =	vadd.f32 v59, v56;
	v3 =	vadd.f32 v52, v3  }
0x1c0: {  	v58 =	vmul.f32 v46, v6;
	v57 =	vadd.f32 v54, v9  }
0x1c1: {  	v60 =	vmul.f32 v50, v6;
	[tilespmem:s24+$0x10] =	vst.add.f32.msk $0xffff, v7;
	v3 =	vadd.f32 v55, v3  }
0x1c2: {  	v62 =	vmul.f32 v51, v4;
	v61 =	vadd.f32 v58, v57;
	s30 =	rddreg [dreg:$0xc]  }
0x1c3: {  	v2 =	vmul.f32 v2, v4;
	s2 =	sadd.s32 $0x1, s30;
	v3 =	vadd.f32 v60, v3  }
0x1c4: {  	v63 =	vadd.f32 v62, v61;
	p0 =	sne.s32 s2, $0x5  }
.Ltmp3:
0x1c5: {  	v2 =	vadd.f32 v2, v3;
	(pc) =	sbr.rel @p0 .LBB2_5-.Ltmp3, $4  }
0x1c6: {  	[tilespmem:s0+$0x10] =	vst.add.f32.msk $0xffff, v63  }
0x1c7: {  	[tilespmem:s1+$0x10] =	vst.add.f32.msk $0xffff, v2  }
0x1c8: {  	s31 =	rddreg [dreg:$0xb]  }
0x1c9: {  	s26 =	sadd.s32 $0x20, s31  }
0x1ca: {  	s2 =	rddreg [dreg:$0xa]  }
0x1cb: {  	s2 =	sadd.s32 $0x1, s2  }
0x1cc: {  	p0 =	sne.s32 s2, $0x20  }
.Ltmp4:
0x1cd: {  	_ = 	snop;
	(pc) =	sbr.rel @p0 .LBB2_4-.Ltmp4, $1  }
0x1ce: {  	_ =	sdelay $0x3  }
0x1cf: {  	s0 =	simm.s32 $0x0  }
0x1d0: {  	v2 =	vld [tilespmem:s0+$0xB4A0]  }
0x1d1: {  	v5 =	vld [tilespmem:s0+$0xB4B0]  }
0x1d2: {  	v6 =	vld [tilespmem:s0+$0xB4C0]  }
0x1d3: {  	v8 =	vld [tilespmem:s0+$0xB4D0]  }
0x1d4: {  	v4 =	vld [tilespmem:s0+$0xB4E0]  }
0x1d5: {  	vm0 =	vgt.f32 v2, $0.0e+00;
	v2 =	vld [tilespmem:s0+$0xB4F0]  }
0x1d6: {  	v3 =	vld [tilespmem:s0+$0xB500];
	v7 =	vsel vm0, $0x3F800000, v1;
	vm0 =	vgt.f32 v5, $0.0e+00  }
0x1d7: {  	v5 =	vld [tilespmem:s0+$0xB510];
	[tilespmem:s0+$0xB4A0] =	vst v7;
	v7 =	vsel vm0, $0x3F800000, v1;
	vm0 =	vgt.f32 v6, $0.0e+00  }
0x1d8: {  	s1 =	simm.s32 $0x280;
	v6 =	vld [tilespmem:s0+$0xB520];
	[tilespmem:s0+$0xB4B0] =	vst v7;
	v7 =	vsel vm0, $0x3F800000, v1;
	vm0 =	vgt.f32 v8, $0.0e+00  }
.LBB2_12:
0x1d9: {  	s2 =	sshra.s32 s1, $0x2;
	p0 =	sne.s32 s1, $0x9D80;
	[tilespmem:s0+$0xB4C0] =	vst v7;
	v7 =	vsel vm0, $0x3F800000, v1;
	vm0 =	vgt.f32 v4, $0.0e+00;
	v8 =	vld [tilespmem:s0+$0xB530]  }
0x1da: {  	v9 =	vld [tilespmem:s2+$0xB4A0];
	[tilespmem:s0+$0xB4D0] =	vst v7;
	v4 =	vsel vm0, $0x3F800000, v1;
	vm0 =	vgt.f32 v2, $0.0e+00  }
0x1db: {  	v7 =	vld [tilespmem:s2+$0xB4B0];
	[tilespmem:s0+$0xB4E0] =	vst v4;
	v2 =	vsel vm0, $0x3F800000, v1;
	vm0 =	vgt.f32 v3, $0.0e+00  }
0x1dc: {  	v10 =	vld [tilespmem:s2+$0xB4C0];
	[tilespmem:s0+$0xB4F0] =	vst v2;
	v2 =	vsel vm0, $0x3F800000, v1;
	vm0 =	vgt.f32 v5, $0.0e+00  }
0x1dd: {  	v11 =	vld [tilespmem:s2+$0xB4D0];
	[tilespmem:s0+$0xB500] =	vst v2;
	v2 =	vsel vm0, $0x3F800000, v1;
	vm0 =	vgt.f32 v6, $0.0e+00  }
.Ltmp5:
0x1de: {  	v4 =	vld [tilespmem:s2+$0xB4E0];
	[tilespmem:s0+$0xB510] =	vst v2;
	v3 =	vsel vm0, $0x3F800000, v1;
	vm0 =	vgt.f32 v8, $0.0e+00;
	(pc) =	sbr.rel @p0 .LBB2_12-.Ltmp5, $4  }
0x1df: {  	vm1 =	vgt.f32 v9, $0.0e+00;
	v2 =	vld [tilespmem:s2+$0xB4F0];
	[tilespmem:s0+$0xB520] =	vst v3;
	v5 =	vsel vm0, $0x3F800000, v1  }
0x1e0: {  	v6 =	vsel vm1, $0x3F800000, v1;
	vm0 =	vgt.f32 v7, $0.0e+00;
	v3 =	vld [tilespmem:s2+$0xB500];
	[tilespmem:s0+$0xB530] =	vst v5;
	s0 =	smov.u32 s2  }
0x1e1: {  	[tilespmem:s0+$0xB4A0] =	vst v6;
	v6 =	vsel vm0, $0x3F800000, v1;
	vm0 =	vgt.f32 v10, $0.0e+00;
	v5 =	vld [tilespmem:s0+$0xB510]  }
0x1e2: {  	s1 =	sadd.s32 $0x280, s1;
	[tilespmem:s0+$0xB4B0] =	vst v6;
	v7 =	vsel vm0, $0x3F800000, v1;
	vm0 =	vgt.f32 v11, $0.0e+00;
	v6 =	vld [tilespmem:s0+$0xB520]  }
0x1e3: {  	[tilespmem:s0+$0xB4C0] =	vst v7;
	v61 =	vsel vm0, $0x3F800000, v1;
	vm10 =	vgt.f32 v4, $0.0e+00;
	v62 =	vld [tilespmem:s0+$0xB530]  }
0x1e4: {  	[tilespmem:s0+$0xB4D0] =	vst v61;
	v63 =	vsel vm10, $0x3F800000, v1;
	vm11 =	vgt.f32 v2, $0.0e+00  }
0x1e5: {  	[tilespmem:s0+$0xB4E0] =	vst v63;
	v2 =	vsel vm11, $0x3F800000, v1;
	vm12 =	vgt.f32 v3, $0.0e+00  }
0x1e6: {  	[tilespmem:s0+$0xB4F0] =	vst v2;
	v2 =	vsel vm12, $0x3F800000, v1;
	vm13 =	vgt.f32 v5, $0.0e+00  }
0x1e7: {  	[tilespmem:s0+$0xB500] =	vst v2;
	v2 =	vsel vm13, $0x3F800000, v1;
	vm14 =	vgt.f32 v6, $0.0e+00  }
0x1e8: {  	[tilespmem:s0+$0xB510] =	vst v2;
	v2 =	vsel vm14, $0x3F800000, v1;
	vm15 =	vgt.f32 v62, $0.0e+00  }
0x1e9: {  	s4 =	simm.s32 $0x0;
	[tilespmem:s0+$0xB520] =	vst v2;
	v2 =	vsel vm15, $0x3F800000, v1  }
0x1ea: {  	s29 =	rddreg [dreg:$0x7];
	s1 =	simm.s32 $0xB4A0;
	s30 =	simm.s32 $0x3;
	[tilespmem:s0+$0xB530] =	vst v2  }
0x1eb: {  	[hbm4b:s29+s4] =	stream.linear.scatter [tilespmem:s1], [sflag:$0x3], $0x2800, $0x38;
	[tilespmem:$0xE4A0] =	vst v63  }
0x1ec: {  	_ =	swait.ge [sflag:s30], $0x2800  }
0x1ed: {  	s2 =	rddreg [dreg:$0x9]  }
0x1ee: {  	s31 =	rddreg [dreg:$0x8];
	s2 =	sadd.s32 $0x1, s2  }
0x1ef: {  	p0 =	sne.s32 s2, s31  }
.Ltmp6:
0x1f0: {  	_ = 	snop;
	(pc) =	sbr.rel @p0 .LBB2_1-.Ltmp6, $3  }
0x1f1: {  	_ =	sdelay $0x1  }
0x1f2: {  	[sflag:s30] =	ssyncset.done $0x0  }
0x1f3: {  	[sflag:s30] =	ssyncadd.s32 $0xFFFFD800  }
0x1f4: {  	_ =	sfence.sel $0x180000  }
0x1f5: {  	[bflag:$0x0] =	sbarrier.arrive $0xFFFF  }
0x1f6: {  	_ =	strace $0x90000047  }
0x1f7: {  	s0 =	stileid.u32;
	[bflag:$0x2] =	sbarrier.arrive $0xFFFF  }
0x1f8: {  	p0 =	sne.s32 s0, $0x0;
	s0 =	rddreg [dreg:$0x1]  }
0x1f9: {  	s0 =	sadd.s32 @!p0 $0x100000, s0  }
0x1fa: {  	[sflag:s0] =	ssyncadd.tile.s32 @!p0 $0x1;
	_ =	shalt  }
.Lfunc_end2:
_tile_overlayer_lowered:
.L_overlay_start_2:
0x1fb: {  	(tag) =	ssettag $0x2  }
0x1fc: {  	s0 =	rddreg [dreg:$0x0];
	s2 =	stileid.u32  }
0x1fd: {  	s1 =	rddreg [dreg:$0x1];
	p0 =	sne.s32 s2, $0x0  }
0x1fe: {  	s3 =	rddreg [dreg:$0x2];
	[bflag:$0x3] =	sbarrier.arrive $0xFFFF;
	s2 =	simm.s32 @!p0 $0x1C03  }
0x1ff: {  	[timem:s3], [sflag:s2] =	dma.local @!p0 [hbm:s0], s1  }
0x200: {  	s0 =	simm.s32 @!p0 $0x3  }
0x201: {  	_ =	swait.ge @!p0 [sflag:s0], s1  }
0x202: {  	s1 =	ssub.s32 @!p0 $0x0, s1;
	[sflag:s0] =	ssyncset.done @!p0 $0x0  }
0x203: {  	[sflag:s0] =	ssyncadd.s32 @!p0 s1  }
0x204: {  	[bflag:$0x3] =	sbarrier.arrive $0xFFFF  }
0x205: {  	_ =	shalt  }

</sc_bundles>
